<compile_context>
chip_gen: v7x
topology: tpu7x:2x2x1
jax: 0.10.2.dev20260603
libtpu: 0.0.44.dev20260713+nightly
codegen_flags: <defaults>
</compile_context>

<pallas_src>
import functools

import jax
import jax.numpy as jnp
from jax import lax
from jax.experimental import pallas as pl
from jax.experimental.pallas import tpu as pltpu
from jax.experimental.pallas import tpu_sc as plsc



def _sc_gather(table, idx_flat):
    n_rows, d = table.shape
    r = idx_flat.shape[0]
    nc, ns = 2, 16
    nw = nc * ns
    chunk = 128
    per_w = r // nw
    j_per_w = per_w // chunk
    idx2 = idx_flat.reshape(r // chunk, chunk)

    mesh = plsc.VectorSubcoreMesh(core_axis_name="c", subcore_axis_name="s")

    @functools.partial(
        pl.kernel,
        out_type=jax.ShapeDtypeStruct((r, d), jnp.float32),
        mesh=mesh,
        scratch_types=[
            pltpu.VMEM((j_per_w, chunk), jnp.int32),
            pltpu.VMEM((2, chunk, d), jnp.float32),
            pltpu.SemaphoreType.DMA,
            pltpu.SemaphoreType.DMA,
            pltpu.SemaphoreType.DMA,
            pltpu.SemaphoreType.DMA,
        ],
    )
    def gather_kernel(table_hbm, idx_hbm, out_hbm, idx_v, rows_v,
                      g0, g1, w0, w1):
        wid = lax.axis_index("s") * nc + lax.axis_index("c")
        gsem = (g0, g1)
        wsem = (w0, w1)
        pltpu.sync_copy(idx_hbm.at[pl.ds(wid * j_per_w, j_per_w)], idx_v)

        gathers = [None, None]
        writes = [None, None]
        gathers[0] = pltpu.async_copy(
            table_hbm.at[idx_v.at[0]], rows_v.at[0], gsem[0])
        for j in range(j_per_w):
            b = j % 2
            if j + 1 < j_per_w:
                if writes[1 - b] is not None:
                    writes[1 - b].wait()
                gathers[1 - b] = pltpu.async_copy(
                    table_hbm.at[idx_v.at[j + 1]], rows_v.at[1 - b],
                    gsem[1 - b])
            gathers[b].wait()
            writes[b] = pltpu.async_copy(
                rows_v.at[b],
                out_hbm.at[pl.ds(wid * per_w + j * chunk, chunk)], wsem[b])
        for w in writes:
            if w is not None:
                w.wait()

    return gather_kernel(table, idx2)



def _tc_compute(caf, W1, b1, W2, b2, Wp3, bp, *, bb=32, interpret=False):
    b, a, d = caf.shape
    hid = W1.shape[1]
    h = W2.shape[1]
    grid = (b // bb,)

    def body(caf_ref, w1_ref, b1_ref, w2_ref, b2_ref, wp_ref, bp_ref, out_ref):
        x2 = caf_ref[...].reshape(bb * a, d)
        h1 = jnp.dot(x2, w1_ref[...], preferred_element_type=jnp.float32)
        h1 = h1 + b1_ref[...]
        h1 = h1 * jax.nn.sigmoid(h1)
        lgt = lax.dot_general(w2_ref[...], h1, (((0,), (1,)), ((), ())),
                              preferred_element_type=jnp.float32)
        lgt = lgt + b2_ref[...]
        m = jnp.max(lgt, axis=0, keepdims=True)
        e = jnp.exp(lgt - m)
        cwt = e / jnp.sum(e, axis=0, keepdims=True)
        col = lax.broadcasted_iota(jnp.int32, (bb, bb * a), 1)
        row = lax.broadcasted_iota(jnp.int32, (bb, bb * a), 0)
        mask = (col // a) == row
        acc = jnp.zeros((bb, d), jnp.float32)
        for hh in range(h):
            cw = jnp.where(mask, cwt[hh][None, :], 0.0)
            wsh = jnp.dot(cw, x2, preferred_element_type=jnp.float32)
            acc = acc + jnp.dot(wsh, wp_ref[hh],
                                preferred_element_type=jnp.float32)
        out = acc + bp_ref[...]
        out_ref[...] = out * jax.nn.sigmoid(out)

    return pl.pallas_call(
        body,
        grid=grid,
        in_specs=[
            pl.BlockSpec((bb, a, d), lambda i: (i, 0, 0)),
            pl.BlockSpec((d, hid), lambda i: (0, 0)),
            pl.BlockSpec((1, hid), lambda i: (0, 0)),
            pl.BlockSpec((hid, h), lambda i: (0, 0)),
            pl.BlockSpec((h, 1), lambda i: (0, 0)),
            pl.BlockSpec((h, d, d), lambda i: (0, 0, 0)),
            pl.BlockSpec((1, d), lambda i: (0, 0)),
        ],
        out_specs=pl.BlockSpec((bb, d), lambda i: (i, 0)),
        out_shape=jax.ShapeDtypeStruct((b, d), jnp.float32),
        interpret=interpret,
    )(caf, W1, b1.reshape(1, hid), W2, b2.reshape(h, 1), Wp3,
      bp.reshape(1, d))


def kernel(atom_fea, crystal_atom_idx, W1, b1, W2, b2, Wp, bp):
    b, a = crystal_atom_idx.shape
    n, d = atom_fea.shape
    h = W2.shape[1]
    caf = _sc_gather(atom_fea, crystal_atom_idx.reshape(-1))
    caf = caf.reshape(b, a, d)
    wp3 = Wp.reshape(h, d, d)
    return _tc_compute(caf, W1, b1, W2, b2, wp3, bp)

# --- scband reference (transcript-rebuilt; emitter-appended) ---
"""Pipeline reference for scband-attention-readout-9929964388802 (READ-ONLY COPY).

The authoritative reference and input builder live on the scoring server;
editing this copy changes nothing except your own understanding.
"""

import jax, jax.numpy as jnp
import numpy as np

N = 100000
B = 1024
A = 96
D = 128
HID = 32
H = 4


def _silu(x):
    return x * jax.nn.sigmoid(x)


def setup_inputs(seed: int = 0) -> dict:
    key = jax.random.key(seed)
    ks = jax.random.split(key, 6)
    atom_fea = jax.random.normal(ks[0], (N, D), dtype=jnp.float32)
    crystal_atom_idx = jax.random.randint(ks[1], (B, A), 0, N, dtype=jnp.int64 if jax.config.jax_enable_x64 else jnp.int32).astype(jnp.int32)
    W1 = jax.random.normal(ks[2], (D, HID), dtype=jnp.float32) * (1.0 / np.sqrt(D))
    b1 = jnp.zeros((HID,), dtype=jnp.float32)
    W2 = jax.random.normal(ks[3], (HID, H), dtype=jnp.float32) * (1.0 / np.sqrt(HID))
    b2 = jnp.zeros((H,), dtype=jnp.float32)
    Wp = jax.random.normal(ks[4], (H * D, D), dtype=jnp.float32) * (1.0 / np.sqrt(H * D))
    bp = jnp.zeros((D,), dtype=jnp.float32)
    return {
        "atom_fea": atom_fea,
        "crystal_atom_idx": crystal_atom_idx,
        "W1": W1,
        "b1": b1,
        "W2": W2,
        "b2": b2,
        "Wp": Wp,
        "bp": bp,
    }


def reference(atom_fea, crystal_atom_idx, W1, b1, W2, b2, Wp, bp):
    # key MLP: Linear -> SiLU -> (Dropout eval=identity) -> Linear
    weights = _silu(atom_fea @ W1 + b1) @ W2 + b2  # [N, H]
    # Gather per-crystal atom features and attention logits
    caf = jnp.take(atom_fea, crystal_atom_idx, axis=0)      # [B, A, D]
    cwl = jnp.take(weights, crystal_atom_idx, axis=0)       # [B, A, H]
    # torch softmax dim=1 on per-crystal [A, H] -> softmax over head dim
    cw = jax.nn.softmax(cwl, axis=-1)                       # [B, A, H]
    # weighted_sum[h] = sum_a cw[:, a, h] * caf[:, a, :]
    ws = jnp.einsum('bah,bad->bhd', cw, caf)                # [B, H, D]
    flat = ws.reshape(ws.shape[0], H * D)                   # [B, H*D]
    # project: Linear -> SiLU -> (Dropout eval=identity)
    out = _silu(flat @ Wp + bp)                             # [B, D]
    return out

if __name__ == "__main__":
    import jax
    _d = setup_inputs()
    print(jax.jit(kernel)(*tuple(_d.values())))

</pallas_src>

<mosaic_0001>
#map = affine_map<(d0, d1) -> (0, 0)>
module attributes {stable_mosaic.version = 14 : i64} {
  func.func @gather_kernel(%arg0: i32, %arg1: i32, %arg2: memref<100000x128xf32, #tpu.memory_space<hbm>>, %arg3: memref<768x128xi32, #tpu.memory_space<hbm>>, %arg4: memref<98304x128xf32, #tpu.memory_space<hbm>>, %arg5: memref<24x128xi32, #tpu.memory_space<vmem>>, %arg6: memref<2x128x128xf32, #tpu.memory_space<vmem>>, %arg7: memref<!tpu.dma_semaphore, #tpu.memory_space<semaphore_mem>>, %arg8: memref<!tpu.dma_semaphore, #tpu.memory_space<semaphore_mem>>, %arg9: memref<!tpu.dma_semaphore, #tpu.memory_space<semaphore_mem>>, %arg10: memref<!tpu.dma_semaphore, #tpu.memory_space<semaphore_mem>>) attributes {dimension_semantics = [#tpu.dimension_semantics<core_parallel>, #tpu.dimension_semantics<subcore_parallel>], iteration_bounds = array<i64: 2, 16>, scalar_prefetch = 0 : i64, scratch_operands = 6 : i64, tpu.core_type = #tpu.core_type<sc_vector_subcore>, window_params = [{transform_indices = #map}, {transform_indices = #map}, {transform_indices = #map}]} {
    %mul3A = arith.constant 2 : i32
    %mul3A_0 = arith.muli %arg1, %mul3A : i32
    %add3A = arith.addi %mul3A_0, %arg0 : i32
    %mul3A_1 = arith.constant 24 : i32
    %mul3A_2 = arith.muli %add3A, %mul3A_1 : i32
    "tpu.region"() ({
      %run_scoped3A = tpu.sem_alloc : memref<!tpu.dma_semaphore, #tpu.memory_space<semaphore_mem>>
      %dma_start3A_1297 = arith.constant 0 : i32
      %dma_start3A_1298 = tpu.memref_slice %arg3[%mul3A_2, %dma_start3A_1297] : memref<768x128xi32, #tpu.memory_space<hbm>> -> memref<24x128xi32, #tpu.memory_space<hbm>>
      %dma_start3A_1299 = arith.constant 0 : i32
      %dma_start3A_1300 = tpu.memref_slice %arg3[%mul3A_2, %dma_start3A_1299] : memref<768x128xi32, #tpu.memory_space<hbm>> -> memref<24x128xi32, #tpu.memory_space<hbm>>
      tpu.enqueue_dma source(%dma_start3A_1300 : memref<24x128xi32, #tpu.memory_space<hbm>>) target(%arg5 : memref<24x128xi32, #tpu.memory_space<vmem>>) target_semaphore(%run_scoped3A : memref<!tpu.dma_semaphore, #tpu.memory_space<semaphore_mem>>)
      %dma_wait3A_1301 = arith.constant 0 : i32
      %dma_wait3A_1302 = tpu.memref_slice %arg3[%mul3A_2, %dma_wait3A_1301] : memref<768x128xi32, #tpu.memory_space<hbm>> -> memref<24x128xi32, #tpu.memory_space<hbm>>
      %dma_wait3A_1303 = arith.constant 0 : i32
      %dma_wait3A_1304 = tpu.memref_slice %arg3[%mul3A_2, %dma_wait3A_1303] : memref<768x128xi32, #tpu.memory_space<hbm>> -> memref<24x128xi32, #tpu.memory_space<hbm>>
      tpu.wait_dma2 semaphore(%run_scoped3A : memref<!tpu.dma_semaphore, #tpu.memory_space<semaphore_mem>>) src(%dma_wait3A_1304 : memref<24x128xi32, #tpu.memory_space<hbm>>) dst(%arg5 : memref<24x128xi32, #tpu.memory_space<vmem>>)
      tpu.yield
    }) : () -> ()
    %dma_start3A = arith.constant 0 : i32
    %dma_start3A_3 = arith.constant 0 : i32
    %dma_start3A_4 = arith.constant 0 : i32
    %dma_start3A_5 = arith.constant 0 : i32
    %dma_start3A_6 = tpu.memref_slice %arg6[%dma_start3A_3, %dma_start3A_4, %dma_start3A_5] : memref<2x128x128xf32, #tpu.memory_space<vmem>> -> memref<1x128x128xf32, #tpu.memory_space<vmem>>
    %dma_start3A_7 = tpu.memref_squeeze %dma_start3A_6 : memref<1x128x128xf32, #tpu.memory_space<vmem>> -> memref<128x128xf32, #tpu.memory_space<vmem>>
    %dma_start3A_8 = arith.constant 0 : i32
    %dma_start3A_9 = tpu.memref_slice %arg5[%dma_start3A, %dma_start3A_8] : memref<24x128xi32, #tpu.memory_space<vmem>> -> memref<1x128xi32, #tpu.memory_space<vmem>>
    %dma_start3A_10 = tpu.memref_squeeze %dma_start3A_9 : memref<1x128xi32, #tpu.memory_space<vmem>> -> memref<128xi32, #tpu.memory_space<vmem>>
    %dma_start3A_11 = arith.constant 0 : i32
    %dma_start3A_12 = arith.constant 0 : i32
    %dma_start3A_13 = tpu.memref_slice %arg2[%dma_start3A_11, %dma_start3A_12] : memref<100000x128xf32, #tpu.memory_space<hbm>> -> memref<100000x128xf32, #tpu.memory_space<hbm>>
    tpu.enqueue_indirect_dma source(%dma_start3A_13 : memref<100000x128xf32, #tpu.memory_space<hbm>>) target(%dma_start3A_7 : memref<128x128xf32, #tpu.memory_space<vmem>>) offsets(%dma_start3A_10 : memref<128xi32, #tpu.memory_space<vmem>>) semaphore(%arg7 : memref<!tpu.dma_semaphore, #tpu.memory_space<semaphore_mem>>)
    %dma_start3A_14 = arith.constant 1 : i32
    %dma_start3A_15 = arith.constant 1 : i32
    %dma_start3A_16 = arith.constant 0 : i32
    %dma_start3A_17 = arith.constant 0 : i32
    %dma_start3A_18 = tpu.memref_slice %arg6[%dma_start3A_15, %dma_start3A_16, %dma_start3A_17] : memref<2x128x128xf32, #tpu.memory_space<vmem>> -> memref<1x128x128xf32, #tpu.memory_space<vmem>>
    %dma_start3A_19 = tpu.memref_squeeze %dma_start3A_18 : memref<1x128x128xf32, #tpu.memory_space<vmem>> -> memref<128x128xf32, #tpu.memory_space<vmem>>
    %dma_start3A_20 = arith.constant 0 : i32
    %dma_start3A_21 = tpu.memref_slice %arg5[%dma_start3A_14, %dma_start3A_20] : memref<24x128xi32, #tpu.memory_space<vmem>> -> memref<1x128xi32, #tpu.memory_space<vmem>>
    %dma_start3A_22 = tpu.memref_squeeze %dma_start3A_21 : memref<1x128xi32, #tpu.memory_space<vmem>> -> memref<128xi32, #tpu.memory_space<vmem>>
    %dma_start3A_23 = arith.constant 0 : i32
    %dma_start3A_24 = arith.constant 0 : i32
    %dma_start3A_25 = tpu.memref_slice %arg2[%dma_start3A_23, %dma_start3A_24] : memref<100000x128xf32, #tpu.memory_space<hbm>> -> memref<100000x128xf32, #tpu.memory_space<hbm>>
    tpu.enqueue_indirect_dma source(%dma_start3A_25 : memref<100000x128xf32, #tpu.memory_space<hbm>>) target(%dma_start3A_19 : memref<128x128xf32, #tpu.memory_space<vmem>>) offsets(%dma_start3A_22 : memref<128xi32, #tpu.memory_space<vmem>>) semaphore(%arg8 : memref<!tpu.dma_semaphore, #tpu.memory_space<semaphore_mem>>)
    %dma_wait3A = arith.constant 0 : i32
    %dma_wait3A_26 = arith.constant 0 : i32
    %dma_wait3A_27 = arith.constant 0 : i32
    %dma_wait3A_28 = arith.constant 0 : i32
    %dma_wait3A_29 = tpu.memref_slice %arg6[%dma_wait3A_26, %dma_wait3A_27, %dma_wait3A_28] : memref<2x128x128xf32, #tpu.memory_space<vmem>> -> memref<1x128x128xf32, #tpu.memory_space<vmem>>
    %dma_wait3A_30 = tpu.memref_squeeze %dma_wait3A_29 : memref<1x128x128xf32, #tpu.memory_space<vmem>> -> memref<128x128xf32, #tpu.memory_space<vmem>>
    %dma_wait3A_31 = arith.constant 0 : i32
    %dma_wait3A_32 = tpu.memref_slice %arg5[%dma_wait3A, %dma_wait3A_31] : memref<24x128xi32, #tpu.memory_space<vmem>> -> memref<1x128xi32, #tpu.memory_space<vmem>>
    %dma_wait3A_33 = tpu.memref_squeeze %dma_wait3A_32 : memref<1x128xi32, #tpu.memory_space<vmem>> -> memref<128xi32, #tpu.memory_space<vmem>>
    %dma_wait3A_34 = arith.constant 0 : i32
    %dma_wait3A_35 = arith.constant 0 : i32
    %dma_wait3A_36 = tpu.memref_slice %arg2[%dma_wait3A_34, %dma_wait3A_35] : memref<100000x128xf32, #tpu.memory_space<hbm>> -> memref<100000x128xf32, #tpu.memory_space<hbm>>
    tpu.wait_indirect_dma semaphore(%arg7 : memref<!tpu.dma_semaphore, #tpu.memory_space<semaphore_mem>>) src(%dma_wait3A_36 : memref<100000x128xf32, #tpu.memory_space<hbm>>) dst(%dma_wait3A_30 : memref<128x128xf32, #tpu.memory_space<vmem>>)
    %mul3A_37 = arith.constant 3072 : i32
    %mul3A_38 = arith.muli %add3A, %mul3A_37 : i32
    %add3A_39 = arith.constant 0 : i32
    %add3A_40 = arith.addi %mul3A_38, %add3A_39 : i32
    %dma_start3A_41 = arith.constant 0 : i32
    %dma_start3A_42 = arith.constant 0 : i32
    %dma_start3A_43 = arith.constant 0 : i32
    %dma_start3A_44 = tpu.memref_slice %arg6[%dma_start3A_41, %dma_start3A_42, %dma_start3A_43] : memref<2x128x128xf32, #tpu.memory_space<vmem>> -> memref<1x128x128xf32, #tpu.memory_space<vmem>>
    %dma_start3A_45 = tpu.memref_squeeze %dma_start3A_44 : memref<1x128x128xf32, #tpu.memory_space<vmem>> -> memref<128x128xf32, #tpu.memory_space<vmem>>
    %dma_start3A_46 = arith.constant 0 : i32
    %dma_start3A_47 = tpu.memref_slice %arg4[%add3A_40, %dma_start3A_46] : memref<98304x128xf32, #tpu.memory_space<hbm>> -> memref<128x128xf32, #tpu.memory_space<hbm>>
    %dma_start3A_48 = arith.constant 0 : i32
    %dma_start3A_49 = tpu.memref_slice %arg4[%add3A_40, %dma_start3A_48] : memref<98304x128xf32, #tpu.memory_space<hbm>> -> memref<128x128xf32, #tpu.memory_space<hbm>>
    %dma_start3A_50 = arith.constant 0 : i32
    %dma_start3A_51 = arith.constant 0 : i32
    %dma_start3A_52 = tpu.memref_slice %arg6[%dma_start3A_41, %dma_start3A_50, %dma_start3A_51] : memref<2x128x128xf32, #tpu.memory_space<vmem>> -> memref<1x128x128xf32, #tpu.memory_space<vmem>>
    %dma_start3A_53 = tpu.memref_squeeze %dma_start3A_52 : memref<1x128x128xf32, #tpu.memory_space<vmem>> -> memref<128x128xf32, #tpu.memory_space<vmem>>
    tpu.enqueue_dma source(%dma_start3A_53 : memref<128x128xf32, #tpu.memory_space<vmem>>) target(%dma_start3A_49 : memref<128x128xf32, #tpu.memory_space<hbm>>) target_semaphore(%arg9 : memref<!tpu.dma_semaphore, #tpu.memory_space<semaphore_mem>>)
    %dma_wait3A_54 = arith.constant 0 : i32
    %dma_wait3A_55 = arith.constant 0 : i32
    %dma_wait3A_56 = arith.constant 0 : i32
    %dma_wait3A_57 = tpu.memref_slice %arg6[%dma_wait3A_54, %dma_wait3A_55, %dma_wait3A_56] : memref<2x128x128xf32, #tpu.memory_space<vmem>> -> memref<1x128x128xf32, #tpu.memory_space<vmem>>
    %dma_wait3A_58 = tpu.memref_squeeze %dma_wait3A_57 : memref<1x128x128xf32, #tpu.memory_space<vmem>> -> memref<128x128xf32, #tpu.memory_space<vmem>>
    %dma_wait3A_59 = arith.constant 0 : i32
    %dma_wait3A_60 = tpu.memref_slice %arg4[%add3A_40, %dma_wait3A_59] : memref<98304x128xf32, #tpu.memory_space<hbm>> -> memref<128x128xf32, #tpu.memory_space<hbm>>
    %dma_wait3A_61 = arith.constant 0 : i32
    %dma_wait3A_62 = tpu.memref_slice %arg4[%add3A_40, %dma_wait3A_61] : memref<98304x128xf32, #tpu.memory_space<hbm>> -> memref<128x128xf32, #tpu.memory_space<hbm>>
    %dma_wait3A_63 = arith.constant 0 : i32
    %dma_wait3A_64 = arith.constant 0 : i32
    %dma_wait3A_65 = tpu.memref_slice %arg6[%dma_wait3A_54, %dma_wait3A_63, %dma_wait3A_64] : memref<2x128x128xf32, #tpu.memory_space<vmem>> -> memref<1x128x128xf32, #tpu.memory_space<vmem>>
    %dma_wait3A_66 = tpu.memref_squeeze %dma_wait3A_65 : memref<1x128x128xf32, #tpu.memory_space<vmem>> -> memref<128x128xf32, #tpu.memory_space<vmem>>
    tpu.wait_dma2 semaphore(%arg9 : memref<!tpu.dma_semaphore, #tpu.memory_space<semaphore_mem>>) src(%dma_wait3A_66 : memref<128x128xf32, #tpu.memory_space<vmem>>) dst(%dma_wait3A_62 : memref<128x128xf32, #tpu.memory_space<hbm>>)
    %dma_start3A_67 = arith.constant 2 : i32
    %dma_start3A_68 = arith.constant 0 : i32
    %dma_start3A_69 = arith.constant 0 : i32
    %dma_start3A_70 = arith.constant 0 : i32
    %dma_start3A_71 = tpu.memref_slice %arg6[%dma_start3A_68, %dma_start3A_69, %dma_start3A_70] : memref<2x128x128xf32, #tpu.memory_space<vmem>> -> memref<1x128x128xf32, #tpu.memory_space<vmem>>
    %dma_start3A_72 = tpu.memref_squeeze %dma_start3A_71 : memref<1x128x128xf32, #tpu.memory_space<vmem>> -> memref<128x128xf32, #tpu.memory_space<vmem>>
    %dma_start3A_73 = arith.constant 0 : i32
    %dma_start3A_74 = tpu.memref_slice %arg5[%dma_start3A_67, %dma_start3A_73] : memref<24x128xi32, #tpu.memory_space<vmem>> -> memref<1x128xi32, #tpu.memory_space<vmem>>
    %dma_start3A_75 = tpu.memref_squeeze %dma_start3A_74 : memref<1x128xi32, #tpu.memory_space<vmem>> -> memref<128xi32, #tpu.memory_space<vmem>>
    %dma_start3A_76 = arith.constant 0 : i32
    %dma_start3A_77 = arith.constant 0 : i32
    %dma_start3A_78 = tpu.memref_slice %arg2[%dma_start3A_76, %dma_start3A_77] : memref<100000x128xf32, #tpu.memory_space<hbm>> -> memref<100000x128xf32, #tpu.memory_space<hbm>>
    tpu.enqueue_indirect_dma source(%dma_start3A_78 : memref<100000x128xf32, #tpu.memory_space<hbm>>) target(%dma_start3A_72 : memref<128x128xf32, #tpu.memory_space<vmem>>) offsets(%dma_start3A_75 : memref<128xi32, #tpu.memory_space<vmem>>) semaphore(%arg7 : memref<!tpu.dma_semaphore, #tpu.memory_space<semaphore_mem>>)
    %dma_wait3A_79 = arith.constant 1 : i32
    %dma_wait3A_80 = arith.constant 1 : i32
    %dma_wait3A_81 = arith.constant 0 : i32
    %dma_wait3A_82 = arith.constant 0 : i32
    %dma_wait3A_83 = tpu.memref_slice %arg6[%dma_wait3A_80, %dma_wait3A_81, %dma_wait3A_82] : memref<2x128x128xf32, #tpu.memory_space<vmem>> -> memref<1x128x128xf32, #tpu.memory_space<vmem>>
    %dma_wait3A_84 = tpu.memref_squeeze %dma_wait3A_83 : memref<1x128x128xf32, #tpu.memory_space<vmem>> -> memref<128x128xf32, #tpu.memory_space<vmem>>
    %dma_wait3A_85 = arith.constant 0 : i32
    %dma_wait3A_86 = tpu.memref_slice %arg5[%dma_wait3A_79, %dma_wait3A_85] : memref<24x128xi32, #tpu.memory_space<vmem>> -> memref<1x128xi32, #tpu.memory_space<vmem>>
    %dma_wait3A_87 = tpu.memref_squeeze %dma_wait3A_86 : memref<1x128xi32, #tpu.memory_space<vmem>> -> memref<128xi32, #tpu.memory_space<vmem>>
    %dma_wait3A_88 = arith.constant 0 : i32
    %dma_wait3A_89 = arith.constant 0 : i32
    %dma_wait3A_90 = tpu.memref_slice %arg2[%dma_wait3A_88, %dma_wait3A_89] : memref<100000x128xf32, #tpu.memory_space<hbm>> -> memref<100000x128xf32, #tpu.memory_space<hbm>>
    tpu.wait_indirect_dma semaphore(%arg8 : memref<!tpu.dma_semaphore, #tpu.memory_space<semaphore_mem>>) src(%dma_wait3A_90 : memref<100000x128xf32, #tpu.memory_space<hbm>>) dst(%dma_wait3A_84 : memref<128x128xf32, #tpu.memory_space<vmem>>)
    %mul3A_91 = arith.constant 3072 : i32
    %mul3A_92 = arith.muli %add3A, %mul3A_91 : i32
    %add3A_93 = arith.constant 128 : i32
    %add3A_94 = arith.addi %mul3A_92, %add3A_93 : i32
    %dma_start3A_95 = arith.constant 1 : i32
    %dma_start3A_96 = arith.constant 0 : i32
    %dma_start3A_97 = arith.constant 0 : i32
    %dma_start3A_98 = tpu.memref_slice %arg6[%dma_start3A_95, %dma_start3A_96, %dma_start3A_97] : memref<2x128x128xf32, #tpu.memory_space<vmem>> -> memref<1x128x128xf32, #tpu.memory_space<vmem>>
    %dma_start3A_99 = tpu.memref_squeeze %dma_start3A_98 : memref<1x128x128xf32, #tpu.memory_space<vmem>> -> memref<128x128xf32, #tpu.memory_space<vmem>>
    %dma_start3A_100 = arith.constant 0 : i32
    %dma_start3A_101 = tpu.memref_slice %arg4[%add3A_94, %dma_start3A_100] : memref<98304x128xf32, #tpu.memory_space<hbm>> -> memref<128x128xf32, #tpu.memory_space<hbm>>
    %dma_start3A_102 = arith.constant 0 : i32
    %dma_start3A_103 = tpu.memref_slice %arg4[%add3A_94, %dma_start3A_102] : memref<98304x128xf32, #tpu.memory_space<hbm>> -> memref<128x128xf32, #tpu.memory_space<hbm>>
    %dma_start3A_104 = arith.constant 0 : i32
    %dma_start3A_105 = arith.constant 0 : i32
    %dma_start3A_106 = tpu.memref_slice %arg6[%dma_start3A_95, %dma_start3A_104, %dma_start3A_105] : memref<2x128x128xf32, #tpu.memory_space<vmem>> -> memref<1x128x128xf32, #tpu.memory_space<vmem>>
    %dma_start3A_107 = tpu.memref_squeeze %dma_start3A_106 : memref<1x128x128xf32, #tpu.memory_space<vmem>> -> memref<128x128xf32, #tpu.memory_space<vmem>>
    tpu.enqueue_dma source(%dma_start3A_107 : memref<128x128xf32, #tpu.memory_space<vmem>>) target(%dma_start3A_103 : memref<128x128xf32, #tpu.memory_space<hbm>>) target_semaphore(%arg10 : memref<!tpu.dma_semaphore, #tpu.memory_space<semaphore_mem>>)
    %dma_wait3A_108 = arith.constant 1 : i32
    %dma_wait3A_109 = arith.constant 0 : i32
    %dma_wait3A_110 = arith.constant 0 : i32
    %dma_wait3A_111 = tpu.memref_slice %arg6[%dma_wait3A_108, %dma_wait3A_109, %dma_wait3A_110] : memref<2x128x128xf32, #tpu.memory_space<vmem>> -> memref<1x128x128xf32, #tpu.memory_space<vmem>>
    %dma_wait3A_112 = tpu.memref_squeeze %dma_wait3A_111 : memref<1x128x128xf32, #tpu.memory_space<vmem>> -> memref<128x128xf32, #tpu.memory_space<vmem>>
    %dma_wait3A_113 = arith.constant 0 : i32
    %dma_wait3A_114 = tpu.memref_slice %arg4[%add3A_94, %dma_wait3A_113] : memref<98304x128xf32, #tpu.memory_space<hbm>> -> memref<128x128xf32, #tpu.memory_space<hbm>>
    %dma_wait3A_115 = arith.constant 0 : i32
    %dma_wait3A_116 = tpu.memref_slice %arg4[%add3A_94, %dma_wait3A_115] : memref<98304x128xf32, #tpu.memory_space<hbm>> -> memref<128x128xf32, #tpu.memory_space<hbm>>
    %dma_wait3A_117 = arith.constant 0 : i32
    %dma_wait3A_118 = arith.constant 0 : i32
    %dma_wait3A_119 = tpu.memref_slice %arg6[%dma_wait3A_108, %dma_wait3A_117, %dma_wait3A_118] : memref<2x128x128xf32, #tpu.memory_space<vmem>> -> memref<1x128x128xf32, #tpu.memory_space<vmem>>
    %dma_wait3A_120 = tpu.memref_squeeze %dma_wait3A_119 : memref<1x128x128xf32, #tpu.memory_space<vmem>> -> memref<128x128xf32, #tpu.memory_space<vmem>>
    tpu.wait_dma2 semaphore(%arg10 : memref<!tpu.dma_semaphore, #tpu.memory_space<semaphore_mem>>) src(%dma_wait3A_120 : memref<128x128xf32, #tpu.memory_space<vmem>>) dst(%dma_wait3A_116 : memref<128x128xf32, #tpu.memory_space<hbm>>)
    %dma_start3A_121 = arith.constant 3 : i32
    %dma_start3A_122 = arith.constant 1 : i32
    %dma_start3A_123 = arith.constant 0 : i32
    %dma_start3A_124 = arith.constant 0 : i32
    %dma_start3A_125 = tpu.memref_slice %arg6[%dma_start3A_122, %dma_start3A_123, %dma_start3A_124] : memref<2x128x128xf32, #tpu.memory_space<vmem>> -> memref<1x128x128xf32, #tpu.memory_space<vmem>>
    %dma_start3A_126 = tpu.memref_squeeze %dma_start3A_125 : memref<1x128x128xf32, #tpu.memory_space<vmem>> -> memref<128x128xf32, #tpu.memory_space<vmem>>
    %dma_start3A_127 = arith.constant 0 : i32
    %dma_start3A_128 = tpu.memref_slice %arg5[%dma_start3A_121, %dma_start3A_127] : memref<24x128xi32, #tpu.memory_space<vmem>> -> memref<1x128xi32, #tpu.memory_space<vmem>>
    %dma_start3A_129 = tpu.memref_squeeze %dma_start3A_128 : memref<1x128xi32, #tpu.memory_space<vmem>> -> memref<128xi32, #tpu.memory_space<vmem>>
    %dma_start3A_130 = arith.constant 0 : i32
    %dma_start3A_131 = arith.constant 0 : i32
    %dma_start3A_132 = tpu.memref_slice %arg2[%dma_start3A_130, %dma_start3A_131] : memref<100000x128xf32, #tpu.memory_space<hbm>> -> memref<100000x128xf32, #tpu.memory_space<hbm>>
    tpu.enqueue_indirect_dma source(%dma_start3A_132 : memref<100000x128xf32, #tpu.memory_space<hbm>>) target(%dma_start3A_126 : memref<128x128xf32, #tpu.memory_space<vmem>>) offsets(%dma_start3A_129 : memref<128xi32, #tpu.memory_space<vmem>>) semaphore(%arg8 : memref<!tpu.dma_semaphore, #tpu.memory_space<semaphore_mem>>)
    %dma_wait3A_133 = arith.constant 2 : i32
    %dma_wait3A_134 = arith.constant 0 : i32
    %dma_wait3A_135 = arith.constant 0 : i32
    %dma_wait3A_136 = arith.constant 0 : i32
    %dma_wait3A_137 = tpu.memref_slice %arg6[%dma_wait3A_134, %dma_wait3A_135, %dma_wait3A_136] : memref<2x128x128xf32, #tpu.memory_space<vmem>> -> memref<1x128x128xf32, #tpu.memory_space<vmem>>
    %dma_wait3A_138 = tpu.memref_squeeze %dma_wait3A_137 : memref<1x128x128xf32, #tpu.memory_space<vmem>> -> memref<128x128xf32, #tpu.memory_space<vmem>>
    %dma_wait3A_139 = arith.constant 0 : i32
    %dma_wait3A_140 = tpu.memref_slice %arg5[%dma_wait3A_133, %dma_wait3A_139] : memref<24x128xi32, #tpu.memory_space<vmem>> -> memref<1x128xi32, #tpu.memory_space<vmem>>
    %dma_wait3A_141 = tpu.memref_squeeze %dma_wait3A_140 : memref<1x128xi32, #tpu.memory_space<vmem>> -> memref<128xi32, #tpu.memory_space<vmem>>
    %dma_wait3A_142 = arith.constant 0 : i32
    %dma_wait3A_143 = arith.constant 0 : i32
    %dma_wait3A_144 = tpu.memref_slice %arg2[%dma_wait3A_142, %dma_wait3A_143] : memref<100000x128xf32, #tpu.memory_space<hbm>> -> memref<100000x128xf32, #tpu.memory_space<hbm>>
    tpu.wait_indirect_dma semaphore(%arg7 : memref<!tpu.dma_semaphore, #tpu.memory_space<semaphore_mem>>) src(%dma_wait3A_144 : memref<100000x128xf32, #tpu.memory_space<hbm>>) dst(%dma_wait3A_138 : memref<128x128xf32, #tpu.memory_space<vmem>>)
    %mul3A_145 = arith.constant 3072 : i32
    %mul3A_146 = arith.muli %add3A, %mul3A_145 : i32
    %add3A_147 = arith.constant 256 : i32
    %add3A_148 = arith.addi %mul3A_146, %add3A_147 : i32
    %dma_start3A_149 = arith.constant 0 : i32
    %dma_start3A_150 = arith.constant 0 : i32
    %dma_start3A_151 = arith.constant 0 : i32
    %dma_start3A_152 = tpu.memref_slice %arg6[%dma_start3A_149, %dma_start3A_150, %dma_start3A_151] : memref<2x128x128xf32, #tpu.memory_space<vmem>> -> memref<1x128x128xf32, #tpu.memory_space<vmem>>
    %dma_start3A_153 = tpu.memref_squeeze %dma_start3A_152 : memref<1x128x128xf32, #tpu.memory_space<vmem>> -> memref<128x128xf32, #tpu.memory_space<vmem>>
    %dma_start3A_154 = arith.constant 0 : i32
    %dma_start3A_155 = tpu.memref_slice %arg4[%add3A_148, %dma_start3A_154] : memref<98304x128xf32, #tpu.memory_space<hbm>> -> memref<128x128xf32, #tpu.memory_space<hbm>>
    %dma_start3A_156 = arith.constant 0 : i32
    %dma_start3A_157 = tpu.memref_slice %arg4[%add3A_148, %dma_start3A_156] : memref<98304x128xf32, #tpu.memory_space<hbm>> -> memref<128x128xf32, #tpu.memory_space<hbm>>
    %dma_start3A_158 = arith.constant 0 : i32
    %dma_start3A_159 = arith.constant 0 : i32
    %dma_start3A_160 = tpu.memref_slice %arg6[%dma_start3A_149, %dma_start3A_158, %dma_start3A_159] : memref<2x128x128xf32, #tpu.memory_space<vmem>> -> memref<1x128x128xf32, #tpu.memory_space<vmem>>
    %dma_start3A_161 = tpu.memref_squeeze %dma_start3A_160 : memref<1x128x128xf32, #tpu.memory_space<vmem>> -> memref<128x128xf32, #tpu.memory_space<vmem>>
    tpu.enqueue_dma source(%dma_start3A_161 : memref<128x128xf32, #tpu.memory_space<vmem>>) target(%dma_start3A_157 : memref<128x128xf32, #tpu.memory_space<hbm>>) target_semaphore(%arg9 : memref<!tpu.dma_semaphore, #tpu.memory_space<semaphore_mem>>)
    %dma_wait3A_162 = arith.constant 0 : i32
    %dma_wait3A_163 = arith.constant 0 : i32
    %dma_wait3A_164 = arith.constant 0 : i32
    %dma_wait3A_165 = tpu.memref_slice %arg6[%dma_wait3A_162, %dma_wait3A_163, %dma_wait3A_164] : memref<2x128x128xf32, #tpu.memory_space<vmem>> -> memref<1x128x128xf32, #tpu.memory_space<vmem>>
    %dma_wait3A_166 = tpu.memref_squeeze %dma_wait3A_165 : memref<1x128x128xf32, #tpu.memory_space<vmem>> -> memref<128x128xf32, #tpu.memory_space<vmem>>
    %dma_wait3A_167 = arith.constant 0 : i32
    %dma_wait3A_168 = tpu.memref_slice %arg4[%add3A_148, %dma_wait3A_167] : memref<98304x128xf32, #tpu.memory_space<hbm>> -> memref<128x128xf32, #tpu.memory_space<hbm>>
    %dma_wait3A_169 = arith.constant 0 : i32
    %dma_wait3A_170 = tpu.memref_slice %arg4[%add3A_148, %dma_wait3A_169] : memref<98304x128xf32, #tpu.memory_space<hbm>> -> memref<128x128xf32, #tpu.memory_space<hbm>>
    %dma_wait3A_171 = arith.constant 0 : i32
    %dma_wait3A_172 = arith.constant 0 : i32
    %dma_wait3A_173 = tpu.memref_slice %arg6[%dma_wait3A_162, %dma_wait3A_171, %dma_wait3A_172] : memref<2x128x128xf32, #tpu.memory_space<vmem>> -> memref<1x128x128xf32, #tpu.memory_space<vmem>>
    %dma_wait3A_174 = tpu.memref_squeeze %dma_wait3A_173 : memref<1x128x128xf32, #tpu.memory_space<vmem>> -> memref<128x128xf32, #tpu.memory_space<vmem>>
    tpu.wait_dma2 semaphore(%arg9 : memref<!tpu.dma_semaphore, #tpu.memory_space<semaphore_mem>>) src(%dma_wait3A_174 : memref<128x128xf32, #tpu.memory_space<vmem>>) dst(%dma_wait3A_170 : memref<128x128xf32, #tpu.memory_space<hbm>>)
    %dma_start3A_175 = arith.constant 4 : i32
    %dma_start3A_176 = arith.constant 0 : i32
    %dma_start3A_177 = arith.constant 0 : i32
    %dma_start3A_178 = arith.constant 0 : i32
    %dma_start3A_179 = tpu.memref_slice %arg6[%dma_start3A_176, %dma_start3A_177, %dma_start3A_178] : memref<2x128x128xf32, #tpu.memory_space<vmem>> -> memref<1x128x128xf32, #tpu.memory_space<vmem>>
    %dma_start3A_180 = tpu.memref_squeeze %dma_start3A_179 : memref<1x128x128xf32, #tpu.memory_space<vmem>> -> memref<128x128xf32, #tpu.memory_space<vmem>>
    %dma_start3A_181 = arith.constant 0 : i32
    %dma_start3A_182 = tpu.memref_slice %arg5[%dma_start3A_175, %dma_start3A_181] : memref<24x128xi32, #tpu.memory_space<vmem>> -> memref<1x128xi32, #tpu.memory_space<vmem>>
    %dma_start3A_183 = tpu.memref_squeeze %dma_start3A_182 : memref<1x128xi32, #tpu.memory_space<vmem>> -> memref<128xi32, #tpu.memory_space<vmem>>
    %dma_start3A_184 = arith.constant 0 : i32
    %dma_start3A_185 = arith.constant 0 : i32
    %dma_start3A_186 = tpu.memref_slice %arg2[%dma_start3A_184, %dma_start3A_185] : memref<100000x128xf32, #tpu.memory_space<hbm>> -> memref<100000x128xf32, #tpu.memory_space<hbm>>
    tpu.enqueue_indirect_dma source(%dma_start3A_186 : memref<100000x128xf32, #tpu.memory_space<hbm>>) target(%dma_start3A_180 : memref<128x128xf32, #tpu.memory_space<vmem>>) offsets(%dma_start3A_183 : memref<128xi32, #tpu.memory_space<vmem>>) semaphore(%arg7 : memref<!tpu.dma_semaphore, #tpu.memory_space<semaphore_mem>>)
    %dma_wait3A_187 = arith.constant 3 : i32
    %dma_wait3A_188 = arith.constant 1 : i32
    %dma_wait3A_189 = arith.constant 0 : i32
    %dma_wait3A_190 = arith.constant 0 : i32
    %dma_wait3A_191 = tpu.memref_slice %arg6[%dma_wait3A_188, %dma_wait3A_189, %dma_wait3A_190] : memref<2x128x128xf32, #tpu.memory_space<vmem>> -> memref<1x128x128xf32, #tpu.memory_space<vmem>>
    %dma_wait3A_192 = tpu.memref_squeeze %dma_wait3A_191 : memref<1x128x128xf32, #tpu.memory_space<vmem>> -> memref<128x128xf32, #tpu.memory_space<vmem>>
    %dma_wait3A_193 = arith.constant 0 : i32
    %dma_wait3A_194 = tpu.memref_slice %arg5[%dma_wait3A_187, %dma_wait3A_193] : memref<24x128xi32, #tpu.memory_space<vmem>> -> memref<1x128xi32, #tpu.memory_space<vmem>>
    %dma_wait3A_195 = tpu.memref_squeeze %dma_wait3A_194 : memref<1x128xi32, #tpu.memory_space<vmem>> -> memref<128xi32, #tpu.memory_space<vmem>>
    %dma_wait3A_196 = arith.constant 0 : i32
    %dma_wait3A_197 = arith.constant 0 : i32
    %dma_wait3A_198 = tpu.memref_slice %arg2[%dma_wait3A_196, %dma_wait3A_197] : memref<100000x128xf32, #tpu.memory_space<hbm>> -> memref<100000x128xf32, #tpu.memory_space<hbm>>
    tpu.wait_indirect_dma semaphore(%arg8 : memref<!tpu.dma_semaphore, #tpu.memory_space<semaphore_mem>>) src(%dma_wait3A_198 : memref<100000x128xf32, #tpu.memory_space<hbm>>) dst(%dma_wait3A_192 : memref<128x128xf32, #tpu.memory_space<vmem>>)
    %mul3A_199 = arith.constant 3072 : i32
    %mul3A_200 = arith.muli %add3A, %mul3A_199 : i32
    %add3A_201 = arith.constant 384 : i32
    %add3A_202 = arith.addi %mul3A_200, %add3A_201 : i32
    %dma_start3A_203 = arith.constant 1 : i32
    %dma_start3A_204 = arith.constant 0 : i32
    %dma_start3A_205 = arith.constant 0 : i32
    %dma_start3A_206 = tpu.memref_slice %arg6[%dma_start3A_203, %dma_start3A_204, %dma_start3A_205] : memref<2x128x128xf32, #tpu.memory_space<vmem>> -> memref<1x128x128xf32, #tpu.memory_space<vmem>>
    %dma_start3A_207 = tpu.memref_squeeze %dma_start3A_206 : memref<1x128x128xf32, #tpu.memory_space<vmem>> -> memref<128x128xf32, #tpu.memory_space<vmem>>
    %dma_start3A_208 = arith.constant 0 : i32
    %dma_start3A_209 = tpu.memref_slice %arg4[%add3A_202, %dma_start3A_208] : memref<98304x128xf32, #tpu.memory_space<hbm>> -> memref<128x128xf32, #tpu.memory_space<hbm>>
    %dma_start3A_210 = arith.constant 0 : i32
    %dma_start3A_211 = tpu.memref_slice %arg4[%add3A_202, %dma_start3A_210] : memref<98304x128xf32, #tpu.memory_space<hbm>> -> memref<128x128xf32, #tpu.memory_space<hbm>>
    %dma_start3A_212 = arith.constant 0 : i32
    %dma_start3A_213 = arith.constant 0 : i32
    %dma_start3A_214 = tpu.memref_slice %arg6[%dma_start3A_203, %dma_start3A_212, %dma_start3A_213] : memref<2x128x128xf32, #tpu.memory_space<vmem>> -> memref<1x128x128xf32, #tpu.memory_space<vmem>>
    %dma_start3A_215 = tpu.memref_squeeze %dma_start3A_214 : memref<1x128x128xf32, #tpu.memory_space<vmem>> -> memref<128x128xf32, #tpu.memory_space<vmem>>
    tpu.enqueue_dma source(%dma_start3A_215 : memref<128x128xf32, #tpu.memory_space<vmem>>) target(%dma_start3A_211 : memref<128x128xf32, #tpu.memory_space<hbm>>) target_semaphore(%arg10 : memref<!tpu.dma_semaphore, #tpu.memory_space<semaphore_mem>>)
    %dma_wait3A_216 = arith.constant 1 : i32
    %dma_wait3A_217 = arith.constant 0 : i32
    %dma_wait3A_218 = arith.constant 0 : i32
    %dma_wait3A_219 = tpu.memref_slice %arg6[%dma_wait3A_216, %dma_wait3A_217, %dma_wait3A_218] : memref<2x128x128xf32, #tpu.memory_space<vmem>> -> memref<1x128x128xf32, #tpu.memory_space<vmem>>
    %dma_wait3A_220 = tpu.memref_squeeze %dma_wait3A_219 : memref<1x128x128xf32, #tpu.memory_space<vmem>> -> memref<128x128xf32, #tpu.memory_space<vmem>>
    %dma_wait3A_221 = arith.constant 0 : i32
    %dma_wait3A_222 = tpu.memref_slice %arg4[%add3A_202, %dma_wait3A_221] : memref<98304x128xf32, #tpu.memory_space<hbm>> -> memref<128x128xf32, #tpu.memory_space<hbm>>
    %dma_wait3A_223 = arith.constant 0 : i32
    %dma_wait3A_224 = tpu.memref_slice %arg4[%add3A_202, %dma_wait3A_223] : memref<98304x128xf32, #tpu.memory_space<hbm>> -> memref<128x128xf32, #tpu.memory_space<hbm>>
    %dma_wait3A_225 = arith.constant 0 : i32
    %dma_wait3A_226 = arith.constant 0 : i32
    %dma_wait3A_227 = tpu.memref_slice %arg6[%dma_wait3A_216, %dma_wait3A_225, %dma_wait3A_226] : memref<2x128x128xf32, #tpu.memory_space<vmem>> -> memref<1x128x128xf32, #tpu.memory_space<vmem>>
    %dma_wait3A_228 = tpu.memref_squeeze %dma_wait3A_227 : memref<1x128x128xf32, #tpu.memory_space<vmem>> -> memref<128x128xf32, #tpu.memory_space<vmem>>
    tpu.wait_dma2 semaphore(%arg10 : memref<!tpu.dma_semaphore, #tpu.memory_space<semaphore_mem>>) src(%dma_wait3A_228 : memref<128x128xf32, #tpu.memory_space<vmem>>) dst(%dma_wait3A_224 : memref<128x128xf32, #tpu.memory_space<hbm>>)
    %dma_start3A_229 = arith.constant 5 : i32
    %dma_start3A_230 = arith.constant 1 : i32
    %dma_start3A_231 = arith.constant 0 : i32
    %dma_start3A_232 = arith.constant 0 : i32
    %dma_start3A_233 = tpu.memref_slice %arg6[%dma_start3A_230, %dma_start3A_231, %dma_start3A_232] : memref<2x128x128xf32, #tpu.memory_space<vmem>> -> memref<1x128x128xf32, #tpu.memory_space<vmem>>
    %dma_start3A_234 = tpu.memref_squeeze %dma_start3A_233 : memref<1x128x128xf32, #tpu.memory_space<vmem>> -> memref<128x128xf32, #tpu.memory_space<vmem>>
    %dma_start3A_235 = arith.constant 0 : i32
    %dma_start3A_236 = tpu.memref_slice %arg5[%dma_start3A_229, %dma_start3A_235] : memref<24x128xi32, #tpu.memory_space<vmem>> -> memref<1x128xi32, #tpu.memory_space<vmem>>
    %dma_start3A_237 = tpu.memref_squeeze %dma_start3A_236 : memref<1x128xi32, #tpu.memory_space<vmem>> -> memref<128xi32, #tpu.memory_space<vmem>>
    %dma_start3A_238 = arith.constant 0 : i32
    %dma_start3A_239 = arith.constant 0 : i32
    %dma_start3A_240 = tpu.memref_slice %arg2[%dma_start3A_238, %dma_start3A_239] : memref<100000x128xf32, #tpu.memory_space<hbm>> -> memref<100000x128xf32, #tpu.memory_space<hbm>>
    tpu.enqueue_indirect_dma source(%dma_start3A_240 : memref<100000x128xf32, #tpu.memory_space<hbm>>) target(%dma_start3A_234 : memref<128x128xf32, #tpu.memory_space<vmem>>) offsets(%dma_start3A_237 : memref<128xi32, #tpu.memory_space<vmem>>) semaphore(%arg8 : memref<!tpu.dma_semaphore, #tpu.memory_space<semaphore_mem>>)
    %dma_wait3A_241 = arith.constant 4 : i32
    %dma_wait3A_242 = arith.constant 0 : i32
    %dma_wait3A_243 = arith.constant 0 : i32
    %dma_wait3A_244 = arith.constant 0 : i32
    %dma_wait3A_245 = tpu.memref_slice %arg6[%dma_wait3A_242, %dma_wait3A_243, %dma_wait3A_244] : memref<2x128x128xf32, #tpu.memory_space<vmem>> -> memref<1x128x128xf32, #tpu.memory_space<vmem>>
    %dma_wait3A_246 = tpu.memref_squeeze %dma_wait3A_245 : memref<1x128x128xf32, #tpu.memory_space<vmem>> -> memref<128x128xf32, #tpu.memory_space<vmem>>
    %dma_wait3A_247 = arith.constant 0 : i32
    %dma_wait3A_248 = tpu.memref_slice %arg5[%dma_wait3A_241, %dma_wait3A_247] : memref<24x128xi32, #tpu.memory_space<vmem>> -> memref<1x128xi32, #tpu.memory_space<vmem>>
    %dma_wait3A_249 = tpu.memref_squeeze %dma_wait3A_248 : memref<1x128xi32, #tpu.memory_space<vmem>> -> memref<128xi32, #tpu.memory_space<vmem>>
    %dma_wait3A_250 = arith.constant 0 : i32
    %dma_wait3A_251 = arith.constant 0 : i32
    %dma_wait3A_252 = tpu.memref_slice %arg2[%dma_wait3A_250, %dma_wait3A_251] : memref<100000x128xf32, #tpu.memory_space<hbm>> -> memref<100000x128xf32, #tpu.memory_space<hbm>>
    tpu.wait_indirect_dma semaphore(%arg7 : memref<!tpu.dma_semaphore, #tpu.memory_space<semaphore_mem>>) src(%dma_wait3A_252 : memref<100000x128xf32, #tpu.memory_space<hbm>>) dst(%dma_wait3A_246 : memref<128x128xf32, #tpu.memory_space<vmem>>)
    %mul3A_253 = arith.constant 3072 : i32
    %mul3A_254 = arith.muli %add3A, %mul3A_253 : i32
    %add3A_255 = arith.constant 512 : i32
    %add3A_256 = arith.addi %mul3A_254, %add3A_255 : i32
    %dma_start3A_257 = arith.constant 0 : i32
    %dma_start3A_258 = arith.constant 0 : i32
    %dma_start3A_259 = arith.constant 0 : i32
    %dma_start3A_260 = tpu.memref_slice %arg6[%dma_start3A_257, %dma_start3A_258, %dma_start3A_259] : memref<2x128x128xf32, #tpu.memory_space<vmem>> -> memref<1x128x128xf32, #tpu.memory_space<vmem>>
    %dma_start3A_261 = tpu.memref_squeeze %dma_start3A_260 : memref<1x128x128xf32, #tpu.memory_space<vmem>> -> memref<128x128xf32, #tpu.memory_space<vmem>>
    %dma_start3A_262 = arith.constant 0 : i32
    %dma_start3A_263 = tpu.memref_slice %arg4[%add3A_256, %dma_start3A_262] : memref<98304x128xf32, #tpu.memory_space<hbm>> -> memref<128x128xf32, #tpu.memory_space<hbm>>
    %dma_start3A_264 = arith.constant 0 : i32
    %dma_start3A_265 = tpu.memref_slice %arg4[%add3A_256, %dma_start3A_264] : memref<98304x128xf32, #tpu.memory_space<hbm>> -> memref<128x128xf32, #tpu.memory_space<hbm>>
    %dma_start3A_266 = arith.constant 0 : i32
    %dma_start3A_267 = arith.constant 0 : i32
    %dma_start3A_268 = tpu.memref_slice %arg6[%dma_start3A_257, %dma_start3A_266, %dma_start3A_267] : memref<2x128x128xf32, #tpu.memory_space<vmem>> -> memref<1x128x128xf32, #tpu.memory_space<vmem>>
    %dma_start3A_269 = tpu.memref_squeeze %dma_start3A_268 : memref<1x128x128xf32, #tpu.memory_space<vmem>> -> memref<128x128xf32, #tpu.memory_space<vmem>>
    tpu.enqueue_dma source(%dma_start3A_269 : memref<128x128xf32, #tpu.memory_space<vmem>>) target(%dma_start3A_265 : memref<128x128xf32, #tpu.memory_space<hbm>>) target_semaphore(%arg9 : memref<!tpu.dma_semaphore, #tpu.memory_space<semaphore_mem>>)
    %dma_wait3A_270 = arith.constant 0 : i32
    %dma_wait3A_271 = arith.constant 0 : i32
    %dma_wait3A_272 = arith.constant 0 : i32
    %dma_wait3A_273 = tpu.memref_slice %arg6[%dma_wait3A_270, %dma_wait3A_271, %dma_wait3A_272] : memref<2x128x128xf32, #tpu.memory_space<vmem>> -> memref<1x128x128xf32, #tpu.memory_space<vmem>>
    %dma_wait3A_274 = tpu.memref_squeeze %dma_wait3A_273 : memref<1x128x128xf32, #tpu.memory_space<vmem>> -> memref<128x128xf32, #tpu.memory_space<vmem>>
    %dma_wait3A_275 = arith.constant 0 : i32
    %dma_wait3A_276 = tpu.memref_slice %arg4[%add3A_256, %dma_wait3A_275] : memref<98304x128xf32, #tpu.memory_space<hbm>> -> memref<128x128xf32, #tpu.memory_space<hbm>>
    %dma_wait3A_277 = arith.constant 0 : i32
    %dma_wait3A_278 = tpu.memref_slice %arg4[%add3A_256, %dma_wait3A_277] : memref<98304x128xf32, #tpu.memory_space<hbm>> -> memref<128x128xf32, #tpu.memory_space<hbm>>
    %dma_wait3A_279 = arith.constant 0 : i32
    %dma_wait3A_280 = arith.constant 0 : i32
    %dma_wait3A_281 = tpu.memref_slice %arg6[%dma_wait3A_270, %dma_wait3A_279, %dma_wait3A_280] : memref<2x128x128xf32, #tpu.memory_space<vmem>> -> memref<1x128x128xf32, #tpu.memory_space<vmem>>
    %dma_wait3A_282 = tpu.memref_squeeze %dma_wait3A_281 : memref<1x128x128xf32, #tpu.memory_space<vmem>> -> memref<128x128xf32, #tpu.memory_space<vmem>>
    tpu.wait_dma2 semaphore(%arg9 : memref<!tpu.dma_semaphore, #tpu.memory_space<semaphore_mem>>) src(%dma_wait3A_282 : memref<128x128xf32, #tpu.memory_space<vmem>>) dst(%dma_wait3A_278 : memref<128x128xf32, #tpu.memory_space<hbm>>)
    %dma_start3A_283 = arith.constant 6 : i32
    %dma_start3A_284 = arith.constant 0 : i32
    %dma_start3A_285 = arith.constant 0 : i32
    %dma_start3A_286 = arith.constant 0 : i32
    %dma_start3A_287 = tpu.memref_slice %arg6[%dma_start3A_284, %dma_start3A_285, %dma_start3A_286] : memref<2x128x128xf32, #tpu.memory_space<vmem>> -> memref<1x128x128xf32, #tpu.memory_space<vmem>>
    %dma_start3A_288 = tpu.memref_squeeze %dma_start3A_287 : memref<1x128x128xf32, #tpu.memory_space<vmem>> -> memref<128x128xf32, #tpu.memory_space<vmem>>
    %dma_start3A_289 = arith.constant 0 : i32
    %dma_start3A_290 = tpu.memref_slice %arg5[%dma_start3A_283, %dma_start3A_289] : memref<24x128xi32, #tpu.memory_space<vmem>> -> memref<1x128xi32, #tpu.memory_space<vmem>>
    %dma_start3A_291 = tpu.memref_squeeze %dma_start3A_290 : memref<1x128xi32, #tpu.memory_space<vmem>> -> memref<128xi32, #tpu.memory_space<vmem>>
    %dma_start3A_292 = arith.constant 0 : i32
    %dma_start3A_293 = arith.constant 0 : i32
    %dma_start3A_294 = tpu.memref_slice %arg2[%dma_start3A_292, %dma_start3A_293] : memref<100000x128xf32, #tpu.memory_space<hbm>> -> memref<100000x128xf32, #tpu.memory_space<hbm>>
    tpu.enqueue_indirect_dma source(%dma_start3A_294 : memref<100000x128xf32, #tpu.memory_space<hbm>>) target(%dma_start3A_288 : memref<128x128xf32, #tpu.memory_space<vmem>>) offsets(%dma_start3A_291 : memref<128xi32, #tpu.memory_space<vmem>>) semaphore(%arg7 : memref<!tpu.dma_semaphore, #tpu.memory_space<semaphore_mem>>)
    %dma_wait3A_295 = arith.constant 5 : i32
    %dma_wait3A_296 = arith.constant 1 : i32
    %dma_wait3A_297 = arith.constant 0 : i32
    %dma_wait3A_298 = arith.constant 0 : i32
    %dma_wait3A_299 = tpu.memref_slice %arg6[%dma_wait3A_296, %dma_wait3A_297, %dma_wait3A_298] : memref<2x128x128xf32, #tpu.memory_space<vmem>> -> memref<1x128x128xf32, #tpu.memory_space<vmem>>
    %dma_wait3A_300 = tpu.memref_squeeze %dma_wait3A_299 : memref<1x128x128xf32, #tpu.memory_space<vmem>> -> memref<128x128xf32, #tpu.memory_space<vmem>>
    %dma_wait3A_301 = arith.constant 0 : i32
    %dma_wait3A_302 = tpu.memref_slice %arg5[%dma_wait3A_295, %dma_wait3A_301] : memref<24x128xi32, #tpu.memory_space<vmem>> -> memref<1x128xi32, #tpu.memory_space<vmem>>
    %dma_wait3A_303 = tpu.memref_squeeze %dma_wait3A_302 : memref<1x128xi32, #tpu.memory_space<vmem>> -> memref<128xi32, #tpu.memory_space<vmem>>
    %dma_wait3A_304 = arith.constant 0 : i32
    %dma_wait3A_305 = arith.constant 0 : i32
    %dma_wait3A_306 = tpu.memref_slice %arg2[%dma_wait3A_304, %dma_wait3A_305] : memref<100000x128xf32, #tpu.memory_space<hbm>> -> memref<100000x128xf32, #tpu.memory_space<hbm>>
    tpu.wait_indirect_dma semaphore(%arg8 : memref<!tpu.dma_semaphore, #tpu.memory_space<semaphore_mem>>) src(%dma_wait3A_306 : memref<100000x128xf32, #tpu.memory_space<hbm>>) dst(%dma_wait3A_300 : memref<128x128xf32, #tpu.memory_space<vmem>>)
    %mul3A_307 = arith.constant 3072 : i32
    %mul3A_308 = arith.muli %add3A, %mul3A_307 : i32
    %add3A_309 = arith.constant 640 : i32
    %add3A_310 = arith.addi %mul3A_308, %add3A_309 : i32
    %dma_start3A_311 = arith.constant 1 : i32
    %dma_start3A_312 = arith.constant 0 : i32
    %dma_start3A_313 = arith.constant 0 : i32
    %dma_start3A_314 = tpu.memref_slice %arg6[%dma_start3A_311, %dma_start3A_312, %dma_start3A_313] : memref<2x128x128xf32, #tpu.memory_space<vmem>> -> memref<1x128x128xf32, #tpu.memory_space<vmem>>
    %dma_start3A_315 = tpu.memref_squeeze %dma_start3A_314 : memref<1x128x128xf32, #tpu.memory_space<vmem>> -> memref<128x128xf32, #tpu.memory_space<vmem>>
    %dma_start3A_316 = arith.constant 0 : i32
    %dma_start3A_317 = tpu.memref_slice %arg4[%add3A_310, %dma_start3A_316] : memref<98304x128xf32, #tpu.memory_space<hbm>> -> memref<128x128xf32, #tpu.memory_space<hbm>>
    %dma_start3A_318 = arith.constant 0 : i32
    %dma_start3A_319 = tpu.memref_slice %arg4[%add3A_310, %dma_start3A_318] : memref<98304x128xf32, #tpu.memory_space<hbm>> -> memref<128x128xf32, #tpu.memory_space<hbm>>
    %dma_start3A_320 = arith.constant 0 : i32
    %dma_start3A_321 = arith.constant 0 : i32
    %dma_start3A_322 = tpu.memref_slice %arg6[%dma_start3A_311, %dma_start3A_320, %dma_start3A_321] : memref<2x128x128xf32, #tpu.memory_space<vmem>> -> memref<1x128x128xf32, #tpu.memory_space<vmem>>
    %dma_start3A_323 = tpu.memref_squeeze %dma_start3A_322 : memref<1x128x128xf32, #tpu.memory_space<vmem>> -> memref<128x128xf32, #tpu.memory_space<vmem>>
    tpu.enqueue_dma source(%dma_start3A_323 : memref<128x128xf32, #tpu.memory_space<vmem>>) target(%dma_start3A_319 : memref<128x128xf32, #tpu.memory_space<hbm>>) target_semaphore(%arg10 : memref<!tpu.dma_semaphore, #tpu.memory_space<semaphore_mem>>)
    %dma_wait3A_324 = arith.constant 1 : i32
    %dma_wait3A_325 = arith.constant 0 : i32
    %dma_wait3A_326 = arith.constant 0 : i32
    %dma_wait3A_327 = tpu.memref_slice %arg6[%dma_wait3A_324, %dma_wait3A_325, %dma_wait3A_326] : memref<2x128x128xf32, #tpu.memory_space<vmem>> -> memref<1x128x128xf32, #tpu.memory_space<vmem>>
    %dma_wait3A_328 = tpu.memref_squeeze %dma_wait3A_327 : memref<1x128x128xf32, #tpu.memory_space<vmem>> -> memref<128x128xf32, #tpu.memory_space<vmem>>
    %dma_wait3A_329 = arith.constant 0 : i32
    %dma_wait3A_330 = tpu.memref_slice %arg4[%add3A_310, %dma_wait3A_329] : memref<98304x128xf32, #tpu.memory_space<hbm>> -> memref<128x128xf32, #tpu.memory_space<hbm>>
    %dma_wait3A_331 = arith.constant 0 : i32
    %dma_wait3A_332 = tpu.memref_slice %arg4[%add3A_310, %dma_wait3A_331] : memref<98304x128xf32, #tpu.memory_space<hbm>> -> memref<128x128xf32, #tpu.memory_space<hbm>>
    %dma_wait3A_333 = arith.constant 0 : i32
    %dma_wait3A_334 = arith.constant 0 : i32
    %dma_wait3A_335 = tpu.memref_slice %arg6[%dma_wait3A_324, %dma_wait3A_333, %dma_wait3A_334] : memref<2x128x128xf32, #tpu.memory_space<vmem>> -> memref<1x128x128xf32, #tpu.memory_space<vmem>>
    %dma_wait3A_336 = tpu.memref_squeeze %dma_wait3A_335 : memref<1x128x128xf32, #tpu.memory_space<vmem>> -> memref<128x128xf32, #tpu.memory_space<vmem>>
    tpu.wait_dma2 semaphore(%arg10 : memref<!tpu.dma_semaphore, #tpu.memory_space<semaphore_mem>>) src(%dma_wait3A_336 : memref<128x128xf32, #tpu.memory_space<vmem>>) dst(%dma_wait3A_332 : memref<128x128xf32, #tpu.memory_space<hbm>>)
    %dma_start3A_337 = arith.constant 7 : i32
    %dma_start3A_338 = arith.constant 1 : i32
    %dma_start3A_339 = arith.constant 0 : i32
    %dma_start3A_340 = arith.constant 0 : i32
    %dma_start3A_341 = tpu.memref_slice %arg6[%dma_start3A_338, %dma_start3A_339, %dma_start3A_340] : memref<2x128x128xf32, #tpu.memory_space<vmem>> -> memref<1x128x128xf32, #tpu.memory_space<vmem>>
    %dma_start3A_342 = tpu.memref_squeeze %dma_start3A_341 : memref<1x128x128xf32, #tpu.memory_space<vmem>> -> memref<128x128xf32, #tpu.memory_space<vmem>>
    %dma_start3A_343 = arith.constant 0 : i32
    %dma_start3A_344 = tpu.memref_slice %arg5[%dma_start3A_337, %dma_start3A_343] : memref<24x128xi32, #tpu.memory_space<vmem>> -> memref<1x128xi32, #tpu.memory_space<vmem>>
    %dma_start3A_345 = tpu.memref_squeeze %dma_start3A_344 : memref<1x128xi32, #tpu.memory_space<vmem>> -> memref<128xi32, #tpu.memory_space<vmem>>
    %dma_start3A_346 = arith.constant 0 : i32
    %dma_start3A_347 = arith.constant 0 : i32
    %dma_start3A_348 = tpu.memref_slice %arg2[%dma_start3A_346, %dma_start3A_347] : memref<100000x128xf32, #tpu.memory_space<hbm>> -> memref<100000x128xf32, #tpu.memory_space<hbm>>
    tpu.enqueue_indirect_dma source(%dma_start3A_348 : memref<100000x128xf32, #tpu.memory_space<hbm>>) target(%dma_start3A_342 : memref<128x128xf32, #tpu.memory_space<vmem>>) offsets(%dma_start3A_345 : memref<128xi32, #tpu.memory_space<vmem>>) semaphore(%arg8 : memref<!tpu.dma_semaphore, #tpu.memory_space<semaphore_mem>>)
    %dma_wait3A_349 = arith.constant 6 : i32
    %dma_wait3A_350 = arith.constant 0 : i32
    %dma_wait3A_351 = arith.constant 0 : i32
    %dma_wait3A_352 = arith.constant 0 : i32
    %dma_wait3A_353 = tpu.memref_slice %arg6[%dma_wait3A_350, %dma_wait3A_351, %dma_wait3A_352] : memref<2x128x128xf32, #tpu.memory_space<vmem>> -> memref<1x128x128xf32, #tpu.memory_space<vmem>>
    %dma_wait3A_354 = tpu.memref_squeeze %dma_wait3A_353 : memref<1x128x128xf32, #tpu.memory_space<vmem>> -> memref<128x128xf32, #tpu.memory_space<vmem>>
    %dma_wait3A_355 = arith.constant 0 : i32
    %dma_wait3A_356 = tpu.memref_slice %arg5[%dma_wait3A_349, %dma_wait3A_355] : memref<24x128xi32, #tpu.memory_space<vmem>> -> memref<1x128xi32, #tpu.memory_space<vmem>>
    %dma_wait3A_357 = tpu.memref_squeeze %dma_wait3A_356 : memref<1x128xi32, #tpu.memory_space<vmem>> -> memref<128xi32, #tpu.memory_space<vmem>>
    %dma_wait3A_358 = arith.constant 0 : i32
    %dma_wait3A_359 = arith.constant 0 : i32
    %dma_wait3A_360 = tpu.memref_slice %arg2[%dma_wait3A_358, %dma_wait3A_359] : memref<100000x128xf32, #tpu.memory_space<hbm>> -> memref<100000x128xf32, #tpu.memory_space<hbm>>
    tpu.wait_indirect_dma semaphore(%arg7 : memref<!tpu.dma_semaphore, #tpu.memory_space<semaphore_mem>>) src(%dma_wait3A_360 : memref<100000x128xf32, #tpu.memory_space<hbm>>) dst(%dma_wait3A_354 : memref<128x128xf32, #tpu.memory_space<vmem>>)
    %mul3A_361 = arith.constant 3072 : i32
    %mul3A_362 = arith.muli %add3A, %mul3A_361 : i32
    %add3A_363 = arith.constant 768 : i32
    %add3A_364 = arith.addi %mul3A_362, %add3A_363 : i32
    %dma_start3A_365 = arith.constant 0 : i32
    %dma_start3A_366 = arith.constant 0 : i32
    %dma_start3A_367 = arith.constant 0 : i32
    %dma_start3A_368 = tpu.memref_slice %arg6[%dma_start3A_365, %dma_start3A_366, %dma_start3A_367] : memref<2x128x128xf32, #tpu.memory_space<vmem>> -> memref<1x128x128xf32, #tpu.memory_space<vmem>>
    %dma_start3A_369 = tpu.memref_squeeze %dma_start3A_368 : memref<1x128x128xf32, #tpu.memory_space<vmem>> -> memref<128x128xf32, #tpu.memory_space<vmem>>
    %dma_start3A_370 = arith.constant 0 : i32
    %dma_start3A_371 = tpu.memref_slice %arg4[%add3A_364, %dma_start3A_370] : memref<98304x128xf32, #tpu.memory_space<hbm>> -> memref<128x128xf32, #tpu.memory_space<hbm>>
    %dma_start3A_372 = arith.constant 0 : i32
    %dma_start3A_373 = tpu.memref_slice %arg4[%add3A_364, %dma_start3A_372] : memref<98304x128xf32, #tpu.memory_space<hbm>> -> memref<128x128xf32, #tpu.memory_space<hbm>>
    %dma_start3A_374 = arith.constant 0 : i32
    %dma_start3A_375 = arith.constant 0 : i32
    %dma_start3A_376 = tpu.memref_slice %arg6[%dma_start3A_365, %dma_start3A_374, %dma_start3A_375] : memref<2x128x128xf32, #tpu.memory_space<vmem>> -> memref<1x128x128xf32, #tpu.memory_space<vmem>>
    %dma_start3A_377 = tpu.memref_squeeze %dma_start3A_376 : memref<1x128x128xf32, #tpu.memory_space<vmem>> -> memref<128x128xf32, #tpu.memory_space<vmem>>
    tpu.enqueue_dma source(%dma_start3A_377 : memref<128x128xf32, #tpu.memory_space<vmem>>) target(%dma_start3A_373 : memref<128x128xf32, #tpu.memory_space<hbm>>) target_semaphore(%arg9 : memref<!tpu.dma_semaphore, #tpu.memory_space<semaphore_mem>>)
    %dma_wait3A_378 = arith.constant 0 : i32
    %dma_wait3A_379 = arith.constant 0 : i32
    %dma_wait3A_380 = arith.constant 0 : i32
    %dma_wait3A_381 = tpu.memref_slice %arg6[%dma_wait3A_378, %dma_wait3A_379, %dma_wait3A_380] : memref<2x128x128xf32, #tpu.memory_space<vmem>> -> memref<1x128x128xf32, #tpu.memory_space<vmem>>
    %dma_wait3A_382 = tpu.memref_squeeze %dma_wait3A_381 : memref<1x128x128xf32, #tpu.memory_space<vmem>> -> memref<128x128xf32, #tpu.memory_space<vmem>>
    %dma_wait3A_383 = arith.constant 0 : i32
    %dma_wait3A_384 = tpu.memref_slice %arg4[%add3A_364, %dma_wait3A_383] : memref<98304x128xf32, #tpu.memory_space<hbm>> -> memref<128x128xf32, #tpu.memory_space<hbm>>
    %dma_wait3A_385 = arith.constant 0 : i32
    %dma_wait3A_386 = tpu.memref_slice %arg4[%add3A_364, %dma_wait3A_385] : memref<98304x128xf32, #tpu.memory_space<hbm>> -> memref<128x128xf32, #tpu.memory_space<hbm>>
    %dma_wait3A_387 = arith.constant 0 : i32
    %dma_wait3A_388 = arith.constant 0 : i32
    %dma_wait3A_389 = tpu.memref_slice %arg6[%dma_wait3A_378, %dma_wait3A_387, %dma_wait3A_388] : memref<2x128x128xf32, #tpu.memory_space<vmem>> -> memref<1x128x128xf32, #tpu.memory_space<vmem>>
    %dma_wait3A_390 = tpu.memref_squeeze %dma_wait3A_389 : memref<1x128x128xf32, #tpu.memory_space<vmem>> -> memref<128x128xf32, #tpu.memory_space<vmem>>
    tpu.wait_dma2 semaphore(%arg9 : memref<!tpu.dma_semaphore, #tpu.memory_space<semaphore_mem>>) src(%dma_wait3A_390 : memref<128x128xf32, #tpu.memory_space<vmem>>) dst(%dma_wait3A_386 : memref<128x128xf32, #tpu.memory_space<hbm>>)
    %dma_start3A_391 = arith.constant 8 : i32
    %dma_start3A_392 = arith.constant 0 : i32
    %dma_start3A_393 = arith.constant 0 : i32
    %dma_start3A_394 = arith.constant 0 : i32
    %dma_start3A_395 = tpu.memref_slice %arg6[%dma_start3A_392, %dma_start3A_393, %dma_start3A_394] : memref<2x128x128xf32, #tpu.memory_space<vmem>> -> memref<1x128x128xf32, #tpu.memory_space<vmem>>
    %dma_start3A_396 = tpu.memref_squeeze %dma_start3A_395 : memref<1x128x128xf32, #tpu.memory_space<vmem>> -> memref<128x128xf32, #tpu.memory_space<vmem>>
    %dma_start3A_397 = arith.constant 0 : i32
    %dma_start3A_398 = tpu.memref_slice %arg5[%dma_start3A_391, %dma_start3A_397] : memref<24x128xi32, #tpu.memory_space<vmem>> -> memref<1x128xi32, #tpu.memory_space<vmem>>
    %dma_start3A_399 = tpu.memref_squeeze %dma_start3A_398 : memref<1x128xi32, #tpu.memory_space<vmem>> -> memref<128xi32, #tpu.memory_space<vmem>>
    %dma_start3A_400 = arith.constant 0 : i32
    %dma_start3A_401 = arith.constant 0 : i32
    %dma_start3A_402 = tpu.memref_slice %arg2[%dma_start3A_400, %dma_start3A_401] : memref<100000x128xf32, #tpu.memory_space<hbm>> -> memref<100000x128xf32, #tpu.memory_space<hbm>>
    tpu.enqueue_indirect_dma source(%dma_start3A_402 : memref<100000x128xf32, #tpu.memory_space<hbm>>) target(%dma_start3A_396 : memref<128x128xf32, #tpu.memory_space<vmem>>) offsets(%dma_start3A_399 : memref<128xi32, #tpu.memory_space<vmem>>) semaphore(%arg7 : memref<!tpu.dma_semaphore, #tpu.memory_space<semaphore_mem>>)
    %dma_wait3A_403 = arith.constant 7 : i32
    %dma_wait3A_404 = arith.constant 1 : i32
    %dma_wait3A_405 = arith.constant 0 : i32
    %dma_wait3A_406 = arith.constant 0 : i32
    %dma_wait3A_407 = tpu.memref_slice %arg6[%dma_wait3A_404, %dma_wait3A_405, %dma_wait3A_406] : memref<2x128x128xf32, #tpu.memory_space<vmem>> -> memref<1x128x128xf32, #tpu.memory_space<vmem>>
    %dma_wait3A_408 = tpu.memref_squeeze %dma_wait3A_407 : memref<1x128x128xf32, #tpu.memory_space<vmem>> -> memref<128x128xf32, #tpu.memory_space<vmem>>
    %dma_wait3A_409 = arith.constant 0 : i32
    %dma_wait3A_410 = tpu.memref_slice %arg5[%dma_wait3A_403, %dma_wait3A_409] : memref<24x128xi32, #tpu.memory_space<vmem>> -> memref<1x128xi32, #tpu.memory_space<vmem>>
    %dma_wait3A_411 = tpu.memref_squeeze %dma_wait3A_410 : memref<1x128xi32, #tpu.memory_space<vmem>> -> memref<128xi32, #tpu.memory_space<vmem>>
    %dma_wait3A_412 = arith.constant 0 : i32
    %dma_wait3A_413 = arith.constant 0 : i32
    %dma_wait3A_414 = tpu.memref_slice %arg2[%dma_wait3A_412, %dma_wait3A_413] : memref<100000x128xf32, #tpu.memory_space<hbm>> -> memref<100000x128xf32, #tpu.memory_space<hbm>>
    tpu.wait_indirect_dma semaphore(%arg8 : memref<!tpu.dma_semaphore, #tpu.memory_space<semaphore_mem>>) src(%dma_wait3A_414 : memref<100000x128xf32, #tpu.memory_space<hbm>>) dst(%dma_wait3A_408 : memref<128x128xf32, #tpu.memory_space<vmem>>)
    %mul3A_415 = arith.constant 3072 : i32
    %mul3A_416 = arith.muli %add3A, %mul3A_415 : i32
    %add3A_417 = arith.constant 896 : i32
    %add3A_418 = arith.addi %mul3A_416, %add3A_417 : i32
    %dma_start3A_419 = arith.constant 1 : i32
    %dma_start3A_420 = arith.constant 0 : i32
    %dma_start3A_421 = arith.constant 0 : i32
    %dma_start3A_422 = tpu.memref_slice %arg6[%dma_start3A_419, %dma_start3A_420, %dma_start3A_421] : memref<2x128x128xf32, #tpu.memory_space<vmem>> -> memref<1x128x128xf32, #tpu.memory_space<vmem>>
    %dma_start3A_423 = tpu.memref_squeeze %dma_start3A_422 : memref<1x128x128xf32, #tpu.memory_space<vmem>> -> memref<128x128xf32, #tpu.memory_space<vmem>>
    %dma_start3A_424 = arith.constant 0 : i32
    %dma_start3A_425 = tpu.memref_slice %arg4[%add3A_418, %dma_start3A_424] : memref<98304x128xf32, #tpu.memory_space<hbm>> -> memref<128x128xf32, #tpu.memory_space<hbm>>
    %dma_start3A_426 = arith.constant 0 : i32
    %dma_start3A_427 = tpu.memref_slice %arg4[%add3A_418, %dma_start3A_426] : memref<98304x128xf32, #tpu.memory_space<hbm>> -> memref<128x128xf32, #tpu.memory_space<hbm>>
    %dma_start3A_428 = arith.constant 0 : i32
    %dma_start3A_429 = arith.constant 0 : i32
    %dma_start3A_430 = tpu.memref_slice %arg6[%dma_start3A_419, %dma_start3A_428, %dma_start3A_429] : memref<2x128x128xf32, #tpu.memory_space<vmem>> -> memref<1x128x128xf32, #tpu.memory_space<vmem>>
    %dma_start3A_431 = tpu.memref_squeeze %dma_start3A_430 : memref<1x128x128xf32, #tpu.memory_space<vmem>> -> memref<128x128xf32, #tpu.memory_space<vmem>>
    tpu.enqueue_dma source(%dma_start3A_431 : memref<128x128xf32, #tpu.memory_space<vmem>>) target(%dma_start3A_427 : memref<128x128xf32, #tpu.memory_space<hbm>>) target_semaphore(%arg10 : memref<!tpu.dma_semaphore, #tpu.memory_space<semaphore_mem>>)
    %dma_wait3A_432 = arith.constant 1 : i32
    %dma_wait3A_433 = arith.constant 0 : i32
    %dma_wait3A_434 = arith.constant 0 : i32
    %dma_wait3A_435 = tpu.memref_slice %arg6[%dma_wait3A_432, %dma_wait3A_433, %dma_wait3A_434] : memref<2x128x128xf32, #tpu.memory_space<vmem>> -> memref<1x128x128xf32, #tpu.memory_space<vmem>>
    %dma_wait3A_436 = tpu.memref_squeeze %dma_wait3A_435 : memref<1x128x128xf32, #tpu.memory_space<vmem>> -> memref<128x128xf32, #tpu.memory_space<vmem>>
    %dma_wait3A_437 = arith.constant 0 : i32
    %dma_wait3A_438 = tpu.memref_slice %arg4[%add3A_418, %dma_wait3A_437] : memref<98304x128xf32, #tpu.memory_space<hbm>> -> memref<128x128xf32, #tpu.memory_space<hbm>>
    %dma_wait3A_439 = arith.constant 0 : i32
    %dma_wait3A_440 = tpu.memref_slice %arg4[%add3A_418, %dma_wait3A_439] : memref<98304x128xf32, #tpu.memory_space<hbm>> -> memref<128x128xf32, #tpu.memory_space<hbm>>
    %dma_wait3A_441 = arith.constant 0 : i32
    %dma_wait3A_442 = arith.constant 0 : i32
    %dma_wait3A_443 = tpu.memref_slice %arg6[%dma_wait3A_432, %dma_wait3A_441, %dma_wait3A_442] : memref<2x128x128xf32, #tpu.memory_space<vmem>> -> memref<1x128x128xf32, #tpu.memory_space<vmem>>
    %dma_wait3A_444 = tpu.memref_squeeze %dma_wait3A_443 : memref<1x128x128xf32, #tpu.memory_space<vmem>> -> memref<128x128xf32, #tpu.memory_space<vmem>>
    tpu.wait_dma2 semaphore(%arg10 : memref<!tpu.dma_semaphore, #tpu.memory_space<semaphore_mem>>) src(%dma_wait3A_444 : memref<128x128xf32, #tpu.memory_space<vmem>>) dst(%dma_wait3A_440 : memref<128x128xf32, #tpu.memory_space<hbm>>)
    %dma_start3A_445 = arith.constant 9 : i32
    %dma_start3A_446 = arith.constant 1 : i32
    %dma_start3A_447 = arith.constant 0 : i32
    %dma_start3A_448 = arith.constant 0 : i32
    %dma_start3A_449 = tpu.memref_slice %arg6[%dma_start3A_446, %dma_start3A_447, %dma_start3A_448] : memref<2x128x128xf32, #tpu.memory_space<vmem>> -> memref<1x128x128xf32, #tpu.memory_space<vmem>>
    %dma_start3A_450 = tpu.memref_squeeze %dma_start3A_449 : memref<1x128x128xf32, #tpu.memory_space<vmem>> -> memref<128x128xf32, #tpu.memory_space<vmem>>
    %dma_start3A_451 = arith.constant 0 : i32
    %dma_start3A_452 = tpu.memref_slice %arg5[%dma_start3A_445, %dma_start3A_451] : memref<24x128xi32, #tpu.memory_space<vmem>> -> memref<1x128xi32, #tpu.memory_space<vmem>>
    %dma_start3A_453 = tpu.memref_squeeze %dma_start3A_452 : memref<1x128xi32, #tpu.memory_space<vmem>> -> memref<128xi32, #tpu.memory_space<vmem>>
    %dma_start3A_454 = arith.constant 0 : i32
    %dma_start3A_455 = arith.constant 0 : i32
    %dma_start3A_456 = tpu.memref_slice %arg2[%dma_start3A_454, %dma_start3A_455] : memref<100000x128xf32, #tpu.memory_space<hbm>> -> memref<100000x128xf32, #tpu.memory_space<hbm>>
    tpu.enqueue_indirect_dma source(%dma_start3A_456 : memref<100000x128xf32, #tpu.memory_space<hbm>>) target(%dma_start3A_450 : memref<128x128xf32, #tpu.memory_space<vmem>>) offsets(%dma_start3A_453 : memref<128xi32, #tpu.memory_space<vmem>>) semaphore(%arg8 : memref<!tpu.dma_semaphore, #tpu.memory_space<semaphore_mem>>)
    %dma_wait3A_457 = arith.constant 8 : i32
    %dma_wait3A_458 = arith.constant 0 : i32
    %dma_wait3A_459 = arith.constant 0 : i32
    %dma_wait3A_460 = arith.constant 0 : i32
    %dma_wait3A_461 = tpu.memref_slice %arg6[%dma_wait3A_458, %dma_wait3A_459, %dma_wait3A_460] : memref<2x128x128xf32, #tpu.memory_space<vmem>> -> memref<1x128x128xf32, #tpu.memory_space<vmem>>
    %dma_wait3A_462 = tpu.memref_squeeze %dma_wait3A_461 : memref<1x128x128xf32, #tpu.memory_space<vmem>> -> memref<128x128xf32, #tpu.memory_space<vmem>>
    %dma_wait3A_463 = arith.constant 0 : i32
    %dma_wait3A_464 = tpu.memref_slice %arg5[%dma_wait3A_457, %dma_wait3A_463] : memref<24x128xi32, #tpu.memory_space<vmem>> -> memref<1x128xi32, #tpu.memory_space<vmem>>
    %dma_wait3A_465 = tpu.memref_squeeze %dma_wait3A_464 : memref<1x128xi32, #tpu.memory_space<vmem>> -> memref<128xi32, #tpu.memory_space<vmem>>
    %dma_wait3A_466 = arith.constant 0 : i32
    %dma_wait3A_467 = arith.constant 0 : i32
    %dma_wait3A_468 = tpu.memref_slice %arg2[%dma_wait3A_466, %dma_wait3A_467] : memref<100000x128xf32, #tpu.memory_space<hbm>> -> memref<100000x128xf32, #tpu.memory_space<hbm>>
    tpu.wait_indirect_dma semaphore(%arg7 : memref<!tpu.dma_semaphore, #tpu.memory_space<semaphore_mem>>) src(%dma_wait3A_468 : memref<100000x128xf32, #tpu.memory_space<hbm>>) dst(%dma_wait3A_462 : memref<128x128xf32, #tpu.memory_space<vmem>>)
    %mul3A_469 = arith.constant 3072 : i32
    %mul3A_470 = arith.muli %add3A, %mul3A_469 : i32
    %add3A_471 = arith.constant 1024 : i32
    %add3A_472 = arith.addi %mul3A_470, %add3A_471 : i32
    %dma_start3A_473 = arith.constant 0 : i32
    %dma_start3A_474 = arith.constant 0 : i32
    %dma_start3A_475 = arith.constant 0 : i32
    %dma_start3A_476 = tpu.memref_slice %arg6[%dma_start3A_473, %dma_start3A_474, %dma_start3A_475] : memref<2x128x128xf32, #tpu.memory_space<vmem>> -> memref<1x128x128xf32, #tpu.memory_space<vmem>>
    %dma_start3A_477 = tpu.memref_squeeze %dma_start3A_476 : memref<1x128x128xf32, #tpu.memory_space<vmem>> -> memref<128x128xf32, #tpu.memory_space<vmem>>
    %dma_start3A_478 = arith.constant 0 : i32
    %dma_start3A_479 = tpu.memref_slice %arg4[%add3A_472, %dma_start3A_478] : memref<98304x128xf32, #tpu.memory_space<hbm>> -> memref<128x128xf32, #tpu.memory_space<hbm>>
    %dma_start3A_480 = arith.constant 0 : i32
    %dma_start3A_481 = tpu.memref_slice %arg4[%add3A_472, %dma_start3A_480] : memref<98304x128xf32, #tpu.memory_space<hbm>> -> memref<128x128xf32, #tpu.memory_space<hbm>>
    %dma_start3A_482 = arith.constant 0 : i32
    %dma_start3A_483 = arith.constant 0 : i32
    %dma_start3A_484 = tpu.memref_slice %arg6[%dma_start3A_473, %dma_start3A_482, %dma_start3A_483] : memref<2x128x128xf32, #tpu.memory_space<vmem>> -> memref<1x128x128xf32, #tpu.memory_space<vmem>>
    %dma_start3A_485 = tpu.memref_squeeze %dma_start3A_484 : memref<1x128x128xf32, #tpu.memory_space<vmem>> -> memref<128x128xf32, #tpu.memory_space<vmem>>
    tpu.enqueue_dma source(%dma_start3A_485 : memref<128x128xf32, #tpu.memory_space<vmem>>) target(%dma_start3A_481 : memref<128x128xf32, #tpu.memory_space<hbm>>) target_semaphore(%arg9 : memref<!tpu.dma_semaphore, #tpu.memory_space<semaphore_mem>>)
    %dma_wait3A_486 = arith.constant 0 : i32
    %dma_wait3A_487 = arith.constant 0 : i32
    %dma_wait3A_488 = arith.constant 0 : i32
    %dma_wait3A_489 = tpu.memref_slice %arg6[%dma_wait3A_486, %dma_wait3A_487, %dma_wait3A_488] : memref<2x128x128xf32, #tpu.memory_space<vmem>> -> memref<1x128x128xf32, #tpu.memory_space<vmem>>
    %dma_wait3A_490 = tpu.memref_squeeze %dma_wait3A_489 : memref<1x128x128xf32, #tpu.memory_space<vmem>> -> memref<128x128xf32, #tpu.memory_space<vmem>>
    %dma_wait3A_491 = arith.constant 0 : i32
    %dma_wait3A_492 = tpu.memref_slice %arg4[%add3A_472, %dma_wait3A_491] : memref<98304x128xf32, #tpu.memory_space<hbm>> -> memref<128x128xf32, #tpu.memory_space<hbm>>
    %dma_wait3A_493 = arith.constant 0 : i32
    %dma_wait3A_494 = tpu.memref_slice %arg4[%add3A_472, %dma_wait3A_493] : memref<98304x128xf32, #tpu.memory_space<hbm>> -> memref<128x128xf32, #tpu.memory_space<hbm>>
    %dma_wait3A_495 = arith.constant 0 : i32
    %dma_wait3A_496 = arith.constant 0 : i32
    %dma_wait3A_497 = tpu.memref_slice %arg6[%dma_wait3A_486, %dma_wait3A_495, %dma_wait3A_496] : memref<2x128x128xf32, #tpu.memory_space<vmem>> -> memref<1x128x128xf32, #tpu.memory_space<vmem>>
    %dma_wait3A_498 = tpu.memref_squeeze %dma_wait3A_497 : memref<1x128x128xf32, #tpu.memory_space<vmem>> -> memref<128x128xf32, #tpu.memory_space<vmem>>
    tpu.wait_dma2 semaphore(%arg9 : memref<!tpu.dma_semaphore, #tpu.memory_space<semaphore_mem>>) src(%dma_wait3A_498 : memref<128x128xf32, #tpu.memory_space<vmem>>) dst(%dma_wait3A_494 : memref<128x128xf32, #tpu.memory_space<hbm>>)
    %dma_start3A_499 = arith.constant 10 : i32
    %dma_start3A_500 = arith.constant 0 : i32
    %dma_start3A_501 = arith.constant 0 : i32
    %dma_start3A_502 = arith.constant 0 : i32
    %dma_start3A_503 = tpu.memref_slice %arg6[%dma_start3A_500, %dma_start3A_501, %dma_start3A_502] : memref<2x128x128xf32, #tpu.memory_space<vmem>> -> memref<1x128x128xf32, #tpu.memory_space<vmem>>
    %dma_start3A_504 = tpu.memref_squeeze %dma_start3A_503 : memref<1x128x128xf32, #tpu.memory_space<vmem>> -> memref<128x128xf32, #tpu.memory_space<vmem>>
    %dma_start3A_505 = arith.constant 0 : i32
    %dma_start3A_506 = tpu.memref_slice %arg5[%dma_start3A_499, %dma_start3A_505] : memref<24x128xi32, #tpu.memory_space<vmem>> -> memref<1x128xi32, #tpu.memory_space<vmem>>
    %dma_start3A_507 = tpu.memref_squeeze %dma_start3A_506 : memref<1x128xi32, #tpu.memory_space<vmem>> -> memref<128xi32, #tpu.memory_space<vmem>>
    %dma_start3A_508 = arith.constant 0 : i32
    %dma_start3A_509 = arith.constant 0 : i32
    %dma_start3A_510 = tpu.memref_slice %arg2[%dma_start3A_508, %dma_start3A_509] : memref<100000x128xf32, #tpu.memory_space<hbm>> -> memref<100000x128xf32, #tpu.memory_space<hbm>>
    tpu.enqueue_indirect_dma source(%dma_start3A_510 : memref<100000x128xf32, #tpu.memory_space<hbm>>) target(%dma_start3A_504 : memref<128x128xf32, #tpu.memory_space<vmem>>) offsets(%dma_start3A_507 : memref<128xi32, #tpu.memory_space<vmem>>) semaphore(%arg7 : memref<!tpu.dma_semaphore, #tpu.memory_space<semaphore_mem>>)
    %dma_wait3A_511 = arith.constant 9 : i32
    %dma_wait3A_512 = arith.constant 1 : i32
    %dma_wait3A_513 = arith.constant 0 : i32
    %dma_wait3A_514 = arith.constant 0 : i32
    %dma_wait3A_515 = tpu.memref_slice %arg6[%dma_wait3A_512, %dma_wait3A_513, %dma_wait3A_514] : memref<2x128x128xf32, #tpu.memory_space<vmem>> -> memref<1x128x128xf32, #tpu.memory_space<vmem>>
    %dma_wait3A_516 = tpu.memref_squeeze %dma_wait3A_515 : memref<1x128x128xf32, #tpu.memory_space<vmem>> -> memref<128x128xf32, #tpu.memory_space<vmem>>
    %dma_wait3A_517 = arith.constant 0 : i32
    %dma_wait3A_518 = tpu.memref_slice %arg5[%dma_wait3A_511, %dma_wait3A_517] : memref<24x128xi32, #tpu.memory_space<vmem>> -> memref<1x128xi32, #tpu.memory_space<vmem>>
    %dma_wait3A_519 = tpu.memref_squeeze %dma_wait3A_518 : memref<1x128xi32, #tpu.memory_space<vmem>> -> memref<128xi32, #tpu.memory_space<vmem>>
    %dma_wait3A_520 = arith.constant 0 : i32
    %dma_wait3A_521 = arith.constant 0 : i32
    %dma_wait3A_522 = tpu.memref_slice %arg2[%dma_wait3A_520, %dma_wait3A_521] : memref<100000x128xf32, #tpu.memory_space<hbm>> -> memref<100000x128xf32, #tpu.memory_space<hbm>>
    tpu.wait_indirect_dma semaphore(%arg8 : memref<!tpu.dma_semaphore, #tpu.memory_space<semaphore_mem>>) src(%dma_wait3A_522 : memref<100000x128xf32, #tpu.memory_space<hbm>>) dst(%dma_wait3A_516 : memref<128x128xf32, #tpu.memory_space<vmem>>)
    %mul3A_523 = arith.constant 3072 : i32
    %mul3A_524 = arith.muli %add3A, %mul3A_523 : i32
    %add3A_525 = arith.constant 1152 : i32
    %add3A_526 = arith.addi %mul3A_524, %add3A_525 : i32
    %dma_start3A_527 = arith.constant 1 : i32
    %dma_start3A_528 = arith.constant 0 : i32
    %dma_start3A_529 = arith.constant 0 : i32
    %dma_start3A_530 = tpu.memref_slice %arg6[%dma_start3A_527, %dma_start3A_528, %dma_start3A_529] : memref<2x128x128xf32, #tpu.memory_space<vmem>> -> memref<1x128x128xf32, #tpu.memory_space<vmem>>
    %dma_start3A_531 = tpu.memref_squeeze %dma_start3A_530 : memref<1x128x128xf32, #tpu.memory_space<vmem>> -> memref<128x128xf32, #tpu.memory_space<vmem>>
    %dma_start3A_532 = arith.constant 0 : i32
    %dma_start3A_533 = tpu.memref_slice %arg4[%add3A_526, %dma_start3A_532] : memref<98304x128xf32, #tpu.memory_space<hbm>> -> memref<128x128xf32, #tpu.memory_space<hbm>>
    %dma_start3A_534 = arith.constant 0 : i32
    %dma_start3A_535 = tpu.memref_slice %arg4[%add3A_526, %dma_start3A_534] : memref<98304x128xf32, #tpu.memory_space<hbm>> -> memref<128x128xf32, #tpu.memory_space<hbm>>
    %dma_start3A_536 = arith.constant 0 : i32
    %dma_start3A_537 = arith.constant 0 : i32
    %dma_start3A_538 = tpu.memref_slice %arg6[%dma_start3A_527, %dma_start3A_536, %dma_start3A_537] : memref<2x128x128xf32, #tpu.memory_space<vmem>> -> memref<1x128x128xf32, #tpu.memory_space<vmem>>
    %dma_start3A_539 = tpu.memref_squeeze %dma_start3A_538 : memref<1x128x128xf32, #tpu.memory_space<vmem>> -> memref<128x128xf32, #tpu.memory_space<vmem>>
    tpu.enqueue_dma source(%dma_start3A_539 : memref<128x128xf32, #tpu.memory_space<vmem>>) target(%dma_start3A_535 : memref<128x128xf32, #tpu.memory_space<hbm>>) target_semaphore(%arg10 : memref<!tpu.dma_semaphore, #tpu.memory_space<semaphore_mem>>)
    %dma_wait3A_540 = arith.constant 1 : i32
    %dma_wait3A_541 = arith.constant 0 : i32
    %dma_wait3A_542 = arith.constant 0 : i32
    %dma_wait3A_543 = tpu.memref_slice %arg6[%dma_wait3A_540, %dma_wait3A_541, %dma_wait3A_542] : memref<2x128x128xf32, #tpu.memory_space<vmem>> -> memref<1x128x128xf32, #tpu.memory_space<vmem>>
    %dma_wait3A_544 = tpu.memref_squeeze %dma_wait3A_543 : memref<1x128x128xf32, #tpu.memory_space<vmem>> -> memref<128x128xf32, #tpu.memory_space<vmem>>
    %dma_wait3A_545 = arith.constant 0 : i32
    %dma_wait3A_546 = tpu.memref_slice %arg4[%add3A_526, %dma_wait3A_545] : memref<98304x128xf32, #tpu.memory_space<hbm>> -> memref<128x128xf32, #tpu.memory_space<hbm>>
    %dma_wait3A_547 = arith.constant 0 : i32
    %dma_wait3A_548 = tpu.memref_slice %arg4[%add3A_526, %dma_wait3A_547] : memref<98304x128xf32, #tpu.memory_space<hbm>> -> memref<128x128xf32, #tpu.memory_space<hbm>>
    %dma_wait3A_549 = arith.constant 0 : i32
    %dma_wait3A_550 = arith.constant 0 : i32
    %dma_wait3A_551 = tpu.memref_slice %arg6[%dma_wait3A_540, %dma_wait3A_549, %dma_wait3A_550] : memref<2x128x128xf32, #tpu.memory_space<vmem>> -> memref<1x128x128xf32, #tpu.memory_space<vmem>>
    %dma_wait3A_552 = tpu.memref_squeeze %dma_wait3A_551 : memref<1x128x128xf32, #tpu.memory_space<vmem>> -> memref<128x128xf32, #tpu.memory_space<vmem>>
    tpu.wait_dma2 semaphore(%arg10 : memref<!tpu.dma_semaphore, #tpu.memory_space<semaphore_mem>>) src(%dma_wait3A_552 : memref<128x128xf32, #tpu.memory_space<vmem>>) dst(%dma_wait3A_548 : memref<128x128xf32, #tpu.memory_space<hbm>>)
    %dma_start3A_553 = arith.constant 11 : i32
    %dma_start3A_554 = arith.constant 1 : i32
    %dma_start3A_555 = arith.constant 0 : i32
    %dma_start3A_556 = arith.constant 0 : i32
    %dma_start3A_557 = tpu.memref_slice %arg6[%dma_start3A_554, %dma_start3A_555, %dma_start3A_556] : memref<2x128x128xf32, #tpu.memory_space<vmem>> -> memref<1x128x128xf32, #tpu.memory_space<vmem>>
    %dma_start3A_558 = tpu.memref_squeeze %dma_start3A_557 : memref<1x128x128xf32, #tpu.memory_space<vmem>> -> memref<128x128xf32, #tpu.memory_space<vmem>>
    %dma_start3A_559 = arith.constant 0 : i32
    %dma_start3A_560 = tpu.memref_slice %arg5[%dma_start3A_553, %dma_start3A_559] : memref<24x128xi32, #tpu.memory_space<vmem>> -> memref<1x128xi32, #tpu.memory_space<vmem>>
    %dma_start3A_561 = tpu.memref_squeeze %dma_start3A_560 : memref<1x128xi32, #tpu.memory_space<vmem>> -> memref<128xi32, #tpu.memory_space<vmem>>
    %dma_start3A_562 = arith.constant 0 : i32
    %dma_start3A_563 = arith.constant 0 : i32
    %dma_start3A_564 = tpu.memref_slice %arg2[%dma_start3A_562, %dma_start3A_563] : memref<100000x128xf32, #tpu.memory_space<hbm>> -> memref<100000x128xf32, #tpu.memory_space<hbm>>
    tpu.enqueue_indirect_dma source(%dma_start3A_564 : memref<100000x128xf32, #tpu.memory_space<hbm>>) target(%dma_start3A_558 : memref<128x128xf32, #tpu.memory_space<vmem>>) offsets(%dma_start3A_561 : memref<128xi32, #tpu.memory_space<vmem>>) semaphore(%arg8 : memref<!tpu.dma_semaphore, #tpu.memory_space<semaphore_mem>>)
    %dma_wait3A_565 = arith.constant 10 : i32
    %dma_wait3A_566 = arith.constant 0 : i32
    %dma_wait3A_567 = arith.constant 0 : i32
    %dma_wait3A_568 = arith.constant 0 : i32
    %dma_wait3A_569 = tpu.memref_slice %arg6[%dma_wait3A_566, %dma_wait3A_567, %dma_wait3A_568] : memref<2x128x128xf32, #tpu.memory_space<vmem>> -> memref<1x128x128xf32, #tpu.memory_space<vmem>>
    %dma_wait3A_570 = tpu.memref_squeeze %dma_wait3A_569 : memref<1x128x128xf32, #tpu.memory_space<vmem>> -> memref<128x128xf32, #tpu.memory_space<vmem>>
    %dma_wait3A_571 = arith.constant 0 : i32
    %dma_wait3A_572 = tpu.memref_slice %arg5[%dma_wait3A_565, %dma_wait3A_571] : memref<24x128xi32, #tpu.memory_space<vmem>> -> memref<1x128xi32, #tpu.memory_space<vmem>>
    %dma_wait3A_573 = tpu.memref_squeeze %dma_wait3A_572 : memref<1x128xi32, #tpu.memory_space<vmem>> -> memref<128xi32, #tpu.memory_space<vmem>>
    %dma_wait3A_574 = arith.constant 0 : i32
    %dma_wait3A_575 = arith.constant 0 : i32
    %dma_wait3A_576 = tpu.memref_slice %arg2[%dma_wait3A_574, %dma_wait3A_575] : memref<100000x128xf32, #tpu.memory_space<hbm>> -> memref<100000x128xf32, #tpu.memory_space<hbm>>
    tpu.wait_indirect_dma semaphore(%arg7 : memref<!tpu.dma_semaphore, #tpu.memory_space<semaphore_mem>>) src(%dma_wait3A_576 : memref<100000x128xf32, #tpu.memory_space<hbm>>) dst(%dma_wait3A_570 : memref<128x128xf32, #tpu.memory_space<vmem>>)
    %mul3A_577 = arith.constant 3072 : i32
    %mul3A_578 = arith.muli %add3A, %mul3A_577 : i32
    %add3A_579 = arith.constant 1280 : i32
    %add3A_580 = arith.addi %mul3A_578, %add3A_579 : i32
    %dma_start3A_581 = arith.constant 0 : i32
    %dma_start3A_582 = arith.constant 0 : i32
    %dma_start3A_583 = arith.constant 0 : i32
    %dma_start3A_584 = tpu.memref_slice %arg6[%dma_start3A_581, %dma_start3A_582, %dma_start3A_583] : memref<2x128x128xf32, #tpu.memory_space<vmem>> -> memref<1x128x128xf32, #tpu.memory_space<vmem>>
    %dma_start3A_585 = tpu.memref_squeeze %dma_start3A_584 : memref<1x128x128xf32, #tpu.memory_space<vmem>> -> memref<128x128xf32, #tpu.memory_space<vmem>>
    %dma_start3A_586 = arith.constant 0 : i32
    %dma_start3A_587 = tpu.memref_slice %arg4[%add3A_580, %dma_start3A_586] : memref<98304x128xf32, #tpu.memory_space<hbm>> -> memref<128x128xf32, #tpu.memory_space<hbm>>
    %dma_start3A_588 = arith.constant 0 : i32
    %dma_start3A_589 = tpu.memref_slice %arg4[%add3A_580, %dma_start3A_588] : memref<98304x128xf32, #tpu.memory_space<hbm>> -> memref<128x128xf32, #tpu.memory_space<hbm>>
    %dma_start3A_590 = arith.constant 0 : i32
    %dma_start3A_591 = arith.constant 0 : i32
    %dma_start3A_592 = tpu.memref_slice %arg6[%dma_start3A_581, %dma_start3A_590, %dma_start3A_591] : memref<2x128x128xf32, #tpu.memory_space<vmem>> -> memref<1x128x128xf32, #tpu.memory_space<vmem>>
    %dma_start3A_593 = tpu.memref_squeeze %dma_start3A_592 : memref<1x128x128xf32, #tpu.memory_space<vmem>> -> memref<128x128xf32, #tpu.memory_space<vmem>>
    tpu.enqueue_dma source(%dma_start3A_593 : memref<128x128xf32, #tpu.memory_space<vmem>>) target(%dma_start3A_589 : memref<128x128xf32, #tpu.memory_space<hbm>>) target_semaphore(%arg9 : memref<!tpu.dma_semaphore, #tpu.memory_space<semaphore_mem>>)
    %dma_wait3A_594 = arith.constant 0 : i32
    %dma_wait3A_595 = arith.constant 0 : i32
    %dma_wait3A_596 = arith.constant 0 : i32
    %dma_wait3A_597 = tpu.memref_slice %arg6[%dma_wait3A_594, %dma_wait3A_595, %dma_wait3A_596] : memref<2x128x128xf32, #tpu.memory_space<vmem>> -> memref<1x128x128xf32, #tpu.memory_space<vmem>>
    %dma_wait3A_598 = tpu.memref_squeeze %dma_wait3A_597 : memref<1x128x128xf32, #tpu.memory_space<vmem>> -> memref<128x128xf32, #tpu.memory_space<vmem>>
    %dma_wait3A_599 = arith.constant 0 : i32
    %dma_wait3A_600 = tpu.memref_slice %arg4[%add3A_580, %dma_wait3A_599] : memref<98304x128xf32, #tpu.memory_space<hbm>> -> memref<128x128xf32, #tpu.memory_space<hbm>>
    %dma_wait3A_601 = arith.constant 0 : i32
    %dma_wait3A_602 = tpu.memref_slice %arg4[%add3A_580, %dma_wait3A_601] : memref<98304x128xf32, #tpu.memory_space<hbm>> -> memref<128x128xf32, #tpu.memory_space<hbm>>
    %dma_wait3A_603 = arith.constant 0 : i32
    %dma_wait3A_604 = arith.constant 0 : i32
    %dma_wait3A_605 = tpu.memref_slice %arg6[%dma_wait3A_594, %dma_wait3A_603, %dma_wait3A_604] : memref<2x128x128xf32, #tpu.memory_space<vmem>> -> memref<1x128x128xf32, #tpu.memory_space<vmem>>
    %dma_wait3A_606 = tpu.memref_squeeze %dma_wait3A_605 : memref<1x128x128xf32, #tpu.memory_space<vmem>> -> memref<128x128xf32, #tpu.memory_space<vmem>>
    tpu.wait_dma2 semaphore(%arg9 : memref<!tpu.dma_semaphore, #tpu.memory_space<semaphore_mem>>) src(%dma_wait3A_606 : memref<128x128xf32, #tpu.memory_space<vmem>>) dst(%dma_wait3A_602 : memref<128x128xf32, #tpu.memory_space<hbm>>)
    %dma_start3A_607 = arith.constant 12 : i32
    %dma_start3A_608 = arith.constant 0 : i32
    %dma_start3A_609 = arith.constant 0 : i32
    %dma_start3A_610 = arith.constant 0 : i32
    %dma_start3A_611 = tpu.memref_slice %arg6[%dma_start3A_608, %dma_start3A_609, %dma_start3A_610] : memref<2x128x128xf32, #tpu.memory_space<vmem>> -> memref<1x128x128xf32, #tpu.memory_space<vmem>>
    %dma_start3A_612 = tpu.memref_squeeze %dma_start3A_611 : memref<1x128x128xf32, #tpu.memory_space<vmem>> -> memref<128x128xf32, #tpu.memory_space<vmem>>
    %dma_start3A_613 = arith.constant 0 : i32
    %dma_start3A_614 = tpu.memref_slice %arg5[%dma_start3A_607, %dma_start3A_613] : memref<24x128xi32, #tpu.memory_space<vmem>> -> memref<1x128xi32, #tpu.memory_space<vmem>>
    %dma_start3A_615 = tpu.memref_squeeze %dma_start3A_614 : memref<1x128xi32, #tpu.memory_space<vmem>> -> memref<128xi32, #tpu.memory_space<vmem>>
    %dma_start3A_616 = arith.constant 0 : i32
    %dma_start3A_617 = arith.constant 0 : i32
    %dma_start3A_618 = tpu.memref_slice %arg2[%dma_start3A_616, %dma_start3A_617] : memref<100000x128xf32, #tpu.memory_space<hbm>> -> memref<100000x128xf32, #tpu.memory_space<hbm>>
    tpu.enqueue_indirect_dma source(%dma_start3A_618 : memref<100000x128xf32, #tpu.memory_space<hbm>>) target(%dma_start3A_612 : memref<128x128xf32, #tpu.memory_space<vmem>>) offsets(%dma_start3A_615 : memref<128xi32, #tpu.memory_space<vmem>>) semaphore(%arg7 : memref<!tpu.dma_semaphore, #tpu.memory_space<semaphore_mem>>)
    %dma_wait3A_619 = arith.constant 11 : i32
    %dma_wait3A_620 = arith.constant 1 : i32
    %dma_wait3A_621 = arith.constant 0 : i32
    %dma_wait3A_622 = arith.constant 0 : i32
    %dma_wait3A_623 = tpu.memref_slice %arg6[%dma_wait3A_620, %dma_wait3A_621, %dma_wait3A_622] : memref<2x128x128xf32, #tpu.memory_space<vmem>> -> memref<1x128x128xf32, #tpu.memory_space<vmem>>
    %dma_wait3A_624 = tpu.memref_squeeze %dma_wait3A_623 : memref<1x128x128xf32, #tpu.memory_space<vmem>> -> memref<128x128xf32, #tpu.memory_space<vmem>>
    %dma_wait3A_625 = arith.constant 0 : i32
    %dma_wait3A_626 = tpu.memref_slice %arg5[%dma_wait3A_619, %dma_wait3A_625] : memref<24x128xi32, #tpu.memory_space<vmem>> -> memref<1x128xi32, #tpu.memory_space<vmem>>
    %dma_wait3A_627 = tpu.memref_squeeze %dma_wait3A_626 : memref<1x128xi32, #tpu.memory_space<vmem>> -> memref<128xi32, #tpu.memory_space<vmem>>
    %dma_wait3A_628 = arith.constant 0 : i32
    %dma_wait3A_629 = arith.constant 0 : i32
    %dma_wait3A_630 = tpu.memref_slice %arg2[%dma_wait3A_628, %dma_wait3A_629] : memref<100000x128xf32, #tpu.memory_space<hbm>> -> memref<100000x128xf32, #tpu.memory_space<hbm>>
    tpu.wait_indirect_dma semaphore(%arg8 : memref<!tpu.dma_semaphore, #tpu.memory_space<semaphore_mem>>) src(%dma_wait3A_630 : memref<100000x128xf32, #tpu.memory_space<hbm>>) dst(%dma_wait3A_624 : memref<128x128xf32, #tpu.memory_space<vmem>>)
    %mul3A_631 = arith.constant 3072 : i32
    %mul3A_632 = arith.muli %add3A, %mul3A_631 : i32
    %add3A_633 = arith.constant 1408 : i32
    %add3A_634 = arith.addi %mul3A_632, %add3A_633 : i32
    %dma_start3A_635 = arith.constant 1 : i32
    %dma_start3A_636 = arith.constant 0 : i32
    %dma_start3A_637 = arith.constant 0 : i32
    %dma_start3A_638 = tpu.memref_slice %arg6[%dma_start3A_635, %dma_start3A_636, %dma_start3A_637] : memref<2x128x128xf32, #tpu.memory_space<vmem>> -> memref<1x128x128xf32, #tpu.memory_space<vmem>>
    %dma_start3A_639 = tpu.memref_squeeze %dma_start3A_638 : memref<1x128x128xf32, #tpu.memory_space<vmem>> -> memref<128x128xf32, #tpu.memory_space<vmem>>
    %dma_start3A_640 = arith.constant 0 : i32
    %dma_start3A_641 = tpu.memref_slice %arg4[%add3A_634, %dma_start3A_640] : memref<98304x128xf32, #tpu.memory_space<hbm>> -> memref<128x128xf32, #tpu.memory_space<hbm>>
    %dma_start3A_642 = arith.constant 0 : i32
    %dma_start3A_643 = tpu.memref_slice %arg4[%add3A_634, %dma_start3A_642] : memref<98304x128xf32, #tpu.memory_space<hbm>> -> memref<128x128xf32, #tpu.memory_space<hbm>>
    %dma_start3A_644 = arith.constant 0 : i32
    %dma_start3A_645 = arith.constant 0 : i32
    %dma_start3A_646 = tpu.memref_slice %arg6[%dma_start3A_635, %dma_start3A_644, %dma_start3A_645] : memref<2x128x128xf32, #tpu.memory_space<vmem>> -> memref<1x128x128xf32, #tpu.memory_space<vmem>>
    %dma_start3A_647 = tpu.memref_squeeze %dma_start3A_646 : memref<1x128x128xf32, #tpu.memory_space<vmem>> -> memref<128x128xf32, #tpu.memory_space<vmem>>
    tpu.enqueue_dma source(%dma_start3A_647 : memref<128x128xf32, #tpu.memory_space<vmem>>) target(%dma_start3A_643 : memref<128x128xf32, #tpu.memory_space<hbm>>) target_semaphore(%arg10 : memref<!tpu.dma_semaphore, #tpu.memory_space<semaphore_mem>>)
    %dma_wait3A_648 = arith.constant 1 : i32
    %dma_wait3A_649 = arith.constant 0 : i32
    %dma_wait3A_650 = arith.constant 0 : i32
    %dma_wait3A_651 = tpu.memref_slice %arg6[%dma_wait3A_648, %dma_wait3A_649, %dma_wait3A_650] : memref<2x128x128xf32, #tpu.memory_space<vmem>> -> memref<1x128x128xf32, #tpu.memory_space<vmem>>
    %dma_wait3A_652 = tpu.memref_squeeze %dma_wait3A_651 : memref<1x128x128xf32, #tpu.memory_space<vmem>> -> memref<128x128xf32, #tpu.memory_space<vmem>>
    %dma_wait3A_653 = arith.constant 0 : i32
    %dma_wait3A_654 = tpu.memref_slice %arg4[%add3A_634, %dma_wait3A_653] : memref<98304x128xf32, #tpu.memory_space<hbm>> -> memref<128x128xf32, #tpu.memory_space<hbm>>
    %dma_wait3A_655 = arith.constant 0 : i32
    %dma_wait3A_656 = tpu.memref_slice %arg4[%add3A_634, %dma_wait3A_655] : memref<98304x128xf32, #tpu.memory_space<hbm>> -> memref<128x128xf32, #tpu.memory_space<hbm>>
    %dma_wait3A_657 = arith.constant 0 : i32
    %dma_wait3A_658 = arith.constant 0 : i32
    %dma_wait3A_659 = tpu.memref_slice %arg6[%dma_wait3A_648, %dma_wait3A_657, %dma_wait3A_658] : memref<2x128x128xf32, #tpu.memory_space<vmem>> -> memref<1x128x128xf32, #tpu.memory_space<vmem>>
    %dma_wait3A_660 = tpu.memref_squeeze %dma_wait3A_659 : memref<1x128x128xf32, #tpu.memory_space<vmem>> -> memref<128x128xf32, #tpu.memory_space<vmem>>
    tpu.wait_dma2 semaphore(%arg10 : memref<!tpu.dma_semaphore, #tpu.memory_space<semaphore_mem>>) src(%dma_wait3A_660 : memref<128x128xf32, #tpu.memory_space<vmem>>) dst(%dma_wait3A_656 : memref<128x128xf32, #tpu.memory_space<hbm>>)
    %dma_start3A_661 = arith.constant 13 : i32
    %dma_start3A_662 = arith.constant 1 : i32
    %dma_start3A_663 = arith.constant 0 : i32
    %dma_start3A_664 = arith.constant 0 : i32
    %dma_start3A_665 = tpu.memref_slice %arg6[%dma_start3A_662, %dma_start3A_663, %dma_start3A_664] : memref<2x128x128xf32, #tpu.memory_space<vmem>> -> memref<1x128x128xf32, #tpu.memory_space<vmem>>
    %dma_start3A_666 = tpu.memref_squeeze %dma_start3A_665 : memref<1x128x128xf32, #tpu.memory_space<vmem>> -> memref<128x128xf32, #tpu.memory_space<vmem>>
    %dma_start3A_667 = arith.constant 0 : i32
    %dma_start3A_668 = tpu.memref_slice %arg5[%dma_start3A_661, %dma_start3A_667] : memref<24x128xi32, #tpu.memory_space<vmem>> -> memref<1x128xi32, #tpu.memory_space<vmem>>
    %dma_start3A_669 = tpu.memref_squeeze %dma_start3A_668 : memref<1x128xi32, #tpu.memory_space<vmem>> -> memref<128xi32, #tpu.memory_space<vmem>>
    %dma_start3A_670 = arith.constant 0 : i32
    %dma_start3A_671 = arith.constant 0 : i32
    %dma_start3A_672 = tpu.memref_slice %arg2[%dma_start3A_670, %dma_start3A_671] : memref<100000x128xf32, #tpu.memory_space<hbm>> -> memref<100000x128xf32, #tpu.memory_space<hbm>>
    tpu.enqueue_indirect_dma source(%dma_start3A_672 : memref<100000x128xf32, #tpu.memory_space<hbm>>) target(%dma_start3A_666 : memref<128x128xf32, #tpu.memory_space<vmem>>) offsets(%dma_start3A_669 : memref<128xi32, #tpu.memory_space<vmem>>) semaphore(%arg8 : memref<!tpu.dma_semaphore, #tpu.memory_space<semaphore_mem>>)
    %dma_wait3A_673 = arith.constant 12 : i32
    %dma_wait3A_674 = arith.constant 0 : i32
    %dma_wait3A_675 = arith.constant 0 : i32
    %dma_wait3A_676 = arith.constant 0 : i32
    %dma_wait3A_677 = tpu.memref_slice %arg6[%dma_wait3A_674, %dma_wait3A_675, %dma_wait3A_676] : memref<2x128x128xf32, #tpu.memory_space<vmem>> -> memref<1x128x128xf32, #tpu.memory_space<vmem>>
    %dma_wait3A_678 = tpu.memref_squeeze %dma_wait3A_677 : memref<1x128x128xf32, #tpu.memory_space<vmem>> -> memref<128x128xf32, #tpu.memory_space<vmem>>
    %dma_wait3A_679 = arith.constant 0 : i32
    %dma_wait3A_680 = tpu.memref_slice %arg5[%dma_wait3A_673, %dma_wait3A_679] : memref<24x128xi32, #tpu.memory_space<vmem>> -> memref<1x128xi32, #tpu.memory_space<vmem>>
    %dma_wait3A_681 = tpu.memref_squeeze %dma_wait3A_680 : memref<1x128xi32, #tpu.memory_space<vmem>> -> memref<128xi32, #tpu.memory_space<vmem>>
    %dma_wait3A_682 = arith.constant 0 : i32
    %dma_wait3A_683 = arith.constant 0 : i32
    %dma_wait3A_684 = tpu.memref_slice %arg2[%dma_wait3A_682, %dma_wait3A_683] : memref<100000x128xf32, #tpu.memory_space<hbm>> -> memref<100000x128xf32, #tpu.memory_space<hbm>>
    tpu.wait_indirect_dma semaphore(%arg7 : memref<!tpu.dma_semaphore, #tpu.memory_space<semaphore_mem>>) src(%dma_wait3A_684 : memref<100000x128xf32, #tpu.memory_space<hbm>>) dst(%dma_wait3A_678 : memref<128x128xf32, #tpu.memory_space<vmem>>)
    %mul3A_685 = arith.constant 3072 : i32
    %mul3A_686 = arith.muli %add3A, %mul3A_685 : i32
    %add3A_687 = arith.constant 1536 : i32
    %add3A_688 = arith.addi %mul3A_686, %add3A_687 : i32
    %dma_start3A_689 = arith.constant 0 : i32
    %dma_start3A_690 = arith.constant 0 : i32
    %dma_start3A_691 = arith.constant 0 : i32
    %dma_start3A_692 = tpu.memref_slice %arg6[%dma_start3A_689, %dma_start3A_690, %dma_start3A_691] : memref<2x128x128xf32, #tpu.memory_space<vmem>> -> memref<1x128x128xf32, #tpu.memory_space<vmem>>
    %dma_start3A_693 = tpu.memref_squeeze %dma_start3A_692 : memref<1x128x128xf32, #tpu.memory_space<vmem>> -> memref<128x128xf32, #tpu.memory_space<vmem>>
    %dma_start3A_694 = arith.constant 0 : i32
    %dma_start3A_695 = tpu.memref_slice %arg4[%add3A_688, %dma_start3A_694] : memref<98304x128xf32, #tpu.memory_space<hbm>> -> memref<128x128xf32, #tpu.memory_space<hbm>>
    %dma_start3A_696 = arith.constant 0 : i32
    %dma_start3A_697 = tpu.memref_slice %arg4[%add3A_688, %dma_start3A_696] : memref<98304x128xf32, #tpu.memory_space<hbm>> -> memref<128x128xf32, #tpu.memory_space<hbm>>
    %dma_start3A_698 = arith.constant 0 : i32
    %dma_start3A_699 = arith.constant 0 : i32
    %dma_start3A_700 = tpu.memref_slice %arg6[%dma_start3A_689, %dma_start3A_698, %dma_start3A_699] : memref<2x128x128xf32, #tpu.memory_space<vmem>> -> memref<1x128x128xf32, #tpu.memory_space<vmem>>
    %dma_start3A_701 = tpu.memref_squeeze %dma_start3A_700 : memref<1x128x128xf32, #tpu.memory_space<vmem>> -> memref<128x128xf32, #tpu.memory_space<vmem>>
    tpu.enqueue_dma source(%dma_start3A_701 : memref<128x128xf32, #tpu.memory_space<vmem>>) target(%dma_start3A_697 : memref<128x128xf32, #tpu.memory_space<hbm>>) target_semaphore(%arg9 : memref<!tpu.dma_semaphore, #tpu.memory_space<semaphore_mem>>)
    %dma_wait3A_702 = arith.constant 0 : i32
    %dma_wait3A_703 = arith.constant 0 : i32
    %dma_wait3A_704 = arith.constant 0 : i32
    %dma_wait3A_705 = tpu.memref_slice %arg6[%dma_wait3A_702, %dma_wait3A_703, %dma_wait3A_704] : memref<2x128x128xf32, #tpu.memory_space<vmem>> -> memref<1x128x128xf32, #tpu.memory_space<vmem>>
    %dma_wait3A_706 = tpu.memref_squeeze %dma_wait3A_705 : memref<1x128x128xf32, #tpu.memory_space<vmem>> -> memref<128x128xf32, #tpu.memory_space<vmem>>
    %dma_wait3A_707 = arith.constant 0 : i32
    %dma_wait3A_708 = tpu.memref_slice %arg4[%add3A_688, %dma_wait3A_707] : memref<98304x128xf32, #tpu.memory_space<hbm>> -> memref<128x128xf32, #tpu.memory_space<hbm>>
    %dma_wait3A_709 = arith.constant 0 : i32
    %dma_wait3A_710 = tpu.memref_slice %arg4[%add3A_688, %dma_wait3A_709] : memref<98304x128xf32, #tpu.memory_space<hbm>> -> memref<128x128xf32, #tpu.memory_space<hbm>>
    %dma_wait3A_711 = arith.constant 0 : i32
    %dma_wait3A_712 = arith.constant 0 : i32
    %dma_wait3A_713 = tpu.memref_slice %arg6[%dma_wait3A_702, %dma_wait3A_711, %dma_wait3A_712] : memref<2x128x128xf32, #tpu.memory_space<vmem>> -> memref<1x128x128xf32, #tpu.memory_space<vmem>>
    %dma_wait3A_714 = tpu.memref_squeeze %dma_wait3A_713 : memref<1x128x128xf32, #tpu.memory_space<vmem>> -> memref<128x128xf32, #tpu.memory_space<vmem>>
    tpu.wait_dma2 semaphore(%arg9 : memref<!tpu.dma_semaphore, #tpu.memory_space<semaphore_mem>>) src(%dma_wait3A_714 : memref<128x128xf32, #tpu.memory_space<vmem>>) dst(%dma_wait3A_710 : memref<128x128xf32, #tpu.memory_space<hbm>>)
    %dma_start3A_715 = arith.constant 14 : i32
    %dma_start3A_716 = arith.constant 0 : i32
    %dma_start3A_717 = arith.constant 0 : i32
    %dma_start3A_718 = arith.constant 0 : i32
    %dma_start3A_719 = tpu.memref_slice %arg6[%dma_start3A_716, %dma_start3A_717, %dma_start3A_718] : memref<2x128x128xf32, #tpu.memory_space<vmem>> -> memref<1x128x128xf32, #tpu.memory_space<vmem>>
    %dma_start3A_720 = tpu.memref_squeeze %dma_start3A_719 : memref<1x128x128xf32, #tpu.memory_space<vmem>> -> memref<128x128xf32, #tpu.memory_space<vmem>>
    %dma_start3A_721 = arith.constant 0 : i32
    %dma_start3A_722 = tpu.memref_slice %arg5[%dma_start3A_715, %dma_start3A_721] : memref<24x128xi32, #tpu.memory_space<vmem>> -> memref<1x128xi32, #tpu.memory_space<vmem>>
    %dma_start3A_723 = tpu.memref_squeeze %dma_start3A_722 : memref<1x128xi32, #tpu.memory_space<vmem>> -> memref<128xi32, #tpu.memory_space<vmem>>
    %dma_start3A_724 = arith.constant 0 : i32
    %dma_start3A_725 = arith.constant 0 : i32
    %dma_start3A_726 = tpu.memref_slice %arg2[%dma_start3A_724, %dma_start3A_725] : memref<100000x128xf32, #tpu.memory_space<hbm>> -> memref<100000x128xf32, #tpu.memory_space<hbm>>
    tpu.enqueue_indirect_dma source(%dma_start3A_726 : memref<100000x128xf32, #tpu.memory_space<hbm>>) target(%dma_start3A_720 : memref<128x128xf32, #tpu.memory_space<vmem>>) offsets(%dma_start3A_723 : memref<128xi32, #tpu.memory_space<vmem>>) semaphore(%arg7 : memref<!tpu.dma_semaphore, #tpu.memory_space<semaphore_mem>>)
    %dma_wait3A_727 = arith.constant 13 : i32
    %dma_wait3A_728 = arith.constant 1 : i32
    %dma_wait3A_729 = arith.constant 0 : i32
    %dma_wait3A_730 = arith.constant 0 : i32
    %dma_wait3A_731 = tpu.memref_slice %arg6[%dma_wait3A_728, %dma_wait3A_729, %dma_wait3A_730] : memref<2x128x128xf32, #tpu.memory_space<vmem>> -> memref<1x128x128xf32, #tpu.memory_space<vmem>>
    %dma_wait3A_732 = tpu.memref_squeeze %dma_wait3A_731 : memref<1x128x128xf32, #tpu.memory_space<vmem>> -> memref<128x128xf32, #tpu.memory_space<vmem>>
    %dma_wait3A_733 = arith.constant 0 : i32
    %dma_wait3A_734 = tpu.memref_slice %arg5[%dma_wait3A_727, %dma_wait3A_733] : memref<24x128xi32, #tpu.memory_space<vmem>> -> memref<1x128xi32, #tpu.memory_space<vmem>>
    %dma_wait3A_735 = tpu.memref_squeeze %dma_wait3A_734 : memref<1x128xi32, #tpu.memory_space<vmem>> -> memref<128xi32, #tpu.memory_space<vmem>>
    %dma_wait3A_736 = arith.constant 0 : i32
    %dma_wait3A_737 = arith.constant 0 : i32
    %dma_wait3A_738 = tpu.memref_slice %arg2[%dma_wait3A_736, %dma_wait3A_737] : memref<100000x128xf32, #tpu.memory_space<hbm>> -> memref<100000x128xf32, #tpu.memory_space<hbm>>
    tpu.wait_indirect_dma semaphore(%arg8 : memref<!tpu.dma_semaphore, #tpu.memory_space<semaphore_mem>>) src(%dma_wait3A_738 : memref<100000x128xf32, #tpu.memory_space<hbm>>) dst(%dma_wait3A_732 : memref<128x128xf32, #tpu.memory_space<vmem>>)
    %mul3A_739 = arith.constant 3072 : i32
    %mul3A_740 = arith.muli %add3A, %mul3A_739 : i32
    %add3A_741 = arith.constant 1664 : i32
    %add3A_742 = arith.addi %mul3A_740, %add3A_741 : i32
    %dma_start3A_743 = arith.constant 1 : i32
    %dma_start3A_744 = arith.constant 0 : i32
    %dma_start3A_745 = arith.constant 0 : i32
    %dma_start3A_746 = tpu.memref_slice %arg6[%dma_start3A_743, %dma_start3A_744, %dma_start3A_745] : memref<2x128x128xf32, #tpu.memory_space<vmem>> -> memref<1x128x128xf32, #tpu.memory_space<vmem>>
    %dma_start3A_747 = tpu.memref_squeeze %dma_start3A_746 : memref<1x128x128xf32, #tpu.memory_space<vmem>> -> memref<128x128xf32, #tpu.memory_space<vmem>>
    %dma_start3A_748 = arith.constant 0 : i32
    %dma_start3A_749 = tpu.memref_slice %arg4[%add3A_742, %dma_start3A_748] : memref<98304x128xf32, #tpu.memory_space<hbm>> -> memref<128x128xf32, #tpu.memory_space<hbm>>
    %dma_start3A_750 = arith.constant 0 : i32
    %dma_start3A_751 = tpu.memref_slice %arg4[%add3A_742, %dma_start3A_750] : memref<98304x128xf32, #tpu.memory_space<hbm>> -> memref<128x128xf32, #tpu.memory_space<hbm>>
    %dma_start3A_752 = arith.constant 0 : i32
    %dma_start3A_753 = arith.constant 0 : i32
    %dma_start3A_754 = tpu.memref_slice %arg6[%dma_start3A_743, %dma_start3A_752, %dma_start3A_753] : memref<2x128x128xf32, #tpu.memory_space<vmem>> -> memref<1x128x128xf32, #tpu.memory_space<vmem>>
    %dma_start3A_755 = tpu.memref_squeeze %dma_start3A_754 : memref<1x128x128xf32, #tpu.memory_space<vmem>> -> memref<128x128xf32, #tpu.memory_space<vmem>>
    tpu.enqueue_dma source(%dma_start3A_755 : memref<128x128xf32, #tpu.memory_space<vmem>>) target(%dma_start3A_751 : memref<128x128xf32, #tpu.memory_space<hbm>>) target_semaphore(%arg10 : memref<!tpu.dma_semaphore, #tpu.memory_space<semaphore_mem>>)
    %dma_wait3A_756 = arith.constant 1 : i32
    %dma_wait3A_757 = arith.constant 0 : i32
    %dma_wait3A_758 = arith.constant 0 : i32
    %dma_wait3A_759 = tpu.memref_slice %arg6[%dma_wait3A_756, %dma_wait3A_757, %dma_wait3A_758] : memref<2x128x128xf32, #tpu.memory_space<vmem>> -> memref<1x128x128xf32, #tpu.memory_space<vmem>>
    %dma_wait3A_760 = tpu.memref_squeeze %dma_wait3A_759 : memref<1x128x128xf32, #tpu.memory_space<vmem>> -> memref<128x128xf32, #tpu.memory_space<vmem>>
    %dma_wait3A_761 = arith.constant 0 : i32
    %dma_wait3A_762 = tpu.memref_slice %arg4[%add3A_742, %dma_wait3A_761] : memref<98304x128xf32, #tpu.memory_space<hbm>> -> memref<128x128xf32, #tpu.memory_space<hbm>>
    %dma_wait3A_763 = arith.constant 0 : i32
    %dma_wait3A_764 = tpu.memref_slice %arg4[%add3A_742, %dma_wait3A_763] : memref<98304x128xf32, #tpu.memory_space<hbm>> -> memref<128x128xf32, #tpu.memory_space<hbm>>
    %dma_wait3A_765 = arith.constant 0 : i32
    %dma_wait3A_766 = arith.constant 0 : i32
    %dma_wait3A_767 = tpu.memref_slice %arg6[%dma_wait3A_756, %dma_wait3A_765, %dma_wait3A_766] : memref<2x128x128xf32, #tpu.memory_space<vmem>> -> memref<1x128x128xf32, #tpu.memory_space<vmem>>
    %dma_wait3A_768 = tpu.memref_squeeze %dma_wait3A_767 : memref<1x128x128xf32, #tpu.memory_space<vmem>> -> memref<128x128xf32, #tpu.memory_space<vmem>>
    tpu.wait_dma2 semaphore(%arg10 : memref<!tpu.dma_semaphore, #tpu.memory_space<semaphore_mem>>) src(%dma_wait3A_768 : memref<128x128xf32, #tpu.memory_space<vmem>>) dst(%dma_wait3A_764 : memref<128x128xf32, #tpu.memory_space<hbm>>)
    %dma_start3A_769 = arith.constant 15 : i32
    %dma_start3A_770 = arith.constant 1 : i32
    %dma_start3A_771 = arith.constant 0 : i32
    %dma_start3A_772 = arith.constant 0 : i32
    %dma_start3A_773 = tpu.memref_slice %arg6[%dma_start3A_770, %dma_start3A_771, %dma_start3A_772] : memref<2x128x128xf32, #tpu.memory_space<vmem>> -> memref<1x128x128xf32, #tpu.memory_space<vmem>>
    %dma_start3A_774 = tpu.memref_squeeze %dma_start3A_773 : memref<1x128x128xf32, #tpu.memory_space<vmem>> -> memref<128x128xf32, #tpu.memory_space<vmem>>
    %dma_start3A_775 = arith.constant 0 : i32
    %dma_start3A_776 = tpu.memref_slice %arg5[%dma_start3A_769, %dma_start3A_775] : memref<24x128xi32, #tpu.memory_space<vmem>> -> memref<1x128xi32, #tpu.memory_space<vmem>>
    %dma_start3A_777 = tpu.memref_squeeze %dma_start3A_776 : memref<1x128xi32, #tpu.memory_space<vmem>> -> memref<128xi32, #tpu.memory_space<vmem>>
    %dma_start3A_778 = arith.constant 0 : i32
    %dma_start3A_779 = arith.constant 0 : i32
    %dma_start3A_780 = tpu.memref_slice %arg2[%dma_start3A_778, %dma_start3A_779] : memref<100000x128xf32, #tpu.memory_space<hbm>> -> memref<100000x128xf32, #tpu.memory_space<hbm>>
    tpu.enqueue_indirect_dma source(%dma_start3A_780 : memref<100000x128xf32, #tpu.memory_space<hbm>>) target(%dma_start3A_774 : memref<128x128xf32, #tpu.memory_space<vmem>>) offsets(%dma_start3A_777 : memref<128xi32, #tpu.memory_space<vmem>>) semaphore(%arg8 : memref<!tpu.dma_semaphore, #tpu.memory_space<semaphore_mem>>)
    %dma_wait3A_781 = arith.constant 14 : i32
    %dma_wait3A_782 = arith.constant 0 : i32
    %dma_wait3A_783 = arith.constant 0 : i32
    %dma_wait3A_784 = arith.constant 0 : i32
    %dma_wait3A_785 = tpu.memref_slice %arg6[%dma_wait3A_782, %dma_wait3A_783, %dma_wait3A_784] : memref<2x128x128xf32, #tpu.memory_space<vmem>> -> memref<1x128x128xf32, #tpu.memory_space<vmem>>
    %dma_wait3A_786 = tpu.memref_squeeze %dma_wait3A_785 : memref<1x128x128xf32, #tpu.memory_space<vmem>> -> memref<128x128xf32, #tpu.memory_space<vmem>>
    %dma_wait3A_787 = arith.constant 0 : i32
    %dma_wait3A_788 = tpu.memref_slice %arg5[%dma_wait3A_781, %dma_wait3A_787] : memref<24x128xi32, #tpu.memory_space<vmem>> -> memref<1x128xi32, #tpu.memory_space<vmem>>
    %dma_wait3A_789 = tpu.memref_squeeze %dma_wait3A_788 : memref<1x128xi32, #tpu.memory_space<vmem>> -> memref<128xi32, #tpu.memory_space<vmem>>
    %dma_wait3A_790 = arith.constant 0 : i32
    %dma_wait3A_791 = arith.constant 0 : i32
    %dma_wait3A_792 = tpu.memref_slice %arg2[%dma_wait3A_790, %dma_wait3A_791] : memref<100000x128xf32, #tpu.memory_space<hbm>> -> memref<100000x128xf32, #tpu.memory_space<hbm>>
    tpu.wait_indirect_dma semaphore(%arg7 : memref<!tpu.dma_semaphore, #tpu.memory_space<semaphore_mem>>) src(%dma_wait3A_792 : memref<100000x128xf32, #tpu.memory_space<hbm>>) dst(%dma_wait3A_786 : memref<128x128xf32, #tpu.memory_space<vmem>>)
    %mul3A_793 = arith.constant 3072 : i32
    %mul3A_794 = arith.muli %add3A, %mul3A_793 : i32
    %add3A_795 = arith.constant 1792 : i32
    %add3A_796 = arith.addi %mul3A_794, %add3A_795 : i32
    %dma_start3A_797 = arith.constant 0 : i32
    %dma_start3A_798 = arith.constant 0 : i32
    %dma_start3A_799 = arith.constant 0 : i32
    %dma_start3A_800 = tpu.memref_slice %arg6[%dma_start3A_797, %dma_start3A_798, %dma_start3A_799] : memref<2x128x128xf32, #tpu.memory_space<vmem>> -> memref<1x128x128xf32, #tpu.memory_space<vmem>>
    %dma_start3A_801 = tpu.memref_squeeze %dma_start3A_800 : memref<1x128x128xf32, #tpu.memory_space<vmem>> -> memref<128x128xf32, #tpu.memory_space<vmem>>
    %dma_start3A_802 = arith.constant 0 : i32
    %dma_start3A_803 = tpu.memref_slice %arg4[%add3A_796, %dma_start3A_802] : memref<98304x128xf32, #tpu.memory_space<hbm>> -> memref<128x128xf32, #tpu.memory_space<hbm>>
    %dma_start3A_804 = arith.constant 0 : i32
    %dma_start3A_805 = tpu.memref_slice %arg4[%add3A_796, %dma_start3A_804] : memref<98304x128xf32, #tpu.memory_space<hbm>> -> memref<128x128xf32, #tpu.memory_space<hbm>>
    %dma_start3A_806 = arith.constant 0 : i32
    %dma_start3A_807 = arith.constant 0 : i32
    %dma_start3A_808 = tpu.memref_slice %arg6[%dma_start3A_797, %dma_start3A_806, %dma_start3A_807] : memref<2x128x128xf32, #tpu.memory_space<vmem>> -> memref<1x128x128xf32, #tpu.memory_space<vmem>>
    %dma_start3A_809 = tpu.memref_squeeze %dma_start3A_808 : memref<1x128x128xf32, #tpu.memory_space<vmem>> -> memref<128x128xf32, #tpu.memory_space<vmem>>
    tpu.enqueue_dma source(%dma_start3A_809 : memref<128x128xf32, #tpu.memory_space<vmem>>) target(%dma_start3A_805 : memref<128x128xf32, #tpu.memory_space<hbm>>) target_semaphore(%arg9 : memref<!tpu.dma_semaphore, #tpu.memory_space<semaphore_mem>>)
    %dma_wait3A_810 = arith.constant 0 : i32
    %dma_wait3A_811 = arith.constant 0 : i32
    %dma_wait3A_812 = arith.constant 0 : i32
    %dma_wait3A_813 = tpu.memref_slice %arg6[%dma_wait3A_810, %dma_wait3A_811, %dma_wait3A_812] : memref<2x128x128xf32, #tpu.memory_space<vmem>> -> memref<1x128x128xf32, #tpu.memory_space<vmem>>
    %dma_wait3A_814 = tpu.memref_squeeze %dma_wait3A_813 : memref<1x128x128xf32, #tpu.memory_space<vmem>> -> memref<128x128xf32, #tpu.memory_space<vmem>>
    %dma_wait3A_815 = arith.constant 0 : i32
    %dma_wait3A_816 = tpu.memref_slice %arg4[%add3A_796, %dma_wait3A_815] : memref<98304x128xf32, #tpu.memory_space<hbm>> -> memref<128x128xf32, #tpu.memory_space<hbm>>
    %dma_wait3A_817 = arith.constant 0 : i32
    %dma_wait3A_818 = tpu.memref_slice %arg4[%add3A_796, %dma_wait3A_817] : memref<98304x128xf32, #tpu.memory_space<hbm>> -> memref<128x128xf32, #tpu.memory_space<hbm>>
    %dma_wait3A_819 = arith.constant 0 : i32
    %dma_wait3A_820 = arith.constant 0 : i32
    %dma_wait3A_821 = tpu.memref_slice %arg6[%dma_wait3A_810, %dma_wait3A_819, %dma_wait3A_820] : memref<2x128x128xf32, #tpu.memory_space<vmem>> -> memref<1x128x128xf32, #tpu.memory_space<vmem>>
    %dma_wait3A_822 = tpu.memref_squeeze %dma_wait3A_821 : memref<1x128x128xf32, #tpu.memory_space<vmem>> -> memref<128x128xf32, #tpu.memory_space<vmem>>
    tpu.wait_dma2 semaphore(%arg9 : memref<!tpu.dma_semaphore, #tpu.memory_space<semaphore_mem>>) src(%dma_wait3A_822 : memref<128x128xf32, #tpu.memory_space<vmem>>) dst(%dma_wait3A_818 : memref<128x128xf32, #tpu.memory_space<hbm>>)
    %dma_start3A_823 = arith.constant 16 : i32
    %dma_start3A_824 = arith.constant 0 : i32
    %dma_start3A_825 = arith.constant 0 : i32
    %dma_start3A_826 = arith.constant 0 : i32
    %dma_start3A_827 = tpu.memref_slice %arg6[%dma_start3A_824, %dma_start3A_825, %dma_start3A_826] : memref<2x128x128xf32, #tpu.memory_space<vmem>> -> memref<1x128x128xf32, #tpu.memory_space<vmem>>
    %dma_start3A_828 = tpu.memref_squeeze %dma_start3A_827 : memref<1x128x128xf32, #tpu.memory_space<vmem>> -> memref<128x128xf32, #tpu.memory_space<vmem>>
    %dma_start3A_829 = arith.constant 0 : i32
    %dma_start3A_830 = tpu.memref_slice %arg5[%dma_start3A_823, %dma_start3A_829] : memref<24x128xi32, #tpu.memory_space<vmem>> -> memref<1x128xi32, #tpu.memory_space<vmem>>
    %dma_start3A_831 = tpu.memref_squeeze %dma_start3A_830 : memref<1x128xi32, #tpu.memory_space<vmem>> -> memref<128xi32, #tpu.memory_space<vmem>>
    %dma_start3A_832 = arith.constant 0 : i32
    %dma_start3A_833 = arith.constant 0 : i32
    %dma_start3A_834 = tpu.memref_slice %arg2[%dma_start3A_832, %dma_start3A_833] : memref<100000x128xf32, #tpu.memory_space<hbm>> -> memref<100000x128xf32, #tpu.memory_space<hbm>>
    tpu.enqueue_indirect_dma source(%dma_start3A_834 : memref<100000x128xf32, #tpu.memory_space<hbm>>) target(%dma_start3A_828 : memref<128x128xf32, #tpu.memory_space<vmem>>) offsets(%dma_start3A_831 : memref<128xi32, #tpu.memory_space<vmem>>) semaphore(%arg7 : memref<!tpu.dma_semaphore, #tpu.memory_space<semaphore_mem>>)
    %dma_wait3A_835 = arith.constant 15 : i32
    %dma_wait3A_836 = arith.constant 1 : i32
    %dma_wait3A_837 = arith.constant 0 : i32
    %dma_wait3A_838 = arith.constant 0 : i32
    %dma_wait3A_839 = tpu.memref_slice %arg6[%dma_wait3A_836, %dma_wait3A_837, %dma_wait3A_838] : memref<2x128x128xf32, #tpu.memory_space<vmem>> -> memref<1x128x128xf32, #tpu.memory_space<vmem>>
    %dma_wait3A_840 = tpu.memref_squeeze %dma_wait3A_839 : memref<1x128x128xf32, #tpu.memory_space<vmem>> -> memref<128x128xf32, #tpu.memory_space<vmem>>
    %dma_wait3A_841 = arith.constant 0 : i32
    %dma_wait3A_842 = tpu.memref_slice %arg5[%dma_wait3A_835, %dma_wait3A_841] : memref<24x128xi32, #tpu.memory_space<vmem>> -> memref<1x128xi32, #tpu.memory_space<vmem>>
    %dma_wait3A_843 = tpu.memref_squeeze %dma_wait3A_842 : memref<1x128xi32, #tpu.memory_space<vmem>> -> memref<128xi32, #tpu.memory_space<vmem>>
    %dma_wait3A_844 = arith.constant 0 : i32
    %dma_wait3A_845 = arith.constant 0 : i32
    %dma_wait3A_846 = tpu.memref_slice %arg2[%dma_wait3A_844, %dma_wait3A_845] : memref<100000x128xf32, #tpu.memory_space<hbm>> -> memref<100000x128xf32, #tpu.memory_space<hbm>>
    tpu.wait_indirect_dma semaphore(%arg8 : memref<!tpu.dma_semaphore, #tpu.memory_space<semaphore_mem>>) src(%dma_wait3A_846 : memref<100000x128xf32, #tpu.memory_space<hbm>>) dst(%dma_wait3A_840 : memref<128x128xf32, #tpu.memory_space<vmem>>)
    %mul3A_847 = arith.constant 3072 : i32
    %mul3A_848 = arith.muli %add3A, %mul3A_847 : i32
    %add3A_849 = arith.constant 1920 : i32
    %add3A_850 = arith.addi %mul3A_848, %add3A_849 : i32
    %dma_start3A_851 = arith.constant 1 : i32
    %dma_start3A_852 = arith.constant 0 : i32
    %dma_start3A_853 = arith.constant 0 : i32
    %dma_start3A_854 = tpu.memref_slice %arg6[%dma_start3A_851, %dma_start3A_852, %dma_start3A_853] : memref<2x128x128xf32, #tpu.memory_space<vmem>> -> memref<1x128x128xf32, #tpu.memory_space<vmem>>
    %dma_start3A_855 = tpu.memref_squeeze %dma_start3A_854 : memref<1x128x128xf32, #tpu.memory_space<vmem>> -> memref<128x128xf32, #tpu.memory_space<vmem>>
    %dma_start3A_856 = arith.constant 0 : i32
    %dma_start3A_857 = tpu.memref_slice %arg4[%add3A_850, %dma_start3A_856] : memref<98304x128xf32, #tpu.memory_space<hbm>> -> memref<128x128xf32, #tpu.memory_space<hbm>>
    %dma_start3A_858 = arith.constant 0 : i32
    %dma_start3A_859 = tpu.memref_slice %arg4[%add3A_850, %dma_start3A_858] : memref<98304x128xf32, #tpu.memory_space<hbm>> -> memref<128x128xf32, #tpu.memory_space<hbm>>
    %dma_start3A_860 = arith.constant 0 : i32
    %dma_start3A_861 = arith.constant 0 : i32
    %dma_start3A_862 = tpu.memref_slice %arg6[%dma_start3A_851, %dma_start3A_860, %dma_start3A_861] : memref<2x128x128xf32, #tpu.memory_space<vmem>> -> memref<1x128x128xf32, #tpu.memory_space<vmem>>
    %dma_start3A_863 = tpu.memref_squeeze %dma_start3A_862 : memref<1x128x128xf32, #tpu.memory_space<vmem>> -> memref<128x128xf32, #tpu.memory_space<vmem>>
    tpu.enqueue_dma source(%dma_start3A_863 : memref<128x128xf32, #tpu.memory_space<vmem>>) target(%dma_start3A_859 : memref<128x128xf32, #tpu.memory_space<hbm>>) target_semaphore(%arg10 : memref<!tpu.dma_semaphore, #tpu.memory_space<semaphore_mem>>)
    %dma_wait3A_864 = arith.constant 1 : i32
    %dma_wait3A_865 = arith.constant 0 : i32
    %dma_wait3A_866 = arith.constant 0 : i32
    %dma_wait3A_867 = tpu.memref_slice %arg6[%dma_wait3A_864, %dma_wait3A_865, %dma_wait3A_866] : memref<2x128x128xf32, #tpu.memory_space<vmem>> -> memref<1x128x128xf32, #tpu.memory_space<vmem>>
    %dma_wait3A_868 = tpu.memref_squeeze %dma_wait3A_867 : memref<1x128x128xf32, #tpu.memory_space<vmem>> -> memref<128x128xf32, #tpu.memory_space<vmem>>
    %dma_wait3A_869 = arith.constant 0 : i32
    %dma_wait3A_870 = tpu.memref_slice %arg4[%add3A_850, %dma_wait3A_869] : memref<98304x128xf32, #tpu.memory_space<hbm>> -> memref<128x128xf32, #tpu.memory_space<hbm>>
    %dma_wait3A_871 = arith.constant 0 : i32
    %dma_wait3A_872 = tpu.memref_slice %arg4[%add3A_850, %dma_wait3A_871] : memref<98304x128xf32, #tpu.memory_space<hbm>> -> memref<128x128xf32, #tpu.memory_space<hbm>>
    %dma_wait3A_873 = arith.constant 0 : i32
    %dma_wait3A_874 = arith.constant 0 : i32
    %dma_wait3A_875 = tpu.memref_slice %arg6[%dma_wait3A_864, %dma_wait3A_873, %dma_wait3A_874] : memref<2x128x128xf32, #tpu.memory_space<vmem>> -> memref<1x128x128xf32, #tpu.memory_space<vmem>>
    %dma_wait3A_876 = tpu.memref_squeeze %dma_wait3A_875 : memref<1x128x128xf32, #tpu.memory_space<vmem>> -> memref<128x128xf32, #tpu.memory_space<vmem>>
    tpu.wait_dma2 semaphore(%arg10 : memref<!tpu.dma_semaphore, #tpu.memory_space<semaphore_mem>>) src(%dma_wait3A_876 : memref<128x128xf32, #tpu.memory_space<vmem>>) dst(%dma_wait3A_872 : memref<128x128xf32, #tpu.memory_space<hbm>>)
    %dma_start3A_877 = arith.constant 17 : i32
    %dma_start3A_878 = arith.constant 1 : i32
    %dma_start3A_879 = arith.constant 0 : i32
    %dma_start3A_880 = arith.constant 0 : i32
    %dma_start3A_881 = tpu.memref_slice %arg6[%dma_start3A_878, %dma_start3A_879, %dma_start3A_880] : memref<2x128x128xf32, #tpu.memory_space<vmem>> -> memref<1x128x128xf32, #tpu.memory_space<vmem>>
    %dma_start3A_882 = tpu.memref_squeeze %dma_start3A_881 : memref<1x128x128xf32, #tpu.memory_space<vmem>> -> memref<128x128xf32, #tpu.memory_space<vmem>>
    %dma_start3A_883 = arith.constant 0 : i32
    %dma_start3A_884 = tpu.memref_slice %arg5[%dma_start3A_877, %dma_start3A_883] : memref<24x128xi32, #tpu.memory_space<vmem>> -> memref<1x128xi32, #tpu.memory_space<vmem>>
    %dma_start3A_885 = tpu.memref_squeeze %dma_start3A_884 : memref<1x128xi32, #tpu.memory_space<vmem>> -> memref<128xi32, #tpu.memory_space<vmem>>
    %dma_start3A_886 = arith.constant 0 : i32
    %dma_start3A_887 = arith.constant 0 : i32
    %dma_start3A_888 = tpu.memref_slice %arg2[%dma_start3A_886, %dma_start3A_887] : memref<100000x128xf32, #tpu.memory_space<hbm>> -> memref<100000x128xf32, #tpu.memory_space<hbm>>
    tpu.enqueue_indirect_dma source(%dma_start3A_888 : memref<100000x128xf32, #tpu.memory_space<hbm>>) target(%dma_start3A_882 : memref<128x128xf32, #tpu.memory_space<vmem>>) offsets(%dma_start3A_885 : memref<128xi32, #tpu.memory_space<vmem>>) semaphore(%arg8 : memref<!tpu.dma_semaphore, #tpu.memory_space<semaphore_mem>>)
    %dma_wait3A_889 = arith.constant 16 : i32
    %dma_wait3A_890 = arith.constant 0 : i32
    %dma_wait3A_891 = arith.constant 0 : i32
    %dma_wait3A_892 = arith.constant 0 : i32
    %dma_wait3A_893 = tpu.memref_slice %arg6[%dma_wait3A_890, %dma_wait3A_891, %dma_wait3A_892] : memref<2x128x128xf32, #tpu.memory_space<vmem>> -> memref<1x128x128xf32, #tpu.memory_space<vmem>>
    %dma_wait3A_894 = tpu.memref_squeeze %dma_wait3A_893 : memref<1x128x128xf32, #tpu.memory_space<vmem>> -> memref<128x128xf32, #tpu.memory_space<vmem>>
    %dma_wait3A_895 = arith.constant 0 : i32
    %dma_wait3A_896 = tpu.memref_slice %arg5[%dma_wait3A_889, %dma_wait3A_895] : memref<24x128xi32, #tpu.memory_space<vmem>> -> memref<1x128xi32, #tpu.memory_space<vmem>>
    %dma_wait3A_897 = tpu.memref_squeeze %dma_wait3A_896 : memref<1x128xi32, #tpu.memory_space<vmem>> -> memref<128xi32, #tpu.memory_space<vmem>>
    %dma_wait3A_898 = arith.constant 0 : i32
    %dma_wait3A_899 = arith.constant 0 : i32
    %dma_wait3A_900 = tpu.memref_slice %arg2[%dma_wait3A_898, %dma_wait3A_899] : memref<100000x128xf32, #tpu.memory_space<hbm>> -> memref<100000x128xf32, #tpu.memory_space<hbm>>
    tpu.wait_indirect_dma semaphore(%arg7 : memref<!tpu.dma_semaphore, #tpu.memory_space<semaphore_mem>>) src(%dma_wait3A_900 : memref<100000x128xf32, #tpu.memory_space<hbm>>) dst(%dma_wait3A_894 : memref<128x128xf32, #tpu.memory_space<vmem>>)
    %mul3A_901 = arith.constant 3072 : i32
    %mul3A_902 = arith.muli %add3A, %mul3A_901 : i32
    %add3A_903 = arith.constant 2048 : i32
    %add3A_904 = arith.addi %mul3A_902, %add3A_903 : i32
    %dma_start3A_905 = arith.constant 0 : i32
    %dma_start3A_906 = arith.constant 0 : i32
    %dma_start3A_907 = arith.constant 0 : i32
    %dma_start3A_908 = tpu.memref_slice %arg6[%dma_start3A_905, %dma_start3A_906, %dma_start3A_907] : memref<2x128x128xf32, #tpu.memory_space<vmem>> -> memref<1x128x128xf32, #tpu.memory_space<vmem>>
    %dma_start3A_909 = tpu.memref_squeeze %dma_start3A_908 : memref<1x128x128xf32, #tpu.memory_space<vmem>> -> memref<128x128xf32, #tpu.memory_space<vmem>>
    %dma_start3A_910 = arith.constant 0 : i32
    %dma_start3A_911 = tpu.memref_slice %arg4[%add3A_904, %dma_start3A_910] : memref<98304x128xf32, #tpu.memory_space<hbm>> -> memref<128x128xf32, #tpu.memory_space<hbm>>
    %dma_start3A_912 = arith.constant 0 : i32
    %dma_start3A_913 = tpu.memref_slice %arg4[%add3A_904, %dma_start3A_912] : memref<98304x128xf32, #tpu.memory_space<hbm>> -> memref<128x128xf32, #tpu.memory_space<hbm>>
    %dma_start3A_914 = arith.constant 0 : i32
    %dma_start3A_915 = arith.constant 0 : i32
    %dma_start3A_916 = tpu.memref_slice %arg6[%dma_start3A_905, %dma_start3A_914, %dma_start3A_915] : memref<2x128x128xf32, #tpu.memory_space<vmem>> -> memref<1x128x128xf32, #tpu.memory_space<vmem>>
    %dma_start3A_917 = tpu.memref_squeeze %dma_start3A_916 : memref<1x128x128xf32, #tpu.memory_space<vmem>> -> memref<128x128xf32, #tpu.memory_space<vmem>>
    tpu.enqueue_dma source(%dma_start3A_917 : memref<128x128xf32, #tpu.memory_space<vmem>>) target(%dma_start3A_913 : memref<128x128xf32, #tpu.memory_space<hbm>>) target_semaphore(%arg9 : memref<!tpu.dma_semaphore, #tpu.memory_space<semaphore_mem>>)
    %dma_wait3A_918 = arith.constant 0 : i32
    %dma_wait3A_919 = arith.constant 0 : i32
    %dma_wait3A_920 = arith.constant 0 : i32
    %dma_wait3A_921 = tpu.memref_slice %arg6[%dma_wait3A_918, %dma_wait3A_919, %dma_wait3A_920] : memref<2x128x128xf32, #tpu.memory_space<vmem>> -> memref<1x128x128xf32, #tpu.memory_space<vmem>>
    %dma_wait3A_922 = tpu.memref_squeeze %dma_wait3A_921 : memref<1x128x128xf32, #tpu.memory_space<vmem>> -> memref<128x128xf32, #tpu.memory_space<vmem>>
    %dma_wait3A_923 = arith.constant 0 : i32
    %dma_wait3A_924 = tpu.memref_slice %arg4[%add3A_904, %dma_wait3A_923] : memref<98304x128xf32, #tpu.memory_space<hbm>> -> memref<128x128xf32, #tpu.memory_space<hbm>>
    %dma_wait3A_925 = arith.constant 0 : i32
    %dma_wait3A_926 = tpu.memref_slice %arg4[%add3A_904, %dma_wait3A_925] : memref<98304x128xf32, #tpu.memory_space<hbm>> -> memref<128x128xf32, #tpu.memory_space<hbm>>
    %dma_wait3A_927 = arith.constant 0 : i32
    %dma_wait3A_928 = arith.constant 0 : i32
    %dma_wait3A_929 = tpu.memref_slice %arg6[%dma_wait3A_918, %dma_wait3A_927, %dma_wait3A_928] : memref<2x128x128xf32, #tpu.memory_space<vmem>> -> memref<1x128x128xf32, #tpu.memory_space<vmem>>
    %dma_wait3A_930 = tpu.memref_squeeze %dma_wait3A_929 : memref<1x128x128xf32, #tpu.memory_space<vmem>> -> memref<128x128xf32, #tpu.memory_space<vmem>>
    tpu.wait_dma2 semaphore(%arg9 : memref<!tpu.dma_semaphore, #tpu.memory_space<semaphore_mem>>) src(%dma_wait3A_930 : memref<128x128xf32, #tpu.memory_space<vmem>>) dst(%dma_wait3A_926 : memref<128x128xf32, #tpu.memory_space<hbm>>)
    %dma_start3A_931 = arith.constant 18 : i32
    %dma_start3A_932 = arith.constant 0 : i32
    %dma_start3A_933 = arith.constant 0 : i32
    %dma_start3A_934 = arith.constant 0 : i32
    %dma_start3A_935 = tpu.memref_slice %arg6[%dma_start3A_932, %dma_start3A_933, %dma_start3A_934] : memref<2x128x128xf32, #tpu.memory_space<vmem>> -> memref<1x128x128xf32, #tpu.memory_space<vmem>>
    %dma_start3A_936 = tpu.memref_squeeze %dma_start3A_935 : memref<1x128x128xf32, #tpu.memory_space<vmem>> -> memref<128x128xf32, #tpu.memory_space<vmem>>
    %dma_start3A_937 = arith.constant 0 : i32
    %dma_start3A_938 = tpu.memref_slice %arg5[%dma_start3A_931, %dma_start3A_937] : memref<24x128xi32, #tpu.memory_space<vmem>> -> memref<1x128xi32, #tpu.memory_space<vmem>>
    %dma_start3A_939 = tpu.memref_squeeze %dma_start3A_938 : memref<1x128xi32, #tpu.memory_space<vmem>> -> memref<128xi32, #tpu.memory_space<vmem>>
    %dma_start3A_940 = arith.constant 0 : i32
    %dma_start3A_941 = arith.constant 0 : i32
    %dma_start3A_942 = tpu.memref_slice %arg2[%dma_start3A_940, %dma_start3A_941] : memref<100000x128xf32, #tpu.memory_space<hbm>> -> memref<100000x128xf32, #tpu.memory_space<hbm>>
    tpu.enqueue_indirect_dma source(%dma_start3A_942 : memref<100000x128xf32, #tpu.memory_space<hbm>>) target(%dma_start3A_936 : memref<128x128xf32, #tpu.memory_space<vmem>>) offsets(%dma_start3A_939 : memref<128xi32, #tpu.memory_space<vmem>>) semaphore(%arg7 : memref<!tpu.dma_semaphore, #tpu.memory_space<semaphore_mem>>)
    %dma_wait3A_943 = arith.constant 17 : i32
    %dma_wait3A_944 = arith.constant 1 : i32
    %dma_wait3A_945 = arith.constant 0 : i32
    %dma_wait3A_946 = arith.constant 0 : i32
    %dma_wait3A_947 = tpu.memref_slice %arg6[%dma_wait3A_944, %dma_wait3A_945, %dma_wait3A_946] : memref<2x128x128xf32, #tpu.memory_space<vmem>> -> memref<1x128x128xf32, #tpu.memory_space<vmem>>
    %dma_wait3A_948 = tpu.memref_squeeze %dma_wait3A_947 : memref<1x128x128xf32, #tpu.memory_space<vmem>> -> memref<128x128xf32, #tpu.memory_space<vmem>>
    %dma_wait3A_949 = arith.constant 0 : i32
    %dma_wait3A_950 = tpu.memref_slice %arg5[%dma_wait3A_943, %dma_wait3A_949] : memref<24x128xi32, #tpu.memory_space<vmem>> -> memref<1x128xi32, #tpu.memory_space<vmem>>
    %dma_wait3A_951 = tpu.memref_squeeze %dma_wait3A_950 : memref<1x128xi32, #tpu.memory_space<vmem>> -> memref<128xi32, #tpu.memory_space<vmem>>
    %dma_wait3A_952 = arith.constant 0 : i32
    %dma_wait3A_953 = arith.constant 0 : i32
    %dma_wait3A_954 = tpu.memref_slice %arg2[%dma_wait3A_952, %dma_wait3A_953] : memref<100000x128xf32, #tpu.memory_space<hbm>> -> memref<100000x128xf32, #tpu.memory_space<hbm>>
    tpu.wait_indirect_dma semaphore(%arg8 : memref<!tpu.dma_semaphore, #tpu.memory_space<semaphore_mem>>) src(%dma_wait3A_954 : memref<100000x128xf32, #tpu.memory_space<hbm>>) dst(%dma_wait3A_948 : memref<128x128xf32, #tpu.memory_space<vmem>>)
    %mul3A_955 = arith.constant 3072 : i32
    %mul3A_956 = arith.muli %add3A, %mul3A_955 : i32
    %add3A_957 = arith.constant 2176 : i32
    %add3A_958 = arith.addi %mul3A_956, %add3A_957 : i32
    %dma_start3A_959 = arith.constant 1 : i32
    %dma_start3A_960 = arith.constant 0 : i32
    %dma_start3A_961 = arith.constant 0 : i32
    %dma_start3A_962 = tpu.memref_slice %arg6[%dma_start3A_959, %dma_start3A_960, %dma_start3A_961] : memref<2x128x128xf32, #tpu.memory_space<vmem>> -> memref<1x128x128xf32, #tpu.memory_space<vmem>>
    %dma_start3A_963 = tpu.memref_squeeze %dma_start3A_962 : memref<1x128x128xf32, #tpu.memory_space<vmem>> -> memref<128x128xf32, #tpu.memory_space<vmem>>
    %dma_start3A_964 = arith.constant 0 : i32
    %dma_start3A_965 = tpu.memref_slice %arg4[%add3A_958, %dma_start3A_964] : memref<98304x128xf32, #tpu.memory_space<hbm>> -> memref<128x128xf32, #tpu.memory_space<hbm>>
    %dma_start3A_966 = arith.constant 0 : i32
    %dma_start3A_967 = tpu.memref_slice %arg4[%add3A_958, %dma_start3A_966] : memref<98304x128xf32, #tpu.memory_space<hbm>> -> memref<128x128xf32, #tpu.memory_space<hbm>>
    %dma_start3A_968 = arith.constant 0 : i32
    %dma_start3A_969 = arith.constant 0 : i32
    %dma_start3A_970 = tpu.memref_slice %arg6[%dma_start3A_959, %dma_start3A_968, %dma_start3A_969] : memref<2x128x128xf32, #tpu.memory_space<vmem>> -> memref<1x128x128xf32, #tpu.memory_space<vmem>>
    %dma_start3A_971 = tpu.memref_squeeze %dma_start3A_970 : memref<1x128x128xf32, #tpu.memory_space<vmem>> -> memref<128x128xf32, #tpu.memory_space<vmem>>
    tpu.enqueue_dma source(%dma_start3A_971 : memref<128x128xf32, #tpu.memory_space<vmem>>) target(%dma_start3A_967 : memref<128x128xf32, #tpu.memory_space<hbm>>) target_semaphore(%arg10 : memref<!tpu.dma_semaphore, #tpu.memory_space<semaphore_mem>>)
    %dma_wait3A_972 = arith.constant 1 : i32
    %dma_wait3A_973 = arith.constant 0 : i32
    %dma_wait3A_974 = arith.constant 0 : i32
    %dma_wait3A_975 = tpu.memref_slice %arg6[%dma_wait3A_972, %dma_wait3A_973, %dma_wait3A_974] : memref<2x128x128xf32, #tpu.memory_space<vmem>> -> memref<1x128x128xf32, #tpu.memory_space<vmem>>
    %dma_wait3A_976 = tpu.memref_squeeze %dma_wait3A_975 : memref<1x128x128xf32, #tpu.memory_space<vmem>> -> memref<128x128xf32, #tpu.memory_space<vmem>>
    %dma_wait3A_977 = arith.constant 0 : i32
    %dma_wait3A_978 = tpu.memref_slice %arg4[%add3A_958, %dma_wait3A_977] : memref<98304x128xf32, #tpu.memory_space<hbm>> -> memref<128x128xf32, #tpu.memory_space<hbm>>
    %dma_wait3A_979 = arith.constant 0 : i32
    %dma_wait3A_980 = tpu.memref_slice %arg4[%add3A_958, %dma_wait3A_979] : memref<98304x128xf32, #tpu.memory_space<hbm>> -> memref<128x128xf32, #tpu.memory_space<hbm>>
    %dma_wait3A_981 = arith.constant 0 : i32
    %dma_wait3A_982 = arith.constant 0 : i32
    %dma_wait3A_983 = tpu.memref_slice %arg6[%dma_wait3A_972, %dma_wait3A_981, %dma_wait3A_982] : memref<2x128x128xf32, #tpu.memory_space<vmem>> -> memref<1x128x128xf32, #tpu.memory_space<vmem>>
    %dma_wait3A_984 = tpu.memref_squeeze %dma_wait3A_983 : memref<1x128x128xf32, #tpu.memory_space<vmem>> -> memref<128x128xf32, #tpu.memory_space<vmem>>
    tpu.wait_dma2 semaphore(%arg10 : memref<!tpu.dma_semaphore, #tpu.memory_space<semaphore_mem>>) src(%dma_wait3A_984 : memref<128x128xf32, #tpu.memory_space<vmem>>) dst(%dma_wait3A_980 : memref<128x128xf32, #tpu.memory_space<hbm>>)
    %dma_start3A_985 = arith.constant 19 : i32
    %dma_start3A_986 = arith.constant 1 : i32
    %dma_start3A_987 = arith.constant 0 : i32
    %dma_start3A_988 = arith.constant 0 : i32
    %dma_start3A_989 = tpu.memref_slice %arg6[%dma_start3A_986, %dma_start3A_987, %dma_start3A_988] : memref<2x128x128xf32, #tpu.memory_space<vmem>> -> memref<1x128x128xf32, #tpu.memory_space<vmem>>
    %dma_start3A_990 = tpu.memref_squeeze %dma_start3A_989 : memref<1x128x128xf32, #tpu.memory_space<vmem>> -> memref<128x128xf32, #tpu.memory_space<vmem>>
    %dma_start3A_991 = arith.constant 0 : i32
    %dma_start3A_992 = tpu.memref_slice %arg5[%dma_start3A_985, %dma_start3A_991] : memref<24x128xi32, #tpu.memory_space<vmem>> -> memref<1x128xi32, #tpu.memory_space<vmem>>
    %dma_start3A_993 = tpu.memref_squeeze %dma_start3A_992 : memref<1x128xi32, #tpu.memory_space<vmem>> -> memref<128xi32, #tpu.memory_space<vmem>>
    %dma_start3A_994 = arith.constant 0 : i32
    %dma_start3A_995 = arith.constant 0 : i32
    %dma_start3A_996 = tpu.memref_slice %arg2[%dma_start3A_994, %dma_start3A_995] : memref<100000x128xf32, #tpu.memory_space<hbm>> -> memref<100000x128xf32, #tpu.memory_space<hbm>>
    tpu.enqueue_indirect_dma source(%dma_start3A_996 : memref<100000x128xf32, #tpu.memory_space<hbm>>) target(%dma_start3A_990 : memref<128x128xf32, #tpu.memory_space<vmem>>) offsets(%dma_start3A_993 : memref<128xi32, #tpu.memory_space<vmem>>) semaphore(%arg8 : memref<!tpu.dma_semaphore, #tpu.memory_space<semaphore_mem>>)
    %dma_wait3A_997 = arith.constant 18 : i32
    %dma_wait3A_998 = arith.constant 0 : i32
    %dma_wait3A_999 = arith.constant 0 : i32
    %dma_wait3A_1000 = arith.constant 0 : i32
    %dma_wait3A_1001 = tpu.memref_slice %arg6[%dma_wait3A_998, %dma_wait3A_999, %dma_wait3A_1000] : memref<2x128x128xf32, #tpu.memory_space<vmem>> -> memref<1x128x128xf32, #tpu.memory_space<vmem>>
    %dma_wait3A_1002 = tpu.memref_squeeze %dma_wait3A_1001 : memref<1x128x128xf32, #tpu.memory_space<vmem>> -> memref<128x128xf32, #tpu.memory_space<vmem>>
    %dma_wait3A_1003 = arith.constant 0 : i32
    %dma_wait3A_1004 = tpu.memref_slice %arg5[%dma_wait3A_997, %dma_wait3A_1003] : memref<24x128xi32, #tpu.memory_space<vmem>> -> memref<1x128xi32, #tpu.memory_space<vmem>>
    %dma_wait3A_1005 = tpu.memref_squeeze %dma_wait3A_1004 : memref<1x128xi32, #tpu.memory_space<vmem>> -> memref<128xi32, #tpu.memory_space<vmem>>
    %dma_wait3A_1006 = arith.constant 0 : i32
    %dma_wait3A_1007 = arith.constant 0 : i32
    %dma_wait3A_1008 = tpu.memref_slice %arg2[%dma_wait3A_1006, %dma_wait3A_1007] : memref<100000x128xf32, #tpu.memory_space<hbm>> -> memref<100000x128xf32, #tpu.memory_space<hbm>>
    tpu.wait_indirect_dma semaphore(%arg7 : memref<!tpu.dma_semaphore, #tpu.memory_space<semaphore_mem>>) src(%dma_wait3A_1008 : memref<100000x128xf32, #tpu.memory_space<hbm>>) dst(%dma_wait3A_1002 : memref<128x128xf32, #tpu.memory_space<vmem>>)
    %mul3A_1009 = arith.constant 3072 : i32
    %mul3A_1010 = arith.muli %add3A, %mul3A_1009 : i32
    %add3A_1011 = arith.constant 2304 : i32
    %add3A_1012 = arith.addi %mul3A_1010, %add3A_1011 : i32
    %dma_start3A_1013 = arith.constant 0 : i32
    %dma_start3A_1014 = arith.constant 0 : i32
    %dma_start3A_1015 = arith.constant 0 : i32
    %dma_start3A_1016 = tpu.memref_slice %arg6[%dma_start3A_1013, %dma_start3A_1014, %dma_start3A_1015] : memref<2x128x128xf32, #tpu.memory_space<vmem>> -> memref<1x128x128xf32, #tpu.memory_space<vmem>>
    %dma_start3A_1017 = tpu.memref_squeeze %dma_start3A_1016 : memref<1x128x128xf32, #tpu.memory_space<vmem>> -> memref<128x128xf32, #tpu.memory_space<vmem>>
    %dma_start3A_1018 = arith.constant 0 : i32
    %dma_start3A_1019 = tpu.memref_slice %arg4[%add3A_1012, %dma_start3A_1018] : memref<98304x128xf32, #tpu.memory_space<hbm>> -> memref<128x128xf32, #tpu.memory_space<hbm>>
    %dma_start3A_1020 = arith.constant 0 : i32
    %dma_start3A_1021 = tpu.memref_slice %arg4[%add3A_1012, %dma_start3A_1020] : memref<98304x128xf32, #tpu.memory_space<hbm>> -> memref<128x128xf32, #tpu.memory_space<hbm>>
    %dma_start3A_1022 = arith.constant 0 : i32
    %dma_start3A_1023 = arith.constant 0 : i32
    %dma_start3A_1024 = tpu.memref_slice %arg6[%dma_start3A_1013, %dma_start3A_1022, %dma_start3A_1023] : memref<2x128x128xf32, #tpu.memory_space<vmem>> -> memref<1x128x128xf32, #tpu.memory_space<vmem>>
    %dma_start3A_1025 = tpu.memref_squeeze %dma_start3A_1024 : memref<1x128x128xf32, #tpu.memory_space<vmem>> -> memref<128x128xf32, #tpu.memory_space<vmem>>
    tpu.enqueue_dma source(%dma_start3A_1025 : memref<128x128xf32, #tpu.memory_space<vmem>>) target(%dma_start3A_1021 : memref<128x128xf32, #tpu.memory_space<hbm>>) target_semaphore(%arg9 : memref<!tpu.dma_semaphore, #tpu.memory_space<semaphore_mem>>)
    %dma_wait3A_1026 = arith.constant 0 : i32
    %dma_wait3A_1027 = arith.constant 0 : i32
    %dma_wait3A_1028 = arith.constant 0 : i32
    %dma_wait3A_1029 = tpu.memref_slice %arg6[%dma_wait3A_1026, %dma_wait3A_1027, %dma_wait3A_1028] : memref<2x128x128xf32, #tpu.memory_space<vmem>> -> memref<1x128x128xf32, #tpu.memory_space<vmem>>
    %dma_wait3A_1030 = tpu.memref_squeeze %dma_wait3A_1029 : memref<1x128x128xf32, #tpu.memory_space<vmem>> -> memref<128x128xf32, #tpu.memory_space<vmem>>
    %dma_wait3A_1031 = arith.constant 0 : i32
    %dma_wait3A_1032 = tpu.memref_slice %arg4[%add3A_1012, %dma_wait3A_1031] : memref<98304x128xf32, #tpu.memory_space<hbm>> -> memref<128x128xf32, #tpu.memory_space<hbm>>
    %dma_wait3A_1033 = arith.constant 0 : i32
    %dma_wait3A_1034 = tpu.memref_slice %arg4[%add3A_1012, %dma_wait3A_1033] : memref<98304x128xf32, #tpu.memory_space<hbm>> -> memref<128x128xf32, #tpu.memory_space<hbm>>
    %dma_wait3A_1035 = arith.constant 0 : i32
    %dma_wait3A_1036 = arith.constant 0 : i32
    %dma_wait3A_1037 = tpu.memref_slice %arg6[%dma_wait3A_1026, %dma_wait3A_1035, %dma_wait3A_1036] : memref<2x128x128xf32, #tpu.memory_space<vmem>> -> memref<1x128x128xf32, #tpu.memory_space<vmem>>
    %dma_wait3A_1038 = tpu.memref_squeeze %dma_wait3A_1037 : memref<1x128x128xf32, #tpu.memory_space<vmem>> -> memref<128x128xf32, #tpu.memory_space<vmem>>
    tpu.wait_dma2 semaphore(%arg9 : memref<!tpu.dma_semaphore, #tpu.memory_space<semaphore_mem>>) src(%dma_wait3A_1038 : memref<128x128xf32, #tpu.memory_space<vmem>>) dst(%dma_wait3A_1034 : memref<128x128xf32, #tpu.memory_space<hbm>>)
    %dma_start3A_1039 = arith.constant 20 : i32
    %dma_start3A_1040 = arith.constant 0 : i32
    %dma_start3A_1041 = arith.constant 0 : i32
    %dma_start3A_1042 = arith.constant 0 : i32
    %dma_start3A_1043 = tpu.memref_slice %arg6[%dma_start3A_1040, %dma_start3A_1041, %dma_start3A_1042] : memref<2x128x128xf32, #tpu.memory_space<vmem>> -> memref<1x128x128xf32, #tpu.memory_space<vmem>>
    %dma_start3A_1044 = tpu.memref_squeeze %dma_start3A_1043 : memref<1x128x128xf32, #tpu.memory_space<vmem>> -> memref<128x128xf32, #tpu.memory_space<vmem>>
    %dma_start3A_1045 = arith.constant 0 : i32
    %dma_start3A_1046 = tpu.memref_slice %arg5[%dma_start3A_1039, %dma_start3A_1045] : memref<24x128xi32, #tpu.memory_space<vmem>> -> memref<1x128xi32, #tpu.memory_space<vmem>>
    %dma_start3A_1047 = tpu.memref_squeeze %dma_start3A_1046 : memref<1x128xi32, #tpu.memory_space<vmem>> -> memref<128xi32, #tpu.memory_space<vmem>>
    %dma_start3A_1048 = arith.constant 0 : i32
    %dma_start3A_1049 = arith.constant 0 : i32
    %dma_start3A_1050 = tpu.memref_slice %arg2[%dma_start3A_1048, %dma_start3A_1049] : memref<100000x128xf32, #tpu.memory_space<hbm>> -> memref<100000x128xf32, #tpu.memory_space<hbm>>
    tpu.enqueue_indirect_dma source(%dma_start3A_1050 : memref<100000x128xf32, #tpu.memory_space<hbm>>) target(%dma_start3A_1044 : memref<128x128xf32, #tpu.memory_space<vmem>>) offsets(%dma_start3A_1047 : memref<128xi32, #tpu.memory_space<vmem>>) semaphore(%arg7 : memref<!tpu.dma_semaphore, #tpu.memory_space<semaphore_mem>>)
    %dma_wait3A_1051 = arith.constant 19 : i32
    %dma_wait3A_1052 = arith.constant 1 : i32
    %dma_wait3A_1053 = arith.constant 0 : i32
    %dma_wait3A_1054 = arith.constant 0 : i32
    %dma_wait3A_1055 = tpu.memref_slice %arg6[%dma_wait3A_1052, %dma_wait3A_1053, %dma_wait3A_1054] : memref<2x128x128xf32, #tpu.memory_space<vmem>> -> memref<1x128x128xf32, #tpu.memory_space<vmem>>
    %dma_wait3A_1056 = tpu.memref_squeeze %dma_wait3A_1055 : memref<1x128x128xf32, #tpu.memory_space<vmem>> -> memref<128x128xf32, #tpu.memory_space<vmem>>
    %dma_wait3A_1057 = arith.constant 0 : i32
    %dma_wait3A_1058 = tpu.memref_slice %arg5[%dma_wait3A_1051, %dma_wait3A_1057] : memref<24x128xi32, #tpu.memory_space<vmem>> -> memref<1x128xi32, #tpu.memory_space<vmem>>
    %dma_wait3A_1059 = tpu.memref_squeeze %dma_wait3A_1058 : memref<1x128xi32, #tpu.memory_space<vmem>> -> memref<128xi32, #tpu.memory_space<vmem>>
    %dma_wait3A_1060 = arith.constant 0 : i32
    %dma_wait3A_1061 = arith.constant 0 : i32
    %dma_wait3A_1062 = tpu.memref_slice %arg2[%dma_wait3A_1060, %dma_wait3A_1061] : memref<100000x128xf32, #tpu.memory_space<hbm>> -> memref<100000x128xf32, #tpu.memory_space<hbm>>
    tpu.wait_indirect_dma semaphore(%arg8 : memref<!tpu.dma_semaphore, #tpu.memory_space<semaphore_mem>>) src(%dma_wait3A_1062 : memref<100000x128xf32, #tpu.memory_space<hbm>>) dst(%dma_wait3A_1056 : memref<128x128xf32, #tpu.memory_space<vmem>>)
    %mul3A_1063 = arith.constant 3072 : i32
    %mul3A_1064 = arith.muli %add3A, %mul3A_1063 : i32
    %add3A_1065 = arith.constant 2432 : i32
    %add3A_1066 = arith.addi %mul3A_1064, %add3A_1065 : i32
    %dma_start3A_1067 = arith.constant 1 : i32
    %dma_start3A_1068 = arith.constant 0 : i32
    %dma_start3A_1069 = arith.constant 0 : i32
    %dma_start3A_1070 = tpu.memref_slice %arg6[%dma_start3A_1067, %dma_start3A_1068, %dma_start3A_1069] : memref<2x128x128xf32, #tpu.memory_space<vmem>> -> memref<1x128x128xf32, #tpu.memory_space<vmem>>
    %dma_start3A_1071 = tpu.memref_squeeze %dma_start3A_1070 : memref<1x128x128xf32, #tpu.memory_space<vmem>> -> memref<128x128xf32, #tpu.memory_space<vmem>>
    %dma_start3A_1072 = arith.constant 0 : i32
    %dma_start3A_1073 = tpu.memref_slice %arg4[%add3A_1066, %dma_start3A_1072] : memref<98304x128xf32, #tpu.memory_space<hbm>> -> memref<128x128xf32, #tpu.memory_space<hbm>>
    %dma_start3A_1074 = arith.constant 0 : i32
    %dma_start3A_1075 = tpu.memref_slice %arg4[%add3A_1066, %dma_start3A_1074] : memref<98304x128xf32, #tpu.memory_space<hbm>> -> memref<128x128xf32, #tpu.memory_space<hbm>>
    %dma_start3A_1076 = arith.constant 0 : i32
    %dma_start3A_1077 = arith.constant 0 : i32
    %dma_start3A_1078 = tpu.memref_slice %arg6[%dma_start3A_1067, %dma_start3A_1076, %dma_start3A_1077] : memref<2x128x128xf32, #tpu.memory_space<vmem>> -> memref<1x128x128xf32, #tpu.memory_space<vmem>>
    %dma_start3A_1079 = tpu.memref_squeeze %dma_start3A_1078 : memref<1x128x128xf32, #tpu.memory_space<vmem>> -> memref<128x128xf32, #tpu.memory_space<vmem>>
    tpu.enqueue_dma source(%dma_start3A_1079 : memref<128x128xf32, #tpu.memory_space<vmem>>) target(%dma_start3A_1075 : memref<128x128xf32, #tpu.memory_space<hbm>>) target_semaphore(%arg10 : memref<!tpu.dma_semaphore, #tpu.memory_space<semaphore_mem>>)
    %dma_wait3A_1080 = arith.constant 1 : i32
    %dma_wait3A_1081 = arith.constant 0 : i32
    %dma_wait3A_1082 = arith.constant 0 : i32
    %dma_wait3A_1083 = tpu.memref_slice %arg6[%dma_wait3A_1080, %dma_wait3A_1081, %dma_wait3A_1082] : memref<2x128x128xf32, #tpu.memory_space<vmem>> -> memref<1x128x128xf32, #tpu.memory_space<vmem>>
    %dma_wait3A_1084 = tpu.memref_squeeze %dma_wait3A_1083 : memref<1x128x128xf32, #tpu.memory_space<vmem>> -> memref<128x128xf32, #tpu.memory_space<vmem>>
    %dma_wait3A_1085 = arith.constant 0 : i32
    %dma_wait3A_1086 = tpu.memref_slice %arg4[%add3A_1066, %dma_wait3A_1085] : memref<98304x128xf32, #tpu.memory_space<hbm>> -> memref<128x128xf32, #tpu.memory_space<hbm>>
    %dma_wait3A_1087 = arith.constant 0 : i32
    %dma_wait3A_1088 = tpu.memref_slice %arg4[%add3A_1066, %dma_wait3A_1087] : memref<98304x128xf32, #tpu.memory_space<hbm>> -> memref<128x128xf32, #tpu.memory_space<hbm>>
    %dma_wait3A_1089 = arith.constant 0 : i32
    %dma_wait3A_1090 = arith.constant 0 : i32
    %dma_wait3A_1091 = tpu.memref_slice %arg6[%dma_wait3A_1080, %dma_wait3A_1089, %dma_wait3A_1090] : memref<2x128x128xf32, #tpu.memory_space<vmem>> -> memref<1x128x128xf32, #tpu.memory_space<vmem>>
    %dma_wait3A_1092 = tpu.memref_squeeze %dma_wait3A_1091 : memref<1x128x128xf32, #tpu.memory_space<vmem>> -> memref<128x128xf32, #tpu.memory_space<vmem>>
    tpu.wait_dma2 semaphore(%arg10 : memref<!tpu.dma_semaphore, #tpu.memory_space<semaphore_mem>>) src(%dma_wait3A_1092 : memref<128x128xf32, #tpu.memory_space<vmem>>) dst(%dma_wait3A_1088 : memref<128x128xf32, #tpu.memory_space<hbm>>)
    %dma_start3A_1093 = arith.constant 21 : i32
    %dma_start3A_1094 = arith.constant 1 : i32
    %dma_start3A_1095 = arith.constant 0 : i32
    %dma_start3A_1096 = arith.constant 0 : i32
    %dma_start3A_1097 = tpu.memref_slice %arg6[%dma_start3A_1094, %dma_start3A_1095, %dma_start3A_1096] : memref<2x128x128xf32, #tpu.memory_space<vmem>> -> memref<1x128x128xf32, #tpu.memory_space<vmem>>
    %dma_start3A_1098 = tpu.memref_squeeze %dma_start3A_1097 : memref<1x128x128xf32, #tpu.memory_space<vmem>> -> memref<128x128xf32, #tpu.memory_space<vmem>>
    %dma_start3A_1099 = arith.constant 0 : i32
    %dma_start3A_1100 = tpu.memref_slice %arg5[%dma_start3A_1093, %dma_start3A_1099] : memref<24x128xi32, #tpu.memory_space<vmem>> -> memref<1x128xi32, #tpu.memory_space<vmem>>
    %dma_start3A_1101 = tpu.memref_squeeze %dma_start3A_1100 : memref<1x128xi32, #tpu.memory_space<vmem>> -> memref<128xi32, #tpu.memory_space<vmem>>
    %dma_start3A_1102 = arith.constant 0 : i32
    %dma_start3A_1103 = arith.constant 0 : i32
    %dma_start3A_1104 = tpu.memref_slice %arg2[%dma_start3A_1102, %dma_start3A_1103] : memref<100000x128xf32, #tpu.memory_space<hbm>> -> memref<100000x128xf32, #tpu.memory_space<hbm>>
    tpu.enqueue_indirect_dma source(%dma_start3A_1104 : memref<100000x128xf32, #tpu.memory_space<hbm>>) target(%dma_start3A_1098 : memref<128x128xf32, #tpu.memory_space<vmem>>) offsets(%dma_start3A_1101 : memref<128xi32, #tpu.memory_space<vmem>>) semaphore(%arg8 : memref<!tpu.dma_semaphore, #tpu.memory_space<semaphore_mem>>)
    %dma_wait3A_1105 = arith.constant 20 : i32
    %dma_wait3A_1106 = arith.constant 0 : i32
    %dma_wait3A_1107 = arith.constant 0 : i32
    %dma_wait3A_1108 = arith.constant 0 : i32
    %dma_wait3A_1109 = tpu.memref_slice %arg6[%dma_wait3A_1106, %dma_wait3A_1107, %dma_wait3A_1108] : memref<2x128x128xf32, #tpu.memory_space<vmem>> -> memref<1x128x128xf32, #tpu.memory_space<vmem>>
    %dma_wait3A_1110 = tpu.memref_squeeze %dma_wait3A_1109 : memref<1x128x128xf32, #tpu.memory_space<vmem>> -> memref<128x128xf32, #tpu.memory_space<vmem>>
    %dma_wait3A_1111 = arith.constant 0 : i32
    %dma_wait3A_1112 = tpu.memref_slice %arg5[%dma_wait3A_1105, %dma_wait3A_1111] : memref<24x128xi32, #tpu.memory_space<vmem>> -> memref<1x128xi32, #tpu.memory_space<vmem>>
    %dma_wait3A_1113 = tpu.memref_squeeze %dma_wait3A_1112 : memref<1x128xi32, #tpu.memory_space<vmem>> -> memref<128xi32, #tpu.memory_space<vmem>>
    %dma_wait3A_1114 = arith.constant 0 : i32
    %dma_wait3A_1115 = arith.constant 0 : i32
    %dma_wait3A_1116 = tpu.memref_slice %arg2[%dma_wait3A_1114, %dma_wait3A_1115] : memref<100000x128xf32, #tpu.memory_space<hbm>> -> memref<100000x128xf32, #tpu.memory_space<hbm>>
    tpu.wait_indirect_dma semaphore(%arg7 : memref<!tpu.dma_semaphore, #tpu.memory_space<semaphore_mem>>) src(%dma_wait3A_1116 : memref<100000x128xf32, #tpu.memory_space<hbm>>) dst(%dma_wait3A_1110 : memref<128x128xf32, #tpu.memory_space<vmem>>)
    %mul3A_1117 = arith.constant 3072 : i32
    %mul3A_1118 = arith.muli %add3A, %mul3A_1117 : i32
    %add3A_1119 = arith.constant 2560 : i32
    %add3A_1120 = arith.addi %mul3A_1118, %add3A_1119 : i32
    %dma_start3A_1121 = arith.constant 0 : i32
    %dma_start3A_1122 = arith.constant 0 : i32
    %dma_start3A_1123 = arith.constant 0 : i32
    %dma_start3A_1124 = tpu.memref_slice %arg6[%dma_start3A_1121, %dma_start3A_1122, %dma_start3A_1123] : memref<2x128x128xf32, #tpu.memory_space<vmem>> -> memref<1x128x128xf32, #tpu.memory_space<vmem>>
    %dma_start3A_1125 = tpu.memref_squeeze %dma_start3A_1124 : memref<1x128x128xf32, #tpu.memory_space<vmem>> -> memref<128x128xf32, #tpu.memory_space<vmem>>
    %dma_start3A_1126 = arith.constant 0 : i32
    %dma_start3A_1127 = tpu.memref_slice %arg4[%add3A_1120, %dma_start3A_1126] : memref<98304x128xf32, #tpu.memory_space<hbm>> -> memref<128x128xf32, #tpu.memory_space<hbm>>
    %dma_start3A_1128 = arith.constant 0 : i32
    %dma_start3A_1129 = tpu.memref_slice %arg4[%add3A_1120, %dma_start3A_1128] : memref<98304x128xf32, #tpu.memory_space<hbm>> -> memref<128x128xf32, #tpu.memory_space<hbm>>
    %dma_start3A_1130 = arith.constant 0 : i32
    %dma_start3A_1131 = arith.constant 0 : i32
    %dma_start3A_1132 = tpu.memref_slice %arg6[%dma_start3A_1121, %dma_start3A_1130, %dma_start3A_1131] : memref<2x128x128xf32, #tpu.memory_space<vmem>> -> memref<1x128x128xf32, #tpu.memory_space<vmem>>
    %dma_start3A_1133 = tpu.memref_squeeze %dma_start3A_1132 : memref<1x128x128xf32, #tpu.memory_space<vmem>> -> memref<128x128xf32, #tpu.memory_space<vmem>>
    tpu.enqueue_dma source(%dma_start3A_1133 : memref<128x128xf32, #tpu.memory_space<vmem>>) target(%dma_start3A_1129 : memref<128x128xf32, #tpu.memory_space<hbm>>) target_semaphore(%arg9 : memref<!tpu.dma_semaphore, #tpu.memory_space<semaphore_mem>>)
    %dma_wait3A_1134 = arith.constant 0 : i32
    %dma_wait3A_1135 = arith.constant 0 : i32
    %dma_wait3A_1136 = arith.constant 0 : i32
    %dma_wait3A_1137 = tpu.memref_slice %arg6[%dma_wait3A_1134, %dma_wait3A_1135, %dma_wait3A_1136] : memref<2x128x128xf32, #tpu.memory_space<vmem>> -> memref<1x128x128xf32, #tpu.memory_space<vmem>>
    %dma_wait3A_1138 = tpu.memref_squeeze %dma_wait3A_1137 : memref<1x128x128xf32, #tpu.memory_space<vmem>> -> memref<128x128xf32, #tpu.memory_space<vmem>>
    %dma_wait3A_1139 = arith.constant 0 : i32
    %dma_wait3A_1140 = tpu.memref_slice %arg4[%add3A_1120, %dma_wait3A_1139] : memref<98304x128xf32, #tpu.memory_space<hbm>> -> memref<128x128xf32, #tpu.memory_space<hbm>>
    %dma_wait3A_1141 = arith.constant 0 : i32
    %dma_wait3A_1142 = tpu.memref_slice %arg4[%add3A_1120, %dma_wait3A_1141] : memref<98304x128xf32, #tpu.memory_space<hbm>> -> memref<128x128xf32, #tpu.memory_space<hbm>>
    %dma_wait3A_1143 = arith.constant 0 : i32
    %dma_wait3A_1144 = arith.constant 0 : i32
    %dma_wait3A_1145 = tpu.memref_slice %arg6[%dma_wait3A_1134, %dma_wait3A_1143, %dma_wait3A_1144] : memref<2x128x128xf32, #tpu.memory_space<vmem>> -> memref<1x128x128xf32, #tpu.memory_space<vmem>>
    %dma_wait3A_1146 = tpu.memref_squeeze %dma_wait3A_1145 : memref<1x128x128xf32, #tpu.memory_space<vmem>> -> memref<128x128xf32, #tpu.memory_space<vmem>>
    tpu.wait_dma2 semaphore(%arg9 : memref<!tpu.dma_semaphore, #tpu.memory_space<semaphore_mem>>) src(%dma_wait3A_1146 : memref<128x128xf32, #tpu.memory_space<vmem>>) dst(%dma_wait3A_1142 : memref<128x128xf32, #tpu.memory_space<hbm>>)
    %dma_start3A_1147 = arith.constant 22 : i32
    %dma_start3A_1148 = arith.constant 0 : i32
    %dma_start3A_1149 = arith.constant 0 : i32
    %dma_start3A_1150 = arith.constant 0 : i32
    %dma_start3A_1151 = tpu.memref_slice %arg6[%dma_start3A_1148, %dma_start3A_1149, %dma_start3A_1150] : memref<2x128x128xf32, #tpu.memory_space<vmem>> -> memref<1x128x128xf32, #tpu.memory_space<vmem>>
    %dma_start3A_1152 = tpu.memref_squeeze %dma_start3A_1151 : memref<1x128x128xf32, #tpu.memory_space<vmem>> -> memref<128x128xf32, #tpu.memory_space<vmem>>
    %dma_start3A_1153 = arith.constant 0 : i32
    %dma_start3A_1154 = tpu.memref_slice %arg5[%dma_start3A_1147, %dma_start3A_1153] : memref<24x128xi32, #tpu.memory_space<vmem>> -> memref<1x128xi32, #tpu.memory_space<vmem>>
    %dma_start3A_1155 = tpu.memref_squeeze %dma_start3A_1154 : memref<1x128xi32, #tpu.memory_space<vmem>> -> memref<128xi32, #tpu.memory_space<vmem>>
    %dma_start3A_1156 = arith.constant 0 : i32
    %dma_start3A_1157 = arith.constant 0 : i32
    %dma_start3A_1158 = tpu.memref_slice %arg2[%dma_start3A_1156, %dma_start3A_1157] : memref<100000x128xf32, #tpu.memory_space<hbm>> -> memref<100000x128xf32, #tpu.memory_space<hbm>>
    tpu.enqueue_indirect_dma source(%dma_start3A_1158 : memref<100000x128xf32, #tpu.memory_space<hbm>>) target(%dma_start3A_1152 : memref<128x128xf32, #tpu.memory_space<vmem>>) offsets(%dma_start3A_1155 : memref<128xi32, #tpu.memory_space<vmem>>) semaphore(%arg7 : memref<!tpu.dma_semaphore, #tpu.memory_space<semaphore_mem>>)
    %dma_wait3A_1159 = arith.constant 21 : i32
    %dma_wait3A_1160 = arith.constant 1 : i32
    %dma_wait3A_1161 = arith.constant 0 : i32
    %dma_wait3A_1162 = arith.constant 0 : i32
    %dma_wait3A_1163 = tpu.memref_slice %arg6[%dma_wait3A_1160, %dma_wait3A_1161, %dma_wait3A_1162] : memref<2x128x128xf32, #tpu.memory_space<vmem>> -> memref<1x128x128xf32, #tpu.memory_space<vmem>>
    %dma_wait3A_1164 = tpu.memref_squeeze %dma_wait3A_1163 : memref<1x128x128xf32, #tpu.memory_space<vmem>> -> memref<128x128xf32, #tpu.memory_space<vmem>>
    %dma_wait3A_1165 = arith.constant 0 : i32
    %dma_wait3A_1166 = tpu.memref_slice %arg5[%dma_wait3A_1159, %dma_wait3A_1165] : memref<24x128xi32, #tpu.memory_space<vmem>> -> memref<1x128xi32, #tpu.memory_space<vmem>>
    %dma_wait3A_1167 = tpu.memref_squeeze %dma_wait3A_1166 : memref<1x128xi32, #tpu.memory_space<vmem>> -> memref<128xi32, #tpu.memory_space<vmem>>
    %dma_wait3A_1168 = arith.constant 0 : i32
    %dma_wait3A_1169 = arith.constant 0 : i32
    %dma_wait3A_1170 = tpu.memref_slice %arg2[%dma_wait3A_1168, %dma_wait3A_1169] : memref<100000x128xf32, #tpu.memory_space<hbm>> -> memref<100000x128xf32, #tpu.memory_space<hbm>>
    tpu.wait_indirect_dma semaphore(%arg8 : memref<!tpu.dma_semaphore, #tpu.memory_space<semaphore_mem>>) src(%dma_wait3A_1170 : memref<100000x128xf32, #tpu.memory_space<hbm>>) dst(%dma_wait3A_1164 : memref<128x128xf32, #tpu.memory_space<vmem>>)
    %mul3A_1171 = arith.constant 3072 : i32
    %mul3A_1172 = arith.muli %add3A, %mul3A_1171 : i32
    %add3A_1173 = arith.constant 2688 : i32
    %add3A_1174 = arith.addi %mul3A_1172, %add3A_1173 : i32
    %dma_start3A_1175 = arith.constant 1 : i32
    %dma_start3A_1176 = arith.constant 0 : i32
    %dma_start3A_1177 = arith.constant 0 : i32
    %dma_start3A_1178 = tpu.memref_slice %arg6[%dma_start3A_1175, %dma_start3A_1176, %dma_start3A_1177] : memref<2x128x128xf32, #tpu.memory_space<vmem>> -> memref<1x128x128xf32, #tpu.memory_space<vmem>>
    %dma_start3A_1179 = tpu.memref_squeeze %dma_start3A_1178 : memref<1x128x128xf32, #tpu.memory_space<vmem>> -> memref<128x128xf32, #tpu.memory_space<vmem>>
    %dma_start3A_1180 = arith.constant 0 : i32
    %dma_start3A_1181 = tpu.memref_slice %arg4[%add3A_1174, %dma_start3A_1180] : memref<98304x128xf32, #tpu.memory_space<hbm>> -> memref<128x128xf32, #tpu.memory_space<hbm>>
    %dma_start3A_1182 = arith.constant 0 : i32
    %dma_start3A_1183 = tpu.memref_slice %arg4[%add3A_1174, %dma_start3A_1182] : memref<98304x128xf32, #tpu.memory_space<hbm>> -> memref<128x128xf32, #tpu.memory_space<hbm>>
    %dma_start3A_1184 = arith.constant 0 : i32
    %dma_start3A_1185 = arith.constant 0 : i32
    %dma_start3A_1186 = tpu.memref_slice %arg6[%dma_start3A_1175, %dma_start3A_1184, %dma_start3A_1185] : memref<2x128x128xf32, #tpu.memory_space<vmem>> -> memref<1x128x128xf32, #tpu.memory_space<vmem>>
    %dma_start3A_1187 = tpu.memref_squeeze %dma_start3A_1186 : memref<1x128x128xf32, #tpu.memory_space<vmem>> -> memref<128x128xf32, #tpu.memory_space<vmem>>
    tpu.enqueue_dma source(%dma_start3A_1187 : memref<128x128xf32, #tpu.memory_space<vmem>>) target(%dma_start3A_1183 : memref<128x128xf32, #tpu.memory_space<hbm>>) target_semaphore(%arg10 : memref<!tpu.dma_semaphore, #tpu.memory_space<semaphore_mem>>)
    %dma_wait3A_1188 = arith.constant 1 : i32
    %dma_wait3A_1189 = arith.constant 0 : i32
    %dma_wait3A_1190 = arith.constant 0 : i32
    %dma_wait3A_1191 = tpu.memref_slice %arg6[%dma_wait3A_1188, %dma_wait3A_1189, %dma_wait3A_1190] : memref<2x128x128xf32, #tpu.memory_space<vmem>> -> memref<1x128x128xf32, #tpu.memory_space<vmem>>
    %dma_wait3A_1192 = tpu.memref_squeeze %dma_wait3A_1191 : memref<1x128x128xf32, #tpu.memory_space<vmem>> -> memref<128x128xf32, #tpu.memory_space<vmem>>
    %dma_wait3A_1193 = arith.constant 0 : i32
    %dma_wait3A_1194 = tpu.memref_slice %arg4[%add3A_1174, %dma_wait3A_1193] : memref<98304x128xf32, #tpu.memory_space<hbm>> -> memref<128x128xf32, #tpu.memory_space<hbm>>
    %dma_wait3A_1195 = arith.constant 0 : i32
    %dma_wait3A_1196 = tpu.memref_slice %arg4[%add3A_1174, %dma_wait3A_1195] : memref<98304x128xf32, #tpu.memory_space<hbm>> -> memref<128x128xf32, #tpu.memory_space<hbm>>
    %dma_wait3A_1197 = arith.constant 0 : i32
    %dma_wait3A_1198 = arith.constant 0 : i32
    %dma_wait3A_1199 = tpu.memref_slice %arg6[%dma_wait3A_1188, %dma_wait3A_1197, %dma_wait3A_1198] : memref<2x128x128xf32, #tpu.memory_space<vmem>> -> memref<1x128x128xf32, #tpu.memory_space<vmem>>
    %dma_wait3A_1200 = tpu.memref_squeeze %dma_wait3A_1199 : memref<1x128x128xf32, #tpu.memory_space<vmem>> -> memref<128x128xf32, #tpu.memory_space<vmem>>
    tpu.wait_dma2 semaphore(%arg10 : memref<!tpu.dma_semaphore, #tpu.memory_space<semaphore_mem>>) src(%dma_wait3A_1200 : memref<128x128xf32, #tpu.memory_space<vmem>>) dst(%dma_wait3A_1196 : memref<128x128xf32, #tpu.memory_space<hbm>>)
    %dma_start3A_1201 = arith.constant 23 : i32
    %dma_start3A_1202 = arith.constant 1 : i32
    %dma_start3A_1203 = arith.constant 0 : i32
    %dma_start3A_1204 = arith.constant 0 : i32
    %dma_start3A_1205 = tpu.memref_slice %arg6[%dma_start3A_1202, %dma_start3A_1203, %dma_start3A_1204] : memref<2x128x128xf32, #tpu.memory_space<vmem>> -> memref<1x128x128xf32, #tpu.memory_space<vmem>>
    %dma_start3A_1206 = tpu.memref_squeeze %dma_start3A_1205 : memref<1x128x128xf32, #tpu.memory_space<vmem>> -> memref<128x128xf32, #tpu.memory_space<vmem>>
    %dma_start3A_1207 = arith.constant 0 : i32
    %dma_start3A_1208 = tpu.memref_slice %arg5[%dma_start3A_1201, %dma_start3A_1207] : memref<24x128xi32, #tpu.memory_space<vmem>> -> memref<1x128xi32, #tpu.memory_space<vmem>>
    %dma_start3A_1209 = tpu.memref_squeeze %dma_start3A_1208 : memref<1x128xi32, #tpu.memory_space<vmem>> -> memref<128xi32, #tpu.memory_space<vmem>>
    %dma_start3A_1210 = arith.constant 0 : i32
    %dma_start3A_1211 = arith.constant 0 : i32
    %dma_start3A_1212 = tpu.memref_slice %arg2[%dma_start3A_1210, %dma_start3A_1211] : memref<100000x128xf32, #tpu.memory_space<hbm>> -> memref<100000x128xf32, #tpu.memory_space<hbm>>
    tpu.enqueue_indirect_dma source(%dma_start3A_1212 : memref<100000x128xf32, #tpu.memory_space<hbm>>) target(%dma_start3A_1206 : memref<128x128xf32, #tpu.memory_space<vmem>>) offsets(%dma_start3A_1209 : memref<128xi32, #tpu.memory_space<vmem>>) semaphore(%arg8 : memref<!tpu.dma_semaphore, #tpu.memory_space<semaphore_mem>>)
    %dma_wait3A_1213 = arith.constant 22 : i32
    %dma_wait3A_1214 = arith.constant 0 : i32
    %dma_wait3A_1215 = arith.constant 0 : i32
    %dma_wait3A_1216 = arith.constant 0 : i32
    %dma_wait3A_1217 = tpu.memref_slice %arg6[%dma_wait3A_1214, %dma_wait3A_1215, %dma_wait3A_1216] : memref<2x128x128xf32, #tpu.memory_space<vmem>> -> memref<1x128x128xf32, #tpu.memory_space<vmem>>
    %dma_wait3A_1218 = tpu.memref_squeeze %dma_wait3A_1217 : memref<1x128x128xf32, #tpu.memory_space<vmem>> -> memref<128x128xf32, #tpu.memory_space<vmem>>
    %dma_wait3A_1219 = arith.constant 0 : i32
    %dma_wait3A_1220 = tpu.memref_slice %arg5[%dma_wait3A_1213, %dma_wait3A_1219] : memref<24x128xi32, #tpu.memory_space<vmem>> -> memref<1x128xi32, #tpu.memory_space<vmem>>
    %dma_wait3A_1221 = tpu.memref_squeeze %dma_wait3A_1220 : memref<1x128xi32, #tpu.memory_space<vmem>> -> memref<128xi32, #tpu.memory_space<vmem>>
    %dma_wait3A_1222 = arith.constant 0 : i32
    %dma_wait3A_1223 = arith.constant 0 : i32
    %dma_wait3A_1224 = tpu.memref_slice %arg2[%dma_wait3A_1222, %dma_wait3A_1223] : memref<100000x128xf32, #tpu.memory_space<hbm>> -> memref<100000x128xf32, #tpu.memory_space<hbm>>
    tpu.wait_indirect_dma semaphore(%arg7 : memref<!tpu.dma_semaphore, #tpu.memory_space<semaphore_mem>>) src(%dma_wait3A_1224 : memref<100000x128xf32, #tpu.memory_space<hbm>>) dst(%dma_wait3A_1218 : memref<128x128xf32, #tpu.memory_space<vmem>>)
    %mul3A_1225 = arith.constant 3072 : i32
    %mul3A_1226 = arith.muli %add3A, %mul3A_1225 : i32
    %add3A_1227 = arith.constant 2816 : i32
    %add3A_1228 = arith.addi %mul3A_1226, %add3A_1227 : i32
    %dma_start3A_1229 = arith.constant 0 : i32
    %dma_start3A_1230 = arith.constant 0 : i32
    %dma_start3A_1231 = arith.constant 0 : i32
    %dma_start3A_1232 = tpu.memref_slice %arg6[%dma_start3A_1229, %dma_start3A_1230, %dma_start3A_1231] : memref<2x128x128xf32, #tpu.memory_space<vmem>> -> memref<1x128x128xf32, #tpu.memory_space<vmem>>
    %dma_start3A_1233 = tpu.memref_squeeze %dma_start3A_1232 : memref<1x128x128xf32, #tpu.memory_space<vmem>> -> memref<128x128xf32, #tpu.memory_space<vmem>>
    %dma_start3A_1234 = arith.constant 0 : i32
    %dma_start3A_1235 = tpu.memref_slice %arg4[%add3A_1228, %dma_start3A_1234] : memref<98304x128xf32, #tpu.memory_space<hbm>> -> memref<128x128xf32, #tpu.memory_space<hbm>>
    %dma_start3A_1236 = arith.constant 0 : i32
    %dma_start3A_1237 = tpu.memref_slice %arg4[%add3A_1228, %dma_start3A_1236] : memref<98304x128xf32, #tpu.memory_space<hbm>> -> memref<128x128xf32, #tpu.memory_space<hbm>>
    %dma_start3A_1238 = arith.constant 0 : i32
    %dma_start3A_1239 = arith.constant 0 : i32
    %dma_start3A_1240 = tpu.memref_slice %arg6[%dma_start3A_1229, %dma_start3A_1238, %dma_start3A_1239] : memref<2x128x128xf32, #tpu.memory_space<vmem>> -> memref<1x128x128xf32, #tpu.memory_space<vmem>>
    %dma_start3A_1241 = tpu.memref_squeeze %dma_start3A_1240 : memref<1x128x128xf32, #tpu.memory_space<vmem>> -> memref<128x128xf32, #tpu.memory_space<vmem>>
    tpu.enqueue_dma source(%dma_start3A_1241 : memref<128x128xf32, #tpu.memory_space<vmem>>) target(%dma_start3A_1237 : memref<128x128xf32, #tpu.memory_space<hbm>>) target_semaphore(%arg9 : memref<!tpu.dma_semaphore, #tpu.memory_space<semaphore_mem>>)
    %dma_wait3A_1242 = arith.constant 23 : i32
    %dma_wait3A_1243 = arith.constant 1 : i32
    %dma_wait3A_1244 = arith.constant 0 : i32
    %dma_wait3A_1245 = arith.constant 0 : i32
    %dma_wait3A_1246 = tpu.memref_slice %arg6[%dma_wait3A_1243, %dma_wait3A_1244, %dma_wait3A_1245] : memref<2x128x128xf32, #tpu.memory_space<vmem>> -> memref<1x128x128xf32, #tpu.memory_space<vmem>>
    %dma_wait3A_1247 = tpu.memref_squeeze %dma_wait3A_1246 : memref<1x128x128xf32, #tpu.memory_space<vmem>> -> memref<128x128xf32, #tpu.memory_space<vmem>>
    %dma_wait3A_1248 = arith.constant 0 : i32
    %dma_wait3A_1249 = tpu.memref_slice %arg5[%dma_wait3A_1242, %dma_wait3A_1248] : memref<24x128xi32, #tpu.memory_space<vmem>> -> memref<1x128xi32, #tpu.memory_space<vmem>>
    %dma_wait3A_1250 = tpu.memref_squeeze %dma_wait3A_1249 : memref<1x128xi32, #tpu.memory_space<vmem>> -> memref<128xi32, #tpu.memory_space<vmem>>
    %dma_wait3A_1251 = arith.constant 0 : i32
    %dma_wait3A_1252 = arith.constant 0 : i32
    %dma_wait3A_1253 = tpu.memref_slice %arg2[%dma_wait3A_1251, %dma_wait3A_1252] : memref<100000x128xf32, #tpu.memory_space<hbm>> -> memref<100000x128xf32, #tpu.memory_space<hbm>>
    tpu.wait_indirect_dma semaphore(%arg8 : memref<!tpu.dma_semaphore, #tpu.memory_space<semaphore_mem>>) src(%dma_wait3A_1253 : memref<100000x128xf32, #tpu.memory_space<hbm>>) dst(%dma_wait3A_1247 : memref<128x128xf32, #tpu.memory_space<vmem>>)
    %mul3A_1254 = arith.constant 3072 : i32
    %mul3A_1255 = arith.muli %add3A, %mul3A_1254 : i32
    %add3A_1256 = arith.constant 2944 : i32
    %add3A_1257 = arith.addi %mul3A_1255, %add3A_1256 : i32
    %dma_start3A_1258 = arith.constant 1 : i32
    %dma_start3A_1259 = arith.constant 0 : i32
    %dma_start3A_1260 = arith.constant 0 : i32
    %dma_start3A_1261 = tpu.memref_slice %arg6[%dma_start3A_1258, %dma_start3A_1259, %dma_start3A_1260] : memref<2x128x128xf32, #tpu.memory_space<vmem>> -> memref<1x128x128xf32, #tpu.memory_space<vmem>>
    %dma_start3A_1262 = tpu.memref_squeeze %dma_start3A_1261 : memref<1x128x128xf32, #tpu.memory_space<vmem>> -> memref<128x128xf32, #tpu.memory_space<vmem>>
    %dma_start3A_1263 = arith.constant 0 : i32
    %dma_start3A_1264 = tpu.memref_slice %arg4[%add3A_1257, %dma_start3A_1263] : memref<98304x128xf32, #tpu.memory_space<hbm>> -> memref<128x128xf32, #tpu.memory_space<hbm>>
    %dma_start3A_1265 = arith.constant 0 : i32
    %dma_start3A_1266 = tpu.memref_slice %arg4[%add3A_1257, %dma_start3A_1265] : memref<98304x128xf32, #tpu.memory_space<hbm>> -> memref<128x128xf32, #tpu.memory_space<hbm>>
    %dma_start3A_1267 = arith.constant 0 : i32
    %dma_start3A_1268 = arith.constant 0 : i32
    %dma_start3A_1269 = tpu.memref_slice %arg6[%dma_start3A_1258, %dma_start3A_1267, %dma_start3A_1268] : memref<2x128x128xf32, #tpu.memory_space<vmem>> -> memref<1x128x128xf32, #tpu.memory_space<vmem>>
    %dma_start3A_1270 = tpu.memref_squeeze %dma_start3A_1269 : memref<1x128x128xf32, #tpu.memory_space<vmem>> -> memref<128x128xf32, #tpu.memory_space<vmem>>
    tpu.enqueue_dma source(%dma_start3A_1270 : memref<128x128xf32, #tpu.memory_space<vmem>>) target(%dma_start3A_1266 : memref<128x128xf32, #tpu.memory_space<hbm>>) target_semaphore(%arg10 : memref<!tpu.dma_semaphore, #tpu.memory_space<semaphore_mem>>)
    %dma_wait3A_1271 = arith.constant 0 : i32
    %dma_wait3A_1272 = arith.constant 0 : i32
    %dma_wait3A_1273 = arith.constant 0 : i32
    %dma_wait3A_1274 = tpu.memref_slice %arg6[%dma_wait3A_1271, %dma_wait3A_1272, %dma_wait3A_1273] : memref<2x128x128xf32, #tpu.memory_space<vmem>> -> memref<1x128x128xf32, #tpu.memory_space<vmem>>
    %dma_wait3A_1275 = tpu.memref_squeeze %dma_wait3A_1274 : memref<1x128x128xf32, #tpu.memory_space<vmem>> -> memref<128x128xf32, #tpu.memory_space<vmem>>
    %dma_wait3A_1276 = arith.constant 0 : i32
    %dma_wait3A_1277 = tpu.memref_slice %arg4[%add3A_1228, %dma_wait3A_1276] : memref<98304x128xf32, #tpu.memory_space<hbm>> -> memref<128x128xf32, #tpu.memory_space<hbm>>
    %dma_wait3A_1278 = arith.constant 0 : i32
    %dma_wait3A_1279 = tpu.memref_slice %arg4[%add3A_1228, %dma_wait3A_1278] : memref<98304x128xf32, #tpu.memory_space<hbm>> -> memref<128x128xf32, #tpu.memory_space<hbm>>
    %dma_wait3A_1280 = arith.constant 0 : i32
    %dma_wait3A_1281 = arith.constant 0 : i32
    %dma_wait3A_1282 = tpu.memref_slice %arg6[%dma_wait3A_1271, %dma_wait3A_1280, %dma_wait3A_1281] : memref<2x128x128xf32, #tpu.memory_space<vmem>> -> memref<1x128x128xf32, #tpu.memory_space<vmem>>
    %dma_wait3A_1283 = tpu.memref_squeeze %dma_wait3A_1282 : memref<1x128x128xf32, #tpu.memory_space<vmem>> -> memref<128x128xf32, #tpu.memory_space<vmem>>
    tpu.wait_dma2 semaphore(%arg9 : memref<!tpu.dma_semaphore, #tpu.memory_space<semaphore_mem>>) src(%dma_wait3A_1283 : memref<128x128xf32, #tpu.memory_space<vmem>>) dst(%dma_wait3A_1279 : memref<128x128xf32, #tpu.memory_space<hbm>>)
    %dma_wait3A_1284 = arith.constant 1 : i32
    %dma_wait3A_1285 = arith.constant 0 : i32
    %dma_wait3A_1286 = arith.constant 0 : i32
    %dma_wait3A_1287 = tpu.memref_slice %arg6[%dma_wait3A_1284, %dma_wait3A_1285, %dma_wait3A_1286] : memref<2x128x128xf32, #tpu.memory_space<vmem>> -> memref<1x128x128xf32, #tpu.memory_space<vmem>>
    %dma_wait3A_1288 = tpu.memref_squeeze %dma_wait3A_1287 : memref<1x128x128xf32, #tpu.memory_space<vmem>> -> memref<128x128xf32, #tpu.memory_space<vmem>>
    %dma_wait3A_1289 = arith.constant 0 : i32
    %dma_wait3A_1290 = tpu.memref_slice %arg4[%add3A_1257, %dma_wait3A_1289] : memref<98304x128xf32, #tpu.memory_space<hbm>> -> memref<128x128xf32, #tpu.memory_space<hbm>>
    %dma_wait3A_1291 = arith.constant 0 : i32
    %dma_wait3A_1292 = tpu.memref_slice %arg4[%add3A_1257, %dma_wait3A_1291] : memref<98304x128xf32, #tpu.memory_space<hbm>> -> memref<128x128xf32, #tpu.memory_space<hbm>>
    %dma_wait3A_1293 = arith.constant 0 : i32
    %dma_wait3A_1294 = arith.constant 0 : i32
    %dma_wait3A_1295 = tpu.memref_slice %arg6[%dma_wait3A_1284, %dma_wait3A_1293, %dma_wait3A_1294] : memref<2x128x128xf32, #tpu.memory_space<vmem>> -> memref<1x128x128xf32, #tpu.memory_space<vmem>>
    %dma_wait3A_1296 = tpu.memref_squeeze %dma_wait3A_1295 : memref<1x128x128xf32, #tpu.memory_space<vmem>> -> memref<128x128xf32, #tpu.memory_space<vmem>>
    tpu.wait_dma2 semaphore(%arg10 : memref<!tpu.dma_semaphore, #tpu.memory_space<semaphore_mem>>) src(%dma_wait3A_1296 : memref<128x128xf32, #tpu.memory_space<vmem>>) dst(%dma_wait3A_1292 : memref<128x128xf32, #tpu.memory_space<hbm>>)
    return
  }
}

module attributes {stable_mosaic.version = 14 : i64} {
  func.func @body(%arg0: i32, %arg1: memref<32x96x128xf32, #tpu.memory_space<vmem>>, %arg2: memref<128x32xf32, #tpu.memory_space<vmem>>, %arg3: memref<1x32xf32, #tpu.memory_space<vmem>>, %arg4: memref<32x4xf32, #tpu.memory_space<vmem>>, %arg5: memref<4x1xf32, #tpu.memory_space<vmem>>, %arg6: memref<4x128x128xf32, #tpu.memory_space<vmem>>, %arg7: memref<1x128xf32, #tpu.memory_space<vmem>>, %arg8: memref<32x128xf32, #tpu.memory_space<vmem>>) attributes {dimension_semantics = [#tpu.dimension_semantics<arbitrary>], iteration_bounds = array<i64: 32>, scalar_prefetch = 0 : i64, scratch_operands = 0 : i64, tpu.core_type = #tpu.core_type<tc>, window_params = [{transform_indices = @transform_0, window_bounds = array<i64: 32, 96, 128>}, {pipeline_mode = #tpu.pipeline_mode<synchronous>, transform_indices = @transform_1, window_bounds = array<i64: 128, 32>}, {pipeline_mode = #tpu.pipeline_mode<synchronous>, transform_indices = @transform_2, window_bounds = array<i64: 1, 32>}, {pipeline_mode = #tpu.pipeline_mode<synchronous>, transform_indices = @transform_3, window_bounds = array<i64: 32, 4>}, {pipeline_mode = #tpu.pipeline_mode<synchronous>, transform_indices = @transform_4, window_bounds = array<i64: 4, 1>}, {pipeline_mode = #tpu.pipeline_mode<synchronous>, transform_indices = @transform_5, window_bounds = array<i64: 4, 128, 128>}, {pipeline_mode = #tpu.pipeline_mode<synchronous>, transform_indices = @transform_6, window_bounds = array<i64: 1, 128>}, {transform_indices = @transform_7, window_bounds = array<i64: 32, 128>}]} {
    %get3A = arith.constant 0 : index
    %get3A_0 = arith.constant 0 : index
    %get3A_1 = arith.constant 0 : index
    %get3A_2 = vector.load %arg1[%get3A, %get3A_0, %get3A_1] : memref<32x96x128xf32, #tpu.memory_space<vmem>>, vector<32x96x128xf32>
    %reshape3A = vector.shape_cast %get3A_2 : vector<32x96x128xf32> to vector<3072x128xf32>
    %get3A_3 = arith.constant 0 : index
    %get3A_4 = arith.constant 0 : index
    %get3A_5 = vector.load %arg2[%get3A_3, %get3A_4] : memref<128x32xf32, #tpu.memory_space<vmem>>, vector<128x32xf32>
    %dot_general3A = arith.constant dense<0.000000e+00> : vector<3072x32xf32>
    %dot_general3A_6 = tpu.matmul %reshape3A, %get3A_5, %dot_general3A {dimension_numbers = #tpu.dot_dimension_numbers<[1], [0], [0], [1], [0, 0, 1, 1], [], []>, transpose_lhs_hint = false} : vector<3072x128xf32>, vector<128x32xf32>, vector<3072x32xf32> -> vector<3072x32xf32>
    %get3A_7 = arith.constant 0 : index
    %get3A_8 = arith.constant 0 : index
    %get3A_9 = vector.load %arg3[%get3A_7, %get3A_8] : memref<1x32xf32, #tpu.memory_space<vmem>>, vector<1x32xf32>
    %add3A = vector.broadcast %get3A_9 : vector<1x32xf32> to vector<3072x32xf32>
    %add3A_10 = arith.addf %dot_general3A_6, %add3A : vector<3072x32xf32>
    %logistic3A = arith.negf %add3A_10 : vector<3072x32xf32>
    %logistic3A_11 = math.exp %logistic3A : vector<3072x32xf32>
    %logistic3A_12 = arith.constant 1.000000e+00 : f32
    %logistic3A_13 = vector.broadcast %logistic3A_12 : f32 to vector<3072x32xf32>
    %logistic3A_14 = arith.addf %logistic3A_13, %logistic3A_11 : vector<3072x32xf32>
    %logistic3A_15 = arith.divf %logistic3A_13, %logistic3A_14 : vector<3072x32xf32>
    %mul3A = arith.mulf %add3A_10, %logistic3A_15 : vector<3072x32xf32>
    %get3A_16 = arith.constant 0 : index
    %get3A_17 = arith.constant 0 : index
    %get3A_18 = vector.load %arg4[%get3A_16, %get3A_17] : memref<32x4xf32, #tpu.memory_space<vmem>>, vector<32x4xf32>
    %dot_general3A_19 = arith.constant dense<0.000000e+00> : vector<4x3072xf32>
    %dot_general3A_20 = tpu.matmul %get3A_18, %mul3A, %dot_general3A_19 {dimension_numbers = #tpu.dot_dimension_numbers<[0], [1], [1], [0], [0, 1, 1, 0], [], []>, transpose_lhs_hint = false} : vector<32x4xf32>, vector<3072x32xf32>, vector<4x3072xf32> -> vector<4x3072xf32>
    %get3A_21 = arith.constant 0 : index
    %get3A_22 = arith.constant 0 : index
    %get3A_23 = vector.load %arg5[%get3A_21, %get3A_22] : memref<4x1xf32, #tpu.memory_space<vmem>>, vector<4x1xf32>
    %add3A_24 = vector.broadcast %get3A_23 : vector<4x1xf32> to vector<4x3072xf32>
    %add3A_25 = arith.addf %dot_general3A_20, %add3A_24 : vector<4x3072xf32>
    %reduce_max3A = arith.constant dense<0xFF800000> : vector<3072xf32>
    %reduce_max3A_26 = vector.multi_reduction <maximumf>, %add3A_25, %reduce_max3A [0] : vector<4x3072xf32> to vector<3072xf32>
    %broadcast_in_dim3A = vector.shape_cast %reduce_max3A_26 : vector<3072xf32> to vector<1x3072xf32>
    %sub3A = vector.broadcast %broadcast_in_dim3A : vector<1x3072xf32> to vector<4x3072xf32>
    %sub3A_27 = arith.subf %add3A_25, %sub3A : vector<4x3072xf32>
    %exp3A = math.exp %sub3A_27 : vector<4x3072xf32>
    %reduce_sum3A = arith.constant dense<0.000000e+00> : vector<3072xf32>
    %reduce_sum3A_28 = vector.multi_reduction <add>, %exp3A, %reduce_sum3A [0] : vector<4x3072xf32> to vector<3072xf32>
    %broadcast_in_dim3A_29 = vector.shape_cast %reduce_sum3A_28 : vector<3072xf32> to vector<1x3072xf32>
    %div3A = vector.broadcast %broadcast_in_dim3A_29 : vector<1x3072xf32> to vector<4x3072xf32>
    %div3A_30 = arith.divf %exp3A, %div3A : vector<4x3072xf32>
    %iota3A = tpu.iota {dimensions = array<i32: 1>} : vector<32x3072xi32>
    %iota3A_31 = tpu.iota {dimensions = array<i32: 0>} : vector<32x3072xi32>
    %jit3A = arith.constant 96 : i32
    %div3A_32 = vector.broadcast %jit3A : i32 to vector<32x3072xi32>
    %div3A_33 = arith.divsi %iota3A, %div3A_32 : vector<32x3072xi32>
    %sign3A = arith.constant 0 : i32
    %sign3A_34 = vector.broadcast %sign3A : i32 to vector<32x3072xi32>
    %sign3A_35 = arith.cmpi sgt, %iota3A, %sign3A_34 : vector<32x3072xi32>
    %sign3A_36 = arith.extui %sign3A_35 : vector<32x3072xi1> to vector<32x3072xi32>
    %sign3A_37 = arith.constant 0 : i32
    %sign3A_38 = vector.broadcast %sign3A_37 : i32 to vector<32x3072xi32>
    %sign3A_39 = arith.cmpi slt, %iota3A, %sign3A_38 : vector<32x3072xi32>
    %sign3A_40 = arith.extui %sign3A_39 : vector<32x3072xi1> to vector<32x3072xi32>
    %sign3A_41 = arith.subi %sign3A_36, %sign3A_40 : vector<32x3072xi32>
    %sign3A_42 = arith.constant 0 : i32
    %sign3A_43 = arith.cmpi sgt, %jit3A, %sign3A_42 : i32
    %sign3A_44 = arith.extui %sign3A_43 : i1 to i32
    %sign3A_45 = arith.constant 0 : i32
    %sign3A_46 = arith.cmpi slt, %jit3A, %sign3A_45 : i32
    %sign3A_47 = arith.extui %sign3A_46 : i1 to i32
    %sign3A_48 = arith.subi %sign3A_44, %sign3A_47 : i32
    %ne3A = vector.broadcast %sign3A_48 : i32 to vector<32x3072xi32>
    %ne3A_49 = arith.cmpi ne, %sign3A_41, %ne3A : vector<32x3072xi32>
    %rem3A = vector.broadcast %jit3A : i32 to vector<32x3072xi32>
    %rem3A_50 = arith.remsi %iota3A, %rem3A : vector<32x3072xi32>
    %ne3A_51 = arith.constant 0 : i32
    %ne3A_52 = vector.broadcast %ne3A_51 : i32 to vector<32x3072xi32>
    %ne3A_53 = arith.cmpi ne, %rem3A_50, %ne3A_52 : vector<32x3072xi32>
    %and3A = arith.andi %ne3A_49, %ne3A_53 : vector<32x3072xi1>
    %sub3A_54 = arith.constant 1 : i32
    %sub3A_55 = vector.broadcast %sub3A_54 : i32 to vector<32x3072xi32>
    %sub3A_56 = arith.subi %div3A_33, %sub3A_55 : vector<32x3072xi32>
    %select_n3A = arith.select %and3A, %sub3A_56, %div3A_33 : vector<32x3072xi1>, vector<32x3072xi32>
    %eq3A = arith.cmpi eq, %select_n3A, %iota3A_31 : vector<32x3072xi32>
    %broadcast_in_dim3A_57 = arith.constant 0.000000e+00 : f32
    %broadcast_in_dim3A_58 = vector.broadcast %broadcast_in_dim3A_57 : f32 to vector<32x128xf32>
    %slice3A = vector.extract_strided_slice %div3A_30 {offsets = [0, 0], sizes = [1, 3072], strides = [1, 1]} : vector<4x3072xf32> to vector<1x3072xf32>
    %squeeze3A = vector.shape_cast %slice3A : vector<1x3072xf32> to vector<3072xf32>
    %broadcast_in_dim3A_59 = vector.shape_cast %squeeze3A : vector<3072xf32> to vector<1x3072xf32>
    %jit3A_60 = arith.constant 0.000000e+00 : f32
    %broadcast_in_dim3A_61 = vector.shape_cast %broadcast_in_dim3A_59 : vector<1x3072xf32> to vector<1x3072xf32>
    %broadcast_in_dim3A_62 = vector.broadcast %broadcast_in_dim3A_61 : vector<1x3072xf32> to vector<32x3072xf32>
    %broadcast_in_dim3A_63 = vector.broadcast %jit3A_60 : f32 to vector<32x3072xf32>
    %select_n3A_64 = arith.select %eq3A, %broadcast_in_dim3A_62, %broadcast_in_dim3A_63 : vector<32x3072xi1>, vector<32x3072xf32>
    %dot_general3A_65 = arith.constant dense<0.000000e+00> : vector<32x128xf32>
    %dot_general3A_66 = tpu.matmul %select_n3A_64, %reshape3A, %dot_general3A_65 {dimension_numbers = #tpu.dot_dimension_numbers<[1], [0], [0], [1], [0, 0, 1, 1], [], []>, transpose_lhs_hint = false} : vector<32x3072xf32>, vector<3072x128xf32>, vector<32x128xf32> -> vector<32x128xf32>
    %get3A_67 = arith.constant 0 : index
    %get3A_68 = arith.constant 0 : index
    %get3A_69 = arith.constant 0 : index
    %get3A_70 = vector.load %arg6[%get3A_67, %get3A_68, %get3A_69] : memref<4x128x128xf32, #tpu.memory_space<vmem>>, vector<1x128x128xf32>
    %get3A_71 = vector.shape_cast %get3A_70 : vector<1x128x128xf32> to vector<128x128xf32>
    %dot_general3A_72 = arith.constant dense<0.000000e+00> : vector<32x128xf32>
    %dot_general3A_73 = tpu.matmul %dot_general3A_66, %get3A_71, %dot_general3A_72 {dimension_numbers = #tpu.dot_dimension_numbers<[1], [0], [0], [1], [0, 0, 1, 1], [], []>, transpose_lhs_hint = false} : vector<32x128xf32>, vector<128x128xf32>, vector<32x128xf32> -> vector<32x128xf32>
    %add3A_74 = arith.addf %broadcast_in_dim3A_58, %dot_general3A_73 : vector<32x128xf32>
    %slice3A_75 = vector.extract_strided_slice %div3A_30 {offsets = [1, 0], sizes = [1, 3072], strides = [1, 1]} : vector<4x3072xf32> to vector<1x3072xf32>
    %squeeze3A_76 = vector.shape_cast %slice3A_75 : vector<1x3072xf32> to vector<3072xf32>
    %broadcast_in_dim3A_77 = vector.shape_cast %squeeze3A_76 : vector<3072xf32> to vector<1x3072xf32>
    %jit3A_78 = arith.constant 0.000000e+00 : f32
    %broadcast_in_dim3A_79 = vector.shape_cast %broadcast_in_dim3A_77 : vector<1x3072xf32> to vector<1x3072xf32>
    %broadcast_in_dim3A_80 = vector.broadcast %broadcast_in_dim3A_79 : vector<1x3072xf32> to vector<32x3072xf32>
    %broadcast_in_dim3A_81 = vector.broadcast %jit3A_78 : f32 to vector<32x3072xf32>
    %select_n3A_82 = arith.select %eq3A, %broadcast_in_dim3A_80, %broadcast_in_dim3A_81 : vector<32x3072xi1>, vector<32x3072xf32>
    %dot_general3A_83 = arith.constant dense<0.000000e+00> : vector<32x128xf32>
    %dot_general3A_84 = tpu.matmul %select_n3A_82, %reshape3A, %dot_general3A_83 {dimension_numbers = #tpu.dot_dimension_numbers<[1], [0], [0], [1], [0, 0, 1, 1], [], []>, transpose_lhs_hint = false} : vector<32x3072xf32>, vector<3072x128xf32>, vector<32x128xf32> -> vector<32x128xf32>
    %get3A_85 = arith.constant 1 : index
    %get3A_86 = arith.constant 0 : index
    %get3A_87 = arith.constant 0 : index
    %get3A_88 = vector.load %arg6[%get3A_85, %get3A_86, %get3A_87] : memref<4x128x128xf32, #tpu.memory_space<vmem>>, vector<1x128x128xf32>
    %get3A_89 = vector.shape_cast %get3A_88 : vector<1x128x128xf32> to vector<128x128xf32>
    %dot_general3A_90 = arith.constant dense<0.000000e+00> : vector<32x128xf32>
    %dot_general3A_91 = tpu.matmul %dot_general3A_84, %get3A_89, %dot_general3A_90 {dimension_numbers = #tpu.dot_dimension_numbers<[1], [0], [0], [1], [0, 0, 1, 1], [], []>, transpose_lhs_hint = false} : vector<32x128xf32>, vector<128x128xf32>, vector<32x128xf32> -> vector<32x128xf32>
    %add3A_92 = arith.addf %add3A_74, %dot_general3A_91 : vector<32x128xf32>
    %slice3A_93 = vector.extract_strided_slice %div3A_30 {offsets = [2, 0], sizes = [1, 3072], strides = [1, 1]} : vector<4x3072xf32> to vector<1x3072xf32>
    %squeeze3A_94 = vector.shape_cast %slice3A_93 : vector<1x3072xf32> to vector<3072xf32>
    %broadcast_in_dim3A_95 = vector.shape_cast %squeeze3A_94 : vector<3072xf32> to vector<1x3072xf32>
    %jit3A_96 = arith.constant 0.000000e+00 : f32
    %broadcast_in_dim3A_97 = vector.shape_cast %broadcast_in_dim3A_95 : vector<1x3072xf32> to vector<1x3072xf32>
    %broadcast_in_dim3A_98 = vector.broadcast %broadcast_in_dim3A_97 : vector<1x3072xf32> to vector<32x3072xf32>
    %broadcast_in_dim3A_99 = vector.broadcast %jit3A_96 : f32 to vector<32x3072xf32>
    %select_n3A_100 = arith.select %eq3A, %broadcast_in_dim3A_98, %broadcast_in_dim3A_99 : vector<32x3072xi1>, vector<32x3072xf32>
    %dot_general3A_101 = arith.constant dense<0.000000e+00> : vector<32x128xf32>
    %dot_general3A_102 = tpu.matmul %select_n3A_100, %reshape3A, %dot_general3A_101 {dimension_numbers = #tpu.dot_dimension_numbers<[1], [0], [0], [1], [0, 0, 1, 1], [], []>, transpose_lhs_hint = false} : vector<32x3072xf32>, vector<3072x128xf32>, vector<32x128xf32> -> vector<32x128xf32>
    %get3A_103 = arith.constant 2 : index
    %get3A_104 = arith.constant 0 : index
    %get3A_105 = arith.constant 0 : index
    %get3A_106 = vector.load %arg6[%get3A_103, %get3A_104, %get3A_105] : memref<4x128x128xf32, #tpu.memory_space<vmem>>, vector<1x128x128xf32>
    %get3A_107 = vector.shape_cast %get3A_106 : vector<1x128x128xf32> to vector<128x128xf32>
    %dot_general3A_108 = arith.constant dense<0.000000e+00> : vector<32x128xf32>
    %dot_general3A_109 = tpu.matmul %dot_general3A_102, %get3A_107, %dot_general3A_108 {dimension_numbers = #tpu.dot_dimension_numbers<[1], [0], [0], [1], [0, 0, 1, 1], [], []>, transpose_lhs_hint = false} : vector<32x128xf32>, vector<128x128xf32>, vector<32x128xf32> -> vector<32x128xf32>
    %add3A_110 = arith.addf %add3A_92, %dot_general3A_109 : vector<32x128xf32>
    %slice3A_111 = vector.extract_strided_slice %div3A_30 {offsets = [3, 0], sizes = [1, 3072], strides = [1, 1]} : vector<4x3072xf32> to vector<1x3072xf32>
    %squeeze3A_112 = vector.shape_cast %slice3A_111 : vector<1x3072xf32> to vector<3072xf32>
    %broadcast_in_dim3A_113 = vector.shape_cast %squeeze3A_112 : vector<3072xf32> to vector<1x3072xf32>
    %jit3A_114 = arith.constant 0.000000e+00 : f32
    %broadcast_in_dim3A_115 = vector.shape_cast %broadcast_in_dim3A_113 : vector<1x3072xf32> to vector<1x3072xf32>
    %broadcast_in_dim3A_116 = vector.broadcast %broadcast_in_dim3A_115 : vector<1x3072xf32> to vector<32x3072xf32>
    %broadcast_in_dim3A_117 = vector.broadcast %jit3A_114 : f32 to vector<32x3072xf32>
    %select_n3A_118 = arith.select %eq3A, %broadcast_in_dim3A_116, %broadcast_in_dim3A_117 : vector<32x3072xi1>, vector<32x3072xf32>
    %dot_general3A_119 = arith.constant dense<0.000000e+00> : vector<32x128xf32>
    %dot_general3A_120 = tpu.matmul %select_n3A_118, %reshape3A, %dot_general3A_119 {dimension_numbers = #tpu.dot_dimension_numbers<[1], [0], [0], [1], [0, 0, 1, 1], [], []>, transpose_lhs_hint = false} : vector<32x3072xf32>, vector<3072x128xf32>, vector<32x128xf32> -> vector<32x128xf32>
    %get3A_121 = arith.constant 3 : index
    %get3A_122 = arith.constant 0 : index
    %get3A_123 = arith.constant 0 : index
    %get3A_124 = vector.load %arg6[%get3A_121, %get3A_122, %get3A_123] : memref<4x128x128xf32, #tpu.memory_space<vmem>>, vector<1x128x128xf32>
    %get3A_125 = vector.shape_cast %get3A_124 : vector<1x128x128xf32> to vector<128x128xf32>
    %dot_general3A_126 = arith.constant dense<0.000000e+00> : vector<32x128xf32>
    %dot_general3A_127 = tpu.matmul %dot_general3A_120, %get3A_125, %dot_general3A_126 {dimension_numbers = #tpu.dot_dimension_numbers<[1], [0], [0], [1], [0, 0, 1, 1], [], []>, transpose_lhs_hint = false} : vector<32x128xf32>, vector<128x128xf32>, vector<32x128xf32> -> vector<32x128xf32>
    %add3A_128 = arith.addf %add3A_110, %dot_general3A_127 : vector<32x128xf32>
    %get3A_129 = arith.constant 0 : index
    %get3A_130 = arith.constant 0 : index
    %get3A_131 = vector.load %arg7[%get3A_129, %get3A_130] : memref<1x128xf32, #tpu.memory_space<vmem>>, vector<1x128xf32>
    %add3A_132 = vector.broadcast %get3A_131 : vector<1x128xf32> to vector<32x128xf32>
    %add3A_133 = arith.addf %add3A_128, %add3A_132 : vector<32x128xf32>
    %logistic3A_134 = arith.negf %add3A_133 : vector<32x128xf32>
    %logistic3A_135 = math.exp %logistic3A_134 : vector<32x128xf32>
    %logistic3A_136 = arith.constant 1.000000e+00 : f32
    %logistic3A_137 = vector.broadcast %logistic3A_136 : f32 to vector<32x128xf32>
    %logistic3A_138 = arith.addf %logistic3A_137, %logistic3A_135 : vector<32x128xf32>
    %logistic3A_139 = arith.divf %logistic3A_137, %logistic3A_138 : vector<32x128xf32>
    %mul3A_140 = arith.mulf %add3A_133, %logistic3A_139 : vector<32x128xf32>
    %swap3A = arith.constant 0 : index
    %swap3A_141 = arith.constant 0 : index
    %swap3A_142 = vector.load %arg8[%swap3A, %swap3A_141] : memref<32x128xf32, #tpu.memory_space<vmem>>, vector<32x128xf32>
    tpu.vector_store %arg8[%swap3A, %swap3A_141], %mul3A_140 {strides = array<i32>} : memref<32x128xf32, #tpu.memory_space<vmem>>, vector<32x128xf32>,
    return
  }
  func.func @transform_0(%arg0: i32) -> (i32, i32, i32) {
    %c0_i32 = arith.constant 0 : i32
    %c0_i32_0 = arith.constant 0 : i32
    %c0_i32_1 = arith.constant 0 : i32
    return %arg0, %c0_i32, %c0_i32_0 : i32, i32, i32
  }
  func.func @transform_1(%arg0: i32) -> (i32, i32) {
    %c0_i32 = arith.constant 0 : i32
    %c0_i32_0 = arith.constant 0 : i32
    %c0_i32_1 = arith.constant 0 : i32
    return %c0_i32, %c0_i32_0 : i32, i32
  }
  func.func @transform_2(%arg0: i32) -> (i32, i32) {
    %c0_i32 = arith.constant 0 : i32
    %c0_i32_0 = arith.constant 0 : i32
    %c0_i32_1 = arith.constant 0 : i32
    return %c0_i32, %c0_i32_0 : i32, i32
  }
  func.func @transform_3(%arg0: i32) -> (i32, i32) {
    %c0_i32 = arith.constant 0 : i32
    %c0_i32_0 = arith.constant 0 : i32
    %c0_i32_1 = arith.constant 0 : i32
    return %c0_i32, %c0_i32_0 : i32, i32
  }
  func.func @transform_4(%arg0: i32) -> (i32, i32) {
    %c0_i32 = arith.constant 0 : i32
    %c0_i32_0 = arith.constant 0 : i32
    %c0_i32_1 = arith.constant 0 : i32
    return %c0_i32, %c0_i32_0 : i32, i32
  }
  func.func @transform_5(%arg0: i32) -> (i32, i32, i32) {
    %c0_i32 = arith.constant 0 : i32
    %c0_i32_0 = arith.constant 0 : i32
    %c0_i32_1 = arith.constant 0 : i32
    %c0_i32_2 = arith.constant 0 : i32
    return %c0_i32, %c0_i32_0, %c0_i32_1 : i32, i32, i32
  }
  func.func @transform_6(%arg0: i32) -> (i32, i32) {
    %c0_i32 = arith.constant 0 : i32
    %c0_i32_0 = arith.constant 0 : i32
    %c0_i32_1 = arith.constant 0 : i32
    return %c0_i32, %c0_i32_0 : i32, i32
  }
  func.func @transform_7(%arg0: i32) -> (i32, i32) {
    %c0_i32 = arith.constant 0 : i32
    %c0_i32_0 = arith.constant 0 : i32
    return %arg0, %c0_i32 : i32, i32
  }
}

</mosaic_0001>

<sc_bundles>
// kernel: kernel.4.cloned.1.call-start
scs
__scs_entry_jumppad:
0x0: {  	(pc) =	sbr.rel $0x88, $3  }
0x1: {  	(tag) =	ssettag $0x0;
	lr =	simm.s32 $0x1  }
0x2: {  	[smem:$0x3F99] =	sst lr;
	_ =	strace $0xD0000000  }
0x3: {  	_ = 	snop  }
0x4: {  	_ = 	snop  }
0x5: {  	_ = 	snop  }
0x6: {  	_ = 	snop  }
0x7: {  	_ = 	snop  }
__scs_overlays_trampoline_lowered:
0x8: {  	[smem:$0x3FA8] =	sst s0  }
0x9: {  	[smem:$0x3FA9] =	sst s1  }
0xa: {  	[smem:$0x3FAA] =	sst s2  }
0xb: {  	[smem:$0x3FAB] =	sst s3  }
0xc: {  	[smem:$0x3FAC] =	sst s4  }
0xd: {  	[smem:$0x3FAD] =	sst s5  }
0xe: {  	[smem:$0x3FAE] =	sst s6  }
0xf: {  	[smem:$0x3FAF] =	sst s7  }
0x10: {  	[smem:$0x3FB0] =	sst s8  }
0x11: {  	[smem:$0x3FB1] =	sst s9;
	s0 =	simm.s32 @!p0 $0x0  }
0x12: {  	s1 =	sld [smem:$0x3F97];
	s0 =	simm.s32 @p0 $0x1  }
0x13: {  	[smem:$0x3FB2] =	sst s0;
	s0 =	simm.s32 @!p1 $0x0  }
0x14: {  	s2 =	sld [smem:$0x3F96];
	s0 =	simm.s32 @p1 $0x1  }
0x15: {  	[smem:$0x3FB3] =	sst s0;
	s0 =	simm.s32 @!p2 $0x0  }
0x16: {  	s3 =	sld [smem:$0x3FDB];
	s0 =	simm.s32 @p2 $0x1  }
0x17: {  	s4 =	simm.s32 $0x1BF5;
	[smem:$0x3FB5] =	sst s0  }
0x18: {  	s0 =	sld [smem:$0x3F98];
	_ =	swait.ge [sflag:s4], $0x0  }
0x19: {  	s7 =	sld [smem:$0x3F99]  }
0x1a: {  	s8 =	sadd.s32 $0xFFFFE003, lr  }
0x1b: {  	s9 =	sadd.s32 $0xFFFFFEF7, lr;
	s5 =	simm.s32 $0xFFFFFFFF;
	p2 =	slt.u32 s8, $0xFFFFF086  }
0x1c: {  	p1 =	slt.u32 s9, $0xF7A;
	s5 =	simm.s32 @!p2 $0x0  }
0x1d: {  	s5 =	simm.s32 @p1 $0x1;
	p0 =	seq.s32 s7, s2  }
0x1e: {  	s7 =	smul.u32 @!p0 $0xF7A, s2;
	p2 =	seq.s32 @!p0 s5, $0x0  }
0x1f: {  	s9 =	smul.u32 $0xF7A, s1;
	s8 =	simm.s32 @!p0 $0x1BF5;
	p2 =	por !p2, p0  }
0x20: {  	[sflag:s8] =	ssyncset.s32 @!p0 $0xFFFFF086;
	s6 =	sadd.s32 @!p0 s3, s7;
	s7 =	simm.s32 @!p0 $0x108  }
0x21: {  	s3 =	sadd.s32 s3, s9;
	s6 =	sadd.s32 @!p0 $0x88, s6;
	s7 =	simm.s32 @p2 $0x1082  }
0x22: {  	[simem:s7], [sflag:s8] =	dma.local @!p0 [hbm:s6], $0xF7A  }
0x23: {  	s9 =	sor.u32 $0xD0000000, s2;
	s6 =	simm.s32 $0x108;
	_ =	swait.ge @!p0 [sflag:s8], $0x0  }
0x24: {  	s3 =	sadd.s32 $0x88, s3;
	s6 =	simm.s32 @!p1 $0x1082;
	[sflag:s4] =	ssyncset.s32 $0xFFFFF086  }
0x25: {  	[simem:s6], [sflag:s4] =	dma.local [hbm:s3], $0xF7A  }
0x26: {  	[smem:$0x3F99] =	sst s1;
	(tag) =	ssettag s2;
	_ =	strace s9  }
0x27: {  	s1 =	sld [smem:$0x3FA9]  }
0x28: {  	s2 =	sld [smem:$0x3FAA]  }
0x29: {  	s4 =	sld [smem:$0x3FAC]  }
0x2a: {  	p0 =	seq.s32 s5, $0x0;
	s5 =	sld [smem:$0x3FAD]  }
0x2b: {  	s6 =	sld [smem:$0x3FAE]  }
0x2c: {  	s7 =	sld [smem:$0x3FAF]  }
0x2d: {  	s3 =	simm.s32 $0x108;
	s8 =	sld [smem:$0x3FB0]  }
0x2e: {  	s3 =	simm.s32 @!p0 $0x1082;
	s9 =	sld [smem:$0x3FB1]  }
0x2f: {  	lr =	sadd.s32 s0, s3;
	s0 =	sld [smem:$0x3FA8]  }
0x30: {  	s3 =	sld [smem:$0x3FAB]  }
0x31: {  	[smem:$0x3FB4] =	sst s10  }
0x32: {  	s10 =	sld [smem:$0x3FB2];
	_ =	sdelay $0x3  }
0x33: {  	p0 =	seq.s32 s10, $0x1;
	s10 =	sld [smem:$0x3FB4];
	_ =	sdelay $0x3  }
0x34: {  	[smem:$0x3FB4] =	sst s10  }
0x35: {  	s10 =	sld [smem:$0x3FB3];
	_ =	sdelay $0x3  }
0x36: {  	p1 =	seq.s32 s10, $0x1;
	s10 =	sld [smem:$0x3FB4];
	_ =	sdelay $0x3  }
0x37: {  	[smem:$0x3FB4] =	sst s10  }
0x38: {  	s10 =	sld [smem:$0x3FB5]  }
0x39: {  	_ = 	snop;
	(pc) =	sbr.ind lr, $3  }
0x3a: {  	_ = 	snop  }
0x3b: {  	_ = 	snop  }
0x3c: {  	p2 =	seq.s32 s10, $0x1;
	s10 =	sld [smem:$0x3FB4]  }
0x3d: {  	_ =	shalt  }
0x3e: {  	_ =	shalt  }
0x3f: {  	_ =	shalt  }
0x40: {  	_ =	shalt  }
0x41: {  	_ =	shalt  }
0x42: {  	_ =	shalt  }
0x43: {  	_ =	shalt  }
0x44: {  	_ =	shalt  }
0x45: {  	_ =	shalt  }
0x46: {  	_ =	shalt  }
0x47: {  	_ =	shalt  }
0x48: {  	_ =	shalt  }
0x49: {  	_ =	shalt  }
0x4a: {  	_ =	shalt  }
0x4b: {  	_ =	shalt  }
0x4c: {  	_ =	shalt  }
0x4d: {  	_ =	shalt  }
0x4e: {  	_ =	shalt  }
0x4f: {  	_ =	shalt  }
0x50: {  	_ =	shalt  }
0x51: {  	_ =	shalt  }
0x52: {  	_ =	shalt  }
0x53: {  	_ =	shalt  }
0x54: {  	_ =	shalt  }
0x55: {  	_ =	shalt  }
0x56: {  	_ =	shalt  }
0x57: {  	_ =	shalt  }
0x58: {  	_ =	shalt  }
0x59: {  	_ =	shalt  }
0x5a: {  	_ =	shalt  }
0x5b: {  	_ =	shalt  }
0x5c: {  	_ =	shalt  }
0x5d: {  	_ =	shalt  }
0x5e: {  	_ =	shalt  }
0x5f: {  	_ =	shalt  }
0x60: {  	_ =	shalt  }
0x61: {  	_ =	shalt  }
0x62: {  	_ =	shalt  }
0x63: {  	_ =	shalt  }
0x64: {  	_ =	shalt  }
0x65: {  	_ =	shalt  }
0x66: {  	_ =	shalt  }
0x67: {  	_ =	shalt  }
0x68: {  	_ =	shalt  }
0x69: {  	_ =	shalt  }
0x6a: {  	_ =	shalt  }
0x6b: {  	_ =	shalt  }
0x6c: {  	_ =	shalt  }
0x6d: {  	_ =	shalt  }
0x6e: {  	_ =	shalt  }
0x6f: {  	_ =	shalt  }
0x70: {  	_ =	shalt  }
0x71: {  	_ =	shalt  }
0x72: {  	_ =	shalt  }
0x73: {  	_ =	shalt  }
0x74: {  	_ =	shalt  }
0x75: {  	_ =	shalt  }
0x76: {  	_ =	shalt  }
0x77: {  	_ =	shalt  }
0x78: {  	_ =	shalt  }
0x79: {  	_ =	shalt  }
0x7a: {  	_ =	shalt  }
0x7b: {  	_ =	shalt  }
0x7c: {  	_ =	shalt  }
0x7d: {  	_ =	shalt  }
0x7e: {  	_ =	shalt  }
0x7f: {  	_ =	shalt  }
0x80: {  	_ =	shalt  }
0x81: {  	_ =	shalt  }
0x82: {  	_ =	shalt  }
0x83: {  	_ =	shalt  }
0x84: {  	_ =	shalt  }
0x85: {  	_ =	shalt  }
0x86: {  	_ =	shalt  }
0x87: {  	_ =	shalt  }
.Lfunc_end0:
.L_simem_size_0:
called_computation_lowered:
.L_overlay_start_0:
0x88: {  	s2 =	sld [smem:$0x3FD9]  }
0x89: {  	s3 =	sld [smem:$0x3FFE];
	_ =	sdelay $0x1  }
0x8a: {  	s1 =	srdreg.scid  }
0x8b: {  	s0 =	sand.u32 $0x1, s1  }
0x8c: {  	s17 =	sshll.u32 s0, $0xA;
	s2 =	sadd.s32 s3, s2  }
0x8d: {  	s2 =	sadd.s32 s2, s17  }
0x8e: {  	[smem:$0x3FC0] =	sst s2  }
0x8f: {  	_ = 	snop  }
0x90: {  	s2 =	sld [smem:$0x3FC9]  }
0x91: {  	s18 =	sld [smem:$0x3FD0];
	(tm) =	ssettm $0x1  }
0x92: {  	s4 =	sld [smem:$0x3FFB];
	_ =	sdelay $0x3  }
0x93: {  	_ =	strace s4  }
0x94: {  	s4 =	sld [smem:$0x3FFC];
	_ =	sdelay $0x3  }
0x95: {  	_ =	strace s4  }
0x96: {  	s4 =	sld [smem:$0x3FFD];
	_ =	sdelay $0x3  }
0x97: {  	_ =	strace s4  }
0x98: {  	_ =	strace $0x8FFFFFFF  }
0x99: {  	s19 =	sld [smem:$0x3FDB];
	_ =	sdelay $0x1  }
0x9a: {  	s5 =	simm.s32 $_scs_section_size  }
0x9b: {  	s6 =	simm.s32 $_size__tile_overlayer_lowered;
	s7 =	simm.s32 $_tile_overlayer_lowered  }
0x9c: {  	s22 =	simm.s32 $0x1BFF;
	s21 =	sshll.u32 s7, $0x1;
	s4 =	sadd.s32 s5, s19  }
0x9d: {  	s8 =	simm.s32 $0x0;
	s20 =	sshll.u32 s6, $0x1;
	s6 =	sadd.s32 s21, s4  }
0x9e: {  	[timem:s8], [sflag:s22] =	dma.local [hbm:s6], s20  }
0x9f: {  	_ =	swait.ge [sflag:s22], s20  }
0xa0: {  	s5 =	ssub.s32 $0x0, s20;
	[sflag:s22] =	ssyncset.done $0x0  }
0xa1: {  	[sflag:s22] =	ssyncadd.s32 s5;
	_ =	sdelay $0x1  }
0xa2: {  	s23 =	simm.s32 $0x1B8B  }
0xa3: {  	_ =	swait.ge [sflag:s23], $0x1  }
0xa4: {  	[sflag:s23] =	ssyncset.done $0x0  }
0xa5: {  	s25 =	simm.s32 $0x1B8E;
	s24 =	sld [smem:$0x3FFE];
	[sflag:s23] =	ssyncadd.s32 $0xFFFFFFFF  }
0xa6: {  	s26 =	simm.s32 $execute0_lowered;
	[smem:$0x3FD2] =	sst s25  }
0xa7: {  	s6 =	sshll.u32 s26, $0x1;
	_ =	strace $0x80000046;
	[dreg:$0x1] =	wrdreg $0xFFFFFFFF  }
0xa8: {  	s28 =	simm.s32 $_size_execute0_lowered;
	s4 =	sadd.s32 s4, s6;
	[dreg:$0x0] =	wrdreg $0x0  }
0xa9: {  	s6 =	sshll.u32 s28, $0x1;
	[dreg:$0x2] =	wrdreg s4  }
0xaa: {  	[dreg:$0x3] =	wrdreg s6  }
0xab: {  	[dreg:$0x4] =	wrdreg $0xC0  }
0xac: {  	_ =	task [dreg:s8], $0x5FFFF  }
0xad: {  	[dreg:$0x1] =	wrdreg $0xFFFFFFFF  }
0xae: {  	[dreg:$0x0] =	wrdreg $0x60  }
0xaf: {  	[dreg:$0x2] =	wrdreg s2  }
0xb0: {  	[dreg:$0x3] =	wrdreg s18  }
0xb1: {  	[dreg:$0x4] =	wrdreg s24  }
0xb2: {  	[dreg:$0x5] =	wrdreg $0x9  }
0xb3: {  	_ =	task.clear_ibuf [dreg:s8], $0x6FFFF;
	_ =	strace $0x90000046  }
0xb4: {  	s29 =	simm.s32 $0x9;
	_ =	strace $0x80000048  }
0xb5: {  	_ =	swait.ge [sflag:s29], $0x1  }
0xb6: {  	[sflag:s29] =	ssyncadd.s32 $0xFFFFFFFF  }
0xb7: {  	_ =	strace $0x90000048  }
0xb8: {  	_ =	sfence  }
0xb9: {  	s30 =	sld [smem:$0x0];
	_ =	sdelay $0x2  }
0xba: {  	s31 =	sshll.u32 s1, $0xD;
	s1 =	sshrl.u32 s1, $0x2  }
0xbb: {  	s3 =	sand.u32 $0x4000, s31;
	s1 =	sadd.s32 s1, s30  }
0xbc: {  	s0 =	sor.u32 s3, s0;
	s1 =	sshll.u32 s1, $0x11  }
0xbd: {  	s0 =	sor.u32 s1, s0  }
0xbe: {  	s0 =	sadd.s32 $0x8F2B, s0  }
0xbf: {  	[sflag:s0] =	ssyncadd.remote.s32 $0x1  }
0xc0: {  	_ =	sfence.sel $0xFFFF  }
0xc1: {  	[dreg:$0x0] =	wrdreg $0xFFFFFFFF;
	(pc) =	sbr.abs _section_cstart, $3  }
0xc2: {  	[dreg:$0x1] =	wrdreg $0xFFFFFFFF  }
0xc3: {  	_ =	task.clear_ibuf [dreg:s8], $0x2FFFF;
	_ =	strace $0x9FFFFFFF  }
0xc4: {  	(tm) =	ssettm $0x7FFFFFFF  }
0xc5: {  	_ =	shalt  }
tec
execute0_lowered:
.L_overlay_start_1:
0x0: {  	(tag) =	ssettag $0x1  }
0x1: {  	s0 =	srdreg.scid;
	s1 =	stileid.u32  }
0x2: {  	s0 =	sand.u32 $0x1, s0;
	s1 =	sshll.u32 s1, $0x1  }
0x3: {  	s1 =	sor.u32 s0, s1  }
0x4: {  	s3 =	rddreg [dreg:$0x0];
	s6 =	smul.u32 $0x180, s1  }
0x5: {  	s5 =	rddreg [dreg:$0x2];
	s7 =	smul.u32 $0xC000, s1  }
0x6: {  	s4 =	rddreg [dreg:$0x1];
	s2 =	simm.s32 $0x0;
	s5 =	sadd.s32 $0x1000, s5  }
0x7: {  	[smem:$0x7FF] =	sst s2;
	s4 =	sadd.s32 s4, s6;
	s25 =	sadd.s32 s5, s7  }
0x8: {  	_ =	strace $0x80000047;
	[dreg:$0x4] =	wrdreg s4;
	s19 =	sadd.s32 $0x800, s25  }
0x9: {  	s20 =	sadd.s32 $0x1000, s25;
	[dreg:$0x5] =	wrdreg s19  }
0xa: {  	s21 =	sadd.s32 $0x1800, s25;
	[dreg:$0x6] =	wrdreg s20  }
0xb: {  	s1 =	smul.u32 $0x60000, s1;
	s22 =	sadd.s32 $0x2000, s25;
	[dreg:$0x7] =	wrdreg s21  }
0xc: {  	s23 =	sadd.s32 $0x2800, s25;
	[dreg:$0x8] =	wrdreg s22  }
0xd: {  	s1 =	sshrl.u32 s1, $0x3;
	s24 =	sadd.s32 $0x3000, s25;
	[dreg:$0x9] =	wrdreg s23  }
0xe: {  	s26 =	sadd.s32 $0x3800, s25;
	s1 =	sadd.s32 s5, s1;
	[dreg:$0xa] =	wrdreg s24  }
0xf: {  	[dreg:$0xb] =	wrdreg s26;
	s6 =	sadd.s32 $0x4000, s1  }
0x10: {  	s7 =	sadd.s32 $0x4800, s1;
	[dreg:$0xc] =	wrdreg s6  }
0x11: {  	s8 =	sadd.s32 $0x5000, s1;
	[dreg:$0xd] =	wrdreg s7  }
0x12: {  	s9 =	sadd.s32 $0x5800, s1;
	[dreg:$0xe] =	wrdreg s8  }
0x13: {  	s10 =	sadd.s32 $0x6000, s1;
	[dreg:$0xf] =	wrdreg s9  }
0x14: {  	s31 =	simm.s32 $0x5;
	s11 =	sadd.s32 $0x6800, s1;
	[dreg:$0x10] =	wrdreg s10  }
0x15: {  	s30 =	simm.s32 $0x300;
	s12 =	sadd.s32 $0x7000, s1;
	[dreg:$0x11] =	wrdreg s11  }
0x16: {  	s29 =	simm.s32 $0x380;
	s13 =	sadd.s32 $0x7800, s1;
	[dreg:$0x12] =	wrdreg s12  }
0x17: {  	s28 =	simm.s32 $0x400;
	s14 =	sadd.s32 $0x8000, s1;
	[dreg:$0x13] =	wrdreg s13  }
0x18: {  	p0 =	por $0x0, $0x0;
	s15 =	sadd.s32 $0x8800, s1;
	[dreg:$0x14] =	wrdreg s14  }
0x19: {  	s0 =	ssub.s32 $0x2, s0;
	s16 =	sadd.s32 $0x9000, s1;
	[dreg:$0x15] =	wrdreg s15  }
0x1a: {  	s4 =	simm.s32 $0x4C00;
	s17 =	sadd.s32 $0x9800, s1;
	[dreg:$0x16] =	wrdreg s16  }
0x1b: {  	s5 =	simm.s32 $0x3;
	s18 =	sadd.s32 $0xA000, s1;
	[dreg:$0x17] =	wrdreg s17  }
0x1c: {  	s19 =	sadd.s32 $0xA800, s1;
	s20 =	sadd.s32 $0xB000, s1;
	[dreg:$0x18] =	wrdreg s18  }
0x1d: {  	s21 =	sshrl.u32 s0, $0x1;
	s1 =	sadd.s32 $0xB800, s1;
	[dreg:$0x19] =	wrdreg s19  }
0x1e: {  	s22 =	simm.s32 $0x100;
	s23 =	simm.s32 $0x180;
	[dreg:$0x1a] =	wrdreg s20  }
0x1f: {  	s24 =	simm.s32 $0x200;
	s26 =	simm.s32 $0x280;
	[dreg:$0x1b] =	wrdreg s1  }
0x20: {  	s0 =	ssub.s32 s0, s21;
	s8 =	simm.s32 $0x80;
	[dreg:$0x1c] =	wrdreg s22  }
0x21: {  	s6 =	simm.s32 $0xC00;
	s9 =	simm.s32 $0x1;
	[dreg:$0x1d] =	wrdreg s23  }
0x22: {  	s10 =	simm.s32 $0x2;
	[dreg:$0x1e] =	wrdreg s24;
	s7 =	simm.s32 $0x4  }
0x23: {  	[dreg:$0x1f] =	wrdreg s26;
	s26 =	simm.s32 $0x480;
	s0 =	smax.u32 s0, $0x1  }
0x24: {  	s24 =	simm.s32 $0x500;
	s23 =	simm.s32 $0x580;
	p1 =	sne.s32 s0, $0x1  }
.Ltmp0:
0x25: {  	s22 =	simm.s32 $0x600;
	s21 =	simm.s32 $0x680;
	(pc) =	sbr.rel @!p1 .LBB2_3-.Ltmp0, $4  }
0x26: {  	s20 =	simm.s32 $0x700;
	s19 =	simm.s32 $0x780;
	s18 =	simm.s32 $0x800  }
0x27: {  	s17 =	simm.s32 $0x880;
	s16 =	simm.s32 $0x900;
	s15 =	simm.s32 $0x980  }
0x28: {  	s14 =	simm.s32 $0xA00;
	s13 =	simm.s32 $0xA80;
	s12 =	simm.s32 $0xB00  }
0x29: {  	s11 =	simm.s32 $0xB80;
	s1 =	sadd.s32 $0xFFFFFFFF, s0;
	s0 =	rddreg [dreg:$0x4]  }
0x2a: {  	[tilespmem:s2], [sflag:$0x5] =	stream.linear.gather [hbm4b:s0+s2], $0xC00, $0x38;
	[tilespmem:$0x8C00] =	vst v63  }
0x2b: {  	_ =	swait.ge [sflag:s31], $0xC00  }
0x2c: {  	[sflag:s31] =	ssyncset.done $0x0  }
0x2d: {  	[sflag:s31] =	ssyncadd.s32 $0xFFFFF400  }
0x2e: {  	[tilespmem:s6], [sflag:$0x1] =	stream.indirect.gather [hbm4b:s3+s8], $0x80, s2, s8, $0xb8;
	[tilespmem:$0x8C00] =	vst v63  }
0x2f: {  	_ = 	snop  }
0x30: {  	[tilespmem:s4], [sflag:$0x2] =	stream.indirect.gather [hbm4b:s3+s8], $0x80, s8, s8, $0xb8;
	[tilespmem:$0x8C00] =	vst v63  }
0x31: {  	_ =	swait.ge [sflag:s9], $0x4000  }
0x32: {  	[sflag:s9] =	ssyncset.done $0x0  }
0x33: {  	[sflag:s9] =	ssyncadd.s32 $0xFFFFC000  }
0x34: {  	[hbm4b:s25+s2] =	stream.linear.scatter [tilespmem:s6], [sflag:$0x3], $0x4000, $0x38;
	[tilespmem:$0x8C00] =	vst v63  }
0x35: {  	_ =	swait.ge [sflag:s5], $0x4000  }
0x36: {  	[sflag:s5] =	ssyncset.done $0x0  }
0x37: {  	s0 =	rddreg [dreg:$0x1c];
	[sflag:s5] =	ssyncadd.s32 $0xFFFFC000  }
0x38: {  	[tilespmem:s6], [sflag:$0x1] =	stream.indirect.gather [hbm4b:s3+s8], $0x80, s0, s8, $0xb8;
	[tilespmem:$0x8C00] =	vst v63  }
0x39: {  	_ =	swait.ge [sflag:s10], $0x4000  }
0x3a: {  	[sflag:s10] =	ssyncset.done $0x0  }
0x3b: {  	s0 =	rddreg [dreg:$0x5];
	[sflag:s10] =	ssyncadd.s32 $0xFFFFC000  }
0x3c: {  	[hbm4b:s0+s2] =	stream.linear.scatter [tilespmem:s4], [sflag:$0x4], $0x4000, $0x38;
	[tilespmem:$0x8C00] =	vst v63  }
0x3d: {  	_ =	swait.ge [sflag:s7], $0x4000  }
0x3e: {  	[sflag:s7] =	ssyncset.done $0x0  }
0x3f: {  	s0 =	rddreg [dreg:$0x1d];
	[sflag:s7] =	ssyncadd.s32 $0xFFFFC000  }
0x40: {  	[tilespmem:s4], [sflag:$0x2] =	stream.indirect.gather [hbm4b:s3+s8], $0x80, s0, s8, $0xb8;
	[tilespmem:$0x8C00] =	vst v63  }
0x41: {  	_ =	swait.ge [sflag:s9], $0x4000  }
0x42: {  	[sflag:s9] =	ssyncset.done $0x0  }
0x43: {  	s0 =	rddreg [dreg:$0x6];
	[sflag:s9] =	ssyncadd.s32 $0xFFFFC000  }
0x44: {  	[hbm4b:s0+s2] =	stream.linear.scatter [tilespmem:s6], [sflag:$0x3], $0x4000, $0x38;
	[tilespmem:$0x8C00] =	vst v63  }
0x45: {  	_ =	swait.ge [sflag:s5], $0x4000  }
0x46: {  	[sflag:s5] =	ssyncset.done $0x0  }
0x47: {  	s0 =	rddreg [dreg:$0x1e];
	[sflag:s5] =	ssyncadd.s32 $0xFFFFC000  }
0x48: {  	[tilespmem:s6], [sflag:$0x1] =	stream.indirect.gather [hbm4b:s3+s8], $0x80, s0, s8, $0xb8;
	[tilespmem:$0x8C00] =	vst v63  }
0x49: {  	_ =	swait.ge [sflag:s10], $0x4000  }
0x4a: {  	[sflag:s10] =	ssyncset.done $0x0  }
0x4b: {  	s0 =	rddreg [dreg:$0x7];
	[sflag:s10] =	ssyncadd.s32 $0xFFFFC000  }
0x4c: {  	[hbm4b:s0+s2] =	stream.linear.scatter [tilespmem:s4], [sflag:$0x4], $0x4000, $0x38;
	[tilespmem:$0x8C00] =	vst v63  }
0x4d: {  	_ =	swait.ge [sflag:s7], $0x4000  }
0x4e: {  	[sflag:s7] =	ssyncset.done $0x0  }
0x4f: {  	s0 =	rddreg [dreg:$0x1f];
	[sflag:s7] =	ssyncadd.s32 $0xFFFFC000  }
0x50: {  	[tilespmem:s4], [sflag:$0x2] =	stream.indirect.gather [hbm4b:s3+s8], $0x80, s0, s8, $0xb8;
	[tilespmem:$0x8C00] =	vst v63  }
0x51: {  	_ =	swait.ge [sflag:s9], $0x4000  }
0x52: {  	[sflag:s9] =	ssyncset.done $0x0  }
0x53: {  	s0 =	rddreg [dreg:$0x8];
	[sflag:s9] =	ssyncadd.s32 $0xFFFFC000  }
0x54: {  	[hbm4b:s0+s2] =	stream.linear.scatter [tilespmem:s6], [sflag:$0x3], $0x4000, $0x38;
	[tilespmem:$0x8C00] =	vst v63  }
0x55: {  	_ =	swait.ge [sflag:s5], $0x4000  }
0x56: {  	[sflag:s5] =	ssyncset.done $0x0  }
0x57: {  	[sflag:s5] =	ssyncadd.s32 $0xFFFFC000  }
0x58: {  	[tilespmem:s6], [sflag:$0x1] =	stream.indirect.gather [hbm4b:s3+s8], $0x80, s30, s8, $0xb8;
	[tilespmem:$0x8C00] =	vst v63  }
0x59: {  	_ =	swait.ge [sflag:s10], $0x4000  }
0x5a: {  	[sflag:s10] =	ssyncset.done $0x0  }
0x5b: {  	s0 =	rddreg [dreg:$0x9];
	[sflag:s10] =	ssyncadd.s32 $0xFFFFC000  }
0x5c: {  	[hbm4b:s0+s2] =	stream.linear.scatter [tilespmem:s4], [sflag:$0x4], $0x4000, $0x38;
	[tilespmem:$0x8C00] =	vst v63  }
0x5d: {  	_ =	swait.ge [sflag:s7], $0x4000  }
0x5e: {  	[sflag:s7] =	ssyncset.done $0x0  }
0x5f: {  	[sflag:s7] =	ssyncadd.s32 $0xFFFFC000  }
0x60: {  	[tilespmem:s4], [sflag:$0x2] =	stream.indirect.gather [hbm4b:s3+s8], $0x80, s29, s8, $0xb8;
	[tilespmem:$0x8C00] =	vst v63  }
0x61: {  	_ =	swait.ge [sflag:s9], $0x4000  }
0x62: {  	[sflag:s9] =	ssyncset.done $0x0  }
0x63: {  	s0 =	rddreg [dreg:$0xa];
	[sflag:s9] =	ssyncadd.s32 $0xFFFFC000  }
0x64: {  	[hbm4b:s0+s2] =	stream.linear.scatter [tilespmem:s6], [sflag:$0x3], $0x4000, $0x38;
	[tilespmem:$0x8C00] =	vst v63  }
0x65: {  	_ =	swait.ge [sflag:s5], $0x4000  }
0x66: {  	[sflag:s5] =	ssyncset.done $0x0  }
0x67: {  	[sflag:s5] =	ssyncadd.s32 $0xFFFFC000  }
0x68: {  	[tilespmem:s6], [sflag:$0x1] =	stream.indirect.gather [hbm4b:s3+s8], $0x80, s28, s8, $0xb8;
	[tilespmem:$0x8C00] =	vst v63  }
0x69: {  	_ =	swait.ge [sflag:s10], $0x4000  }
0x6a: {  	[sflag:s10] =	ssyncset.done $0x0  }
0x6b: {  	s0 =	rddreg [dreg:$0xb];
	[sflag:s10] =	ssyncadd.s32 $0xFFFFC000  }
0x6c: {  	[hbm4b:s0+s2] =	stream.linear.scatter [tilespmem:s4], [sflag:$0x4], $0x4000, $0x38;
	[tilespmem:$0x8C00] =	vst v63  }
0x6d: {  	_ =	swait.ge [sflag:s7], $0x4000  }
0x6e: {  	[sflag:s7] =	ssyncset.done $0x0  }
0x6f: {  	[sflag:s7] =	ssyncadd.s32 $0xFFFFC000  }
0x70: {  	[tilespmem:s4], [sflag:$0x2] =	stream.indirect.gather [hbm4b:s3+s8], $0x80, s26, s8, $0xb8;
	[tilespmem:$0x8C00] =	vst v63  }
0x71: {  	_ =	swait.ge [sflag:s9], $0x4000  }
0x72: {  	[sflag:s9] =	ssyncset.done $0x0  }
0x73: {  	s0 =	rddreg [dreg:$0xc];
	[sflag:s9] =	ssyncadd.s32 $0xFFFFC000  }
0x74: {  	[hbm4b:s0+s2] =	stream.linear.scatter [tilespmem:s6], [sflag:$0x3], $0x4000, $0x38;
	[tilespmem:$0x8C00] =	vst v63  }
0x75: {  	_ =	swait.ge [sflag:s5], $0x4000  }
0x76: {  	[sflag:s5] =	ssyncset.done $0x0  }
0x77: {  	[sflag:s5] =	ssyncadd.s32 $0xFFFFC000  }
0x78: {  	[tilespmem:s6], [sflag:$0x1] =	stream.indirect.gather [hbm4b:s3+s8], $0x80, s24, s8, $0xb8;
	[tilespmem:$0x8C00] =	vst v63  }
0x79: {  	_ =	swait.ge [sflag:s10], $0x4000  }
0x7a: {  	[sflag:s10] =	ssyncset.done $0x0  }
0x7b: {  	s0 =	rddreg [dreg:$0xd];
	[sflag:s10] =	ssyncadd.s32 $0xFFFFC000  }
0x7c: {  	[hbm4b:s0+s2] =	stream.linear.scatter [tilespmem:s4], [sflag:$0x4], $0x4000, $0x38;
	[tilespmem:$0x8C00] =	vst v63  }
0x7d: {  	_ =	swait.ge [sflag:s7], $0x4000  }
0x7e: {  	[sflag:s7] =	ssyncset.done $0x0  }
0x7f: {  	[sflag:s7] =	ssyncadd.s32 $0xFFFFC000  }
0x80: {  	[tilespmem:s4], [sflag:$0x2] =	stream.indirect.gather [hbm4b:s3+s8], $0x80, s23, s8, $0xb8;
	[tilespmem:$0x8C00] =	vst v63  }
0x81: {  	_ =	swait.ge [sflag:s9], $0x4000  }
0x82: {  	[sflag:s9] =	ssyncset.done $0x0  }
0x83: {  	s0 =	rddreg [dreg:$0xe];
	[sflag:s9] =	ssyncadd.s32 $0xFFFFC000  }
0x84: {  	[hbm4b:s0+s2] =	stream.linear.scatter [tilespmem:s6], [sflag:$0x3], $0x4000, $0x38;
	[tilespmem:$0x8C00] =	vst v63  }
0x85: {  	_ =	swait.ge [sflag:s5], $0x4000  }
0x86: {  	[sflag:s5] =	ssyncset.done $0x0  }
0x87: {  	[sflag:s5] =	ssyncadd.s32 $0xFFFFC000  }
0x88: {  	[tilespmem:s6], [sflag:$0x1] =	stream.indirect.gather [hbm4b:s3+s8], $0x80, s22, s8, $0xb8;
	[tilespmem:$0x8C00] =	vst v63  }
0x89: {  	_ =	swait.ge [sflag:s10], $0x4000  }
0x8a: {  	[sflag:s10] =	ssyncset.done $0x0  }
0x8b: {  	s0 =	rddreg [dreg:$0xf];
	[sflag:s10] =	ssyncadd.s32 $0xFFFFC000  }
0x8c: {  	[hbm4b:s0+s2] =	stream.linear.scatter [tilespmem:s4], [sflag:$0x4], $0x4000, $0x38;
	[tilespmem:$0x8C00] =	vst v63  }
0x8d: {  	_ =	swait.ge [sflag:s7], $0x4000  }
0x8e: {  	[sflag:s7] =	ssyncset.done $0x0  }
0x8f: {  	[sflag:s7] =	ssyncadd.s32 $0xFFFFC000  }
0x90: {  	[tilespmem:s4], [sflag:$0x2] =	stream.indirect.gather [hbm4b:s3+s8], $0x80, s21, s8, $0xb8;
	[tilespmem:$0x8C00] =	vst v63  }
0x91: {  	_ =	swait.ge [sflag:s9], $0x4000  }
0x92: {  	[sflag:s9] =	ssyncset.done $0x0  }
0x93: {  	s0 =	rddreg [dreg:$0x10];
	[sflag:s9] =	ssyncadd.s32 $0xFFFFC000  }
0x94: {  	[hbm4b:s0+s2] =	stream.linear.scatter [tilespmem:s6], [sflag:$0x3], $0x4000, $0x38;
	[tilespmem:$0x8C00] =	vst v63  }
0x95: {  	_ =	swait.ge [sflag:s5], $0x4000  }
0x96: {  	[sflag:s5] =	ssyncset.done $0x0  }
0x97: {  	[sflag:s5] =	ssyncadd.s32 $0xFFFFC000  }
0x98: {  	[tilespmem:s6], [sflag:$0x1] =	stream.indirect.gather [hbm4b:s3+s8], $0x80, s20, s8, $0xb8;
	[tilespmem:$0x8C00] =	vst v63  }
0x99: {  	_ =	swait.ge [sflag:s10], $0x4000  }
0x9a: {  	[sflag:s10] =	ssyncset.done $0x0  }
0x9b: {  	s0 =	rddreg [dreg:$0x11];
	[sflag:s10] =	ssyncadd.s32 $0xFFFFC000  }
0x9c: {  	[hbm4b:s0+s2] =	stream.linear.scatter [tilespmem:s4], [sflag:$0x4], $0x4000, $0x38;
	[tilespmem:$0x8C00] =	vst v63  }
0x9d: {  	_ =	swait.ge [sflag:s7], $0x4000  }
0x9e: {  	[sflag:s7] =	ssyncset.done $0x0  }
0x9f: {  	[sflag:s7] =	ssyncadd.s32 $0xFFFFC000  }
0xa0: {  	[tilespmem:s4], [sflag:$0x2] =	stream.indirect.gather [hbm4b:s3+s8], $0x80, s19, s8, $0xb8;
	[tilespmem:$0x8C00] =	vst v63  }
0xa1: {  	_ =	swait.ge [sflag:s9], $0x4000  }
0xa2: {  	[sflag:s9] =	ssyncset.done $0x0  }
0xa3: {  	s0 =	rddreg [dreg:$0x12];
	[sflag:s9] =	ssyncadd.s32 $0xFFFFC000  }
0xa4: {  	[hbm4b:s0+s2] =	stream.linear.scatter [tilespmem:s6], [sflag:$0x3], $0x4000, $0x38;
	[tilespmem:$0x8C00] =	vst v63  }
0xa5: {  	_ =	swait.ge [sflag:s5], $0x4000  }
0xa6: {  	[sflag:s5] =	ssyncset.done $0x0  }
0xa7: {  	[sflag:s5] =	ssyncadd.s32 $0xFFFFC000  }
0xa8: {  	[tilespmem:s6], [sflag:$0x1] =	stream.indirect.gather [hbm4b:s3+s8], $0x80, s18, s8, $0xb8;
	[tilespmem:$0x8C00] =	vst v63  }
0xa9: {  	_ =	swait.ge [sflag:s10], $0x4000  }
0xaa: {  	[sflag:s10] =	ssyncset.done $0x0  }
0xab: {  	s0 =	rddreg [dreg:$0x13];
	[sflag:s10] =	ssyncadd.s32 $0xFFFFC000  }
0xac: {  	[hbm4b:s0+s2] =	stream.linear.scatter [tilespmem:s4], [sflag:$0x4], $0x4000, $0x38;
	[tilespmem:$0x8C00] =	vst v63  }
0xad: {  	_ =	swait.ge [sflag:s7], $0x4000  }
0xae: {  	[sflag:s7] =	ssyncset.done $0x0  }
0xaf: {  	[sflag:s7] =	ssyncadd.s32 $0xFFFFC000  }
0xb0: {  	[tilespmem:s4], [sflag:$0x2] =	stream.indirect.gather [hbm4b:s3+s8], $0x80, s17, s8, $0xb8;
	[tilespmem:$0x8C00] =	vst v63  }
0xb1: {  	_ =	swait.ge [sflag:s9], $0x4000  }
0xb2: {  	[sflag:s9] =	ssyncset.done $0x0  }
0xb3: {  	s0 =	rddreg [dreg:$0x14];
	[sflag:s9] =	ssyncadd.s32 $0xFFFFC000  }
0xb4: {  	[hbm4b:s0+s2] =	stream.linear.scatter [tilespmem:s6], [sflag:$0x3], $0x4000, $0x38;
	[tilespmem:$0x8C00] =	vst v63  }
0xb5: {  	_ =	swait.ge [sflag:s5], $0x4000  }
0xb6: {  	[sflag:s5] =	ssyncset.done $0x0  }
0xb7: {  	[sflag:s5] =	ssyncadd.s32 $0xFFFFC000  }
0xb8: {  	[tilespmem:s6], [sflag:$0x1] =	stream.indirect.gather [hbm4b:s3+s8], $0x80, s16, s8, $0xb8;
	[tilespmem:$0x8C00] =	vst v63  }
0xb9: {  	_ =	swait.ge [sflag:s10], $0x4000  }
0xba: {  	[sflag:s10] =	ssyncset.done $0x0  }
0xbb: {  	s0 =	rddreg [dreg:$0x15];
	[sflag:s10] =	ssyncadd.s32 $0xFFFFC000  }
0xbc: {  	[hbm4b:s0+s2] =	stream.linear.scatter [tilespmem:s4], [sflag:$0x4], $0x4000, $0x38;
	[tilespmem:$0x8C00] =	vst v63  }
0xbd: {  	_ =	swait.ge [sflag:s7], $0x4000  }
0xbe: {  	[sflag:s7] =	ssyncset.done $0x0  }
0xbf: {  	[sflag:s7] =	ssyncadd.s32 $0xFFFFC000  }
0xc0: {  	[tilespmem:s4], [sflag:$0x2] =	stream.indirect.gather [hbm4b:s3+s8], $0x80, s15, s8, $0xb8;
	[tilespmem:$0x8C00] =	vst v63  }
0xc1: {  	_ =	swait.ge [sflag:s9], $0x4000  }
0xc2: {  	[sflag:s9] =	ssyncset.done $0x0  }
0xc3: {  	s0 =	rddreg [dreg:$0x16];
	[sflag:s9] =	ssyncadd.s32 $0xFFFFC000  }
0xc4: {  	[hbm4b:s0+s2] =	stream.linear.scatter [tilespmem:s6], [sflag:$0x3], $0x4000, $0x38;
	[tilespmem:$0x8C00] =	vst v63  }
0xc5: {  	_ =	swait.ge [sflag:s5], $0x4000  }
0xc6: {  	[sflag:s5] =	ssyncset.done $0x0  }
0xc7: {  	[sflag:s5] =	ssyncadd.s32 $0xFFFFC000  }
0xc8: {  	[tilespmem:s6], [sflag:$0x1] =	stream.indirect.gather [hbm4b:s3+s8], $0x80, s14, s8, $0xb8;
	[tilespmem:$0x8C00] =	vst v63  }
0xc9: {  	_ =	swait.ge [sflag:s10], $0x4000  }
0xca: {  	[sflag:s10] =	ssyncset.done $0x0  }
0xcb: {  	s0 =	rddreg [dreg:$0x17];
	[sflag:s10] =	ssyncadd.s32 $0xFFFFC000  }
0xcc: {  	[hbm4b:s0+s2] =	stream.linear.scatter [tilespmem:s4], [sflag:$0x4], $0x4000, $0x38;
	[tilespmem:$0x8C00] =	vst v63  }
0xcd: {  	_ =	swait.ge [sflag:s7], $0x4000  }
0xce: {  	[sflag:s7] =	ssyncset.done $0x0  }
0xcf: {  	[sflag:s7] =	ssyncadd.s32 $0xFFFFC000  }
0xd0: {  	[tilespmem:s4], [sflag:$0x2] =	stream.indirect.gather [hbm4b:s3+s8], $0x80, s13, s8, $0xb8;
	[tilespmem:$0x8C00] =	vst v63  }
0xd1: {  	_ =	swait.ge [sflag:s9], $0x4000  }
0xd2: {  	[sflag:s9] =	ssyncset.done $0x0  }
0xd3: {  	s0 =	rddreg [dreg:$0x18];
	[sflag:s9] =	ssyncadd.s32 $0xFFFFC000  }
0xd4: {  	[hbm4b:s0+s2] =	stream.linear.scatter [tilespmem:s6], [sflag:$0x3], $0x4000, $0x38;
	[tilespmem:$0x8C00] =	vst v63  }
0xd5: {  	_ =	swait.ge [sflag:s5], $0x4000  }
0xd6: {  	[sflag:s5] =	ssyncset.done $0x0  }
0xd7: {  	[sflag:s5] =	ssyncadd.s32 $0xFFFFC000  }
0xd8: {  	[tilespmem:s6], [sflag:$0x1] =	stream.indirect.gather [hbm4b:s3+s8], $0x80, s12, s8, $0xb8;
	[tilespmem:$0x8C00] =	vst v63  }
0xd9: {  	_ =	swait.ge [sflag:s10], $0x4000  }
0xda: {  	[sflag:s10] =	ssyncset.done $0x0  }
0xdb: {  	s0 =	rddreg [dreg:$0x19];
	[sflag:s10] =	ssyncadd.s32 $0xFFFFC000  }
0xdc: {  	[hbm4b:s0+s2] =	stream.linear.scatter [tilespmem:s4], [sflag:$0x4], $0x4000, $0x38;
	[tilespmem:$0x8C00] =	vst v63  }
0xdd: {  	_ =	swait.ge [sflag:s7], $0x4000  }
0xde: {  	[sflag:s7] =	ssyncset.done $0x0  }
0xdf: {  	[sflag:s7] =	ssyncadd.s32 $0xFFFFC000  }
0xe0: {  	[tilespmem:s4], [sflag:$0x2] =	stream.indirect.gather [hbm4b:s3+s8], $0x80, s11, s8, $0xb8;
	[tilespmem:$0x8C00] =	vst v63  }
0xe1: {  	_ =	swait.ge [sflag:s9], $0x4000  }
0xe2: {  	[sflag:s9] =	ssyncset.done $0x0  }
0xe3: {  	s0 =	rddreg [dreg:$0x1a];
	[sflag:s9] =	ssyncadd.s32 $0xFFFFC000  }
0xe4: {  	[hbm4b:s0+s2] =	stream.linear.scatter [tilespmem:s6], [sflag:$0x3], $0x4000, $0x38;
	[tilespmem:$0x8C00] =	vst v63  }
0xe5: {  	_ =	swait.ge [sflag:s10], $0x4000  }
0xe6: {  	[sflag:s10] =	ssyncset.done $0x0  }
0xe7: {  	p1 =	sne.s32 s1, $0x1;
	s0 =	rddreg [dreg:$0x1b];
	[sflag:s10] =	ssyncadd.s32 $0xFFFFC000  }
0xe8: {  	[hbm4b:s0+s2] =	stream.linear.scatter [tilespmem:s4], [sflag:$0x4], $0x4000, $0x38;
	[tilespmem:$0x8C00] =	vst v63  }
.Ltmp1:
0xe9: {  	_ =	swait.ge [sflag:s5], $0x4000;
	(pc) =	sbr.rel @!p1 .LBB2_3-.Ltmp1, $4  }
0xea: {  	[sflag:s5] =	ssyncset.done $0x0  }
0xeb: {  	[sflag:s5] =	ssyncadd.s32 $0xFFFFC000  }
0xec: {  	s1 =	sadd.s32 $0xFFFFFFFF, s1;
	_ =	swait.ge [sflag:s7], $0x4000  }
0xed: {  	p0 =	por $0x1, $0x1;
	s0 =	rddreg [dreg:$0x4];
	[sflag:s7] =	ssyncset.done $0x0  }
.LBB2_2:
0xee: {  	[sflag:s7] =	ssyncadd.s32 $0xFFFFC000  }
0xef: {  	[tilespmem:s2], [sflag:$0x5] =	stream.linear.gather [hbm4b:s0+s2], $0xC00, $0x38;
	[tilespmem:$0x8C00] =	vst v63  }
0xf0: {  	_ =	swait.ge [sflag:s31], $0xC00  }
0xf1: {  	[sflag:s31] =	ssyncset.done $0x0  }
0xf2: {  	[sflag:s31] =	ssyncadd.s32 $0xFFFFF400  }
0xf3: {  	[tilespmem:s6], [sflag:$0x1] =	stream.indirect.gather [hbm4b:s3+s8], $0x80, s2, s8, $0xb8;
	[tilespmem:$0x8C00] =	vst v63  }
0xf4: {  	_ = 	snop  }
0xf5: {  	[tilespmem:s4], [sflag:$0x2] =	stream.indirect.gather [hbm4b:s3+s8], $0x80, s8, s8, $0xb8;
	[tilespmem:$0x8C00] =	vst v63  }
0xf6: {  	_ =	swait.ge [sflag:s9], $0x4000  }
0xf7: {  	[sflag:s9] =	ssyncset.done $0x0  }
0xf8: {  	[sflag:s9] =	ssyncadd.s32 $0xFFFFC000  }
0xf9: {  	[hbm4b:s25+s2] =	stream.linear.scatter [tilespmem:s6], [sflag:$0x3], $0x4000, $0x38;
	[tilespmem:$0x8C00] =	vst v63  }
0xfa: {  	_ =	swait.ge [sflag:s5], $0x4000  }
0xfb: {  	[sflag:s5] =	ssyncset.done $0x0  }
0xfc: {  	s0 =	rddreg [dreg:$0x1c];
	[sflag:s5] =	ssyncadd.s32 $0xFFFFC000  }
0xfd: {  	[tilespmem:s6], [sflag:$0x1] =	stream.indirect.gather [hbm4b:s3+s8], $0x80, s0, s8, $0xb8;
	[tilespmem:$0x8C00] =	vst v63  }
0xfe: {  	_ =	swait.ge [sflag:s10], $0x4000  }
0xff: {  	[sflag:s10] =	ssyncset.done $0x0  }
0x100: {  	s0 =	rddreg [dreg:$0x5];
	[sflag:s10] =	ssyncadd.s32 $0xFFFFC000  }
0x101: {  	[hbm4b:s0+s2] =	stream.linear.scatter [tilespmem:s4], [sflag:$0x4], $0x4000, $0x38;
	[tilespmem:$0x8C00] =	vst v63  }
0x102: {  	_ =	swait.ge [sflag:s7], $0x4000  }
0x103: {  	[sflag:s7] =	ssyncset.done $0x0  }
0x104: {  	s0 =	rddreg [dreg:$0x1d];
	[sflag:s7] =	ssyncadd.s32 $0xFFFFC000  }
0x105: {  	[tilespmem:s4], [sflag:$0x2] =	stream.indirect.gather [hbm4b:s3+s8], $0x80, s0, s8, $0xb8;
	[tilespmem:$0x8C00] =	vst v63  }
0x106: {  	_ =	swait.ge [sflag:s9], $0x4000  }
0x107: {  	[sflag:s9] =	ssyncset.done $0x0  }
0x108: {  	s0 =	rddreg [dreg:$0x6];
	[sflag:s9] =	ssyncadd.s32 $0xFFFFC000  }
0x109: {  	[hbm4b:s0+s2] =	stream.linear.scatter [tilespmem:s6], [sflag:$0x3], $0x4000, $0x38;
	[tilespmem:$0x8C00] =	vst v63  }
0x10a: {  	_ =	swait.ge [sflag:s5], $0x4000  }
0x10b: {  	[sflag:s5] =	ssyncset.done $0x0  }
0x10c: {  	s0 =	rddreg [dreg:$0x1e];
	[sflag:s5] =	ssyncadd.s32 $0xFFFFC000  }
0x10d: {  	[tilespmem:s6], [sflag:$0x1] =	stream.indirect.gather [hbm4b:s3+s8], $0x80, s0, s8, $0xb8;
	[tilespmem:$0x8C00] =	vst v63  }
0x10e: {  	_ =	swait.ge [sflag:s10], $0x4000  }
0x10f: {  	[sflag:s10] =	ssyncset.done $0x0  }
0x110: {  	s0 =	rddreg [dreg:$0x7];
	[sflag:s10] =	ssyncadd.s32 $0xFFFFC000  }
0x111: {  	[hbm4b:s0+s2] =	stream.linear.scatter [tilespmem:s4], [sflag:$0x4], $0x4000, $0x38;
	[tilespmem:$0x8C00] =	vst v63  }
0x112: {  	_ =	swait.ge [sflag:s7], $0x4000  }
0x113: {  	[sflag:s7] =	ssyncset.done $0x0  }
0x114: {  	s0 =	rddreg [dreg:$0x1f];
	[sflag:s7] =	ssyncadd.s32 $0xFFFFC000  }
0x115: {  	[tilespmem:s4], [sflag:$0x2] =	stream.indirect.gather [hbm4b:s3+s8], $0x80, s0, s8, $0xb8;
	[tilespmem:$0x8C00] =	vst v63  }
0x116: {  	_ =	swait.ge [sflag:s9], $0x4000  }
0x117: {  	[sflag:s9] =	ssyncset.done $0x0  }
0x118: {  	s0 =	rddreg [dreg:$0x8];
	[sflag:s9] =	ssyncadd.s32 $0xFFFFC000  }
0x119: {  	[hbm4b:s0+s2] =	stream.linear.scatter [tilespmem:s6], [sflag:$0x3], $0x4000, $0x38;
	[tilespmem:$0x8C00] =	vst v63  }
0x11a: {  	_ =	swait.ge [sflag:s5], $0x4000  }
0x11b: {  	[sflag:s5] =	ssyncset.done $0x0  }
0x11c: {  	[sflag:s5] =	ssyncadd.s32 $0xFFFFC000  }
0x11d: {  	[tilespmem:s6], [sflag:$0x1] =	stream.indirect.gather [hbm4b:s3+s8], $0x80, s30, s8, $0xb8;
	[tilespmem:$0x8C00] =	vst v63  }
0x11e: {  	_ =	swait.ge [sflag:s10], $0x4000  }
0x11f: {  	[sflag:s10] =	ssyncset.done $0x0  }
0x120: {  	s0 =	rddreg [dreg:$0x9];
	[sflag:s10] =	ssyncadd.s32 $0xFFFFC000  }
0x121: {  	[hbm4b:s0+s2] =	stream.linear.scatter [tilespmem:s4], [sflag:$0x4], $0x4000, $0x38;
	[tilespmem:$0x8C00] =	vst v63  }
0x122: {  	_ =	swait.ge [sflag:s7], $0x4000  }
0x123: {  	[sflag:s7] =	ssyncset.done $0x0  }
0x124: {  	[sflag:s7] =	ssyncadd.s32 $0xFFFFC000  }
0x125: {  	[tilespmem:s4], [sflag:$0x2] =	stream.indirect.gather [hbm4b:s3+s8], $0x80, s29, s8, $0xb8;
	[tilespmem:$0x8C00] =	vst v63  }
0x126: {  	_ =	swait.ge [sflag:s9], $0x4000  }
0x127: {  	[sflag:s9] =	ssyncset.done $0x0  }
0x128: {  	s0 =	rddreg [dreg:$0xa];
	[sflag:s9] =	ssyncadd.s32 $0xFFFFC000  }
0x129: {  	[hbm4b:s0+s2] =	stream.linear.scatter [tilespmem:s6], [sflag:$0x3], $0x4000, $0x38;
	[tilespmem:$0x8C00] =	vst v63  }
0x12a: {  	_ =	swait.ge [sflag:s5], $0x4000  }
0x12b: {  	[sflag:s5] =	ssyncset.done $0x0  }
0x12c: {  	[sflag:s5] =	ssyncadd.s32 $0xFFFFC000  }
0x12d: {  	[tilespmem:s6], [sflag:$0x1] =	stream.indirect.gather [hbm4b:s3+s8], $0x80, s28, s8, $0xb8;
	[tilespmem:$0x8C00] =	vst v63  }
0x12e: {  	_ =	swait.ge [sflag:s10], $0x4000  }
0x12f: {  	[sflag:s10] =	ssyncset.done $0x0  }
0x130: {  	s0 =	rddreg [dreg:$0xb];
	[sflag:s10] =	ssyncadd.s32 $0xFFFFC000  }
0x131: {  	[hbm4b:s0+s2] =	stream.linear.scatter [tilespmem:s4], [sflag:$0x4], $0x4000, $0x38;
	[tilespmem:$0x8C00] =	vst v63  }
0x132: {  	_ =	swait.ge [sflag:s7], $0x4000  }
0x133: {  	[sflag:s7] =	ssyncset.done $0x0  }
0x134: {  	[sflag:s7] =	ssyncadd.s32 $0xFFFFC000  }
0x135: {  	[tilespmem:s4], [sflag:$0x2] =	stream.indirect.gather [hbm4b:s3+s8], $0x80, s26, s8, $0xb8;
	[tilespmem:$0x8C00] =	vst v63  }
0x136: {  	_ =	swait.ge [sflag:s9], $0x4000  }
0x137: {  	[sflag:s9] =	ssyncset.done $0x0  }
0x138: {  	s0 =	rddreg [dreg:$0xc];
	[sflag:s9] =	ssyncadd.s32 $0xFFFFC000  }
0x139: {  	[hbm4b:s0+s2] =	stream.linear.scatter [tilespmem:s6], [sflag:$0x3], $0x4000, $0x38;
	[tilespmem:$0x8C00] =	vst v63  }
0x13a: {  	_ =	swait.ge [sflag:s5], $0x4000  }
0x13b: {  	[sflag:s5] =	ssyncset.done $0x0  }
0x13c: {  	[sflag:s5] =	ssyncadd.s32 $0xFFFFC000  }
0x13d: {  	[tilespmem:s6], [sflag:$0x1] =	stream.indirect.gather [hbm4b:s3+s8], $0x80, s24, s8, $0xb8;
	[tilespmem:$0x8C00] =	vst v63  }
0x13e: {  	_ =	swait.ge [sflag:s10], $0x4000  }
0x13f: {  	[sflag:s10] =	ssyncset.done $0x0  }
0x140: {  	s0 =	rddreg [dreg:$0xd];
	[sflag:s10] =	ssyncadd.s32 $0xFFFFC000  }
0x141: {  	[hbm4b:s0+s2] =	stream.linear.scatter [tilespmem:s4], [sflag:$0x4], $0x4000, $0x38;
	[tilespmem:$0x8C00] =	vst v63  }
0x142: {  	_ =	swait.ge [sflag:s7], $0x4000  }
0x143: {  	[sflag:s7] =	ssyncset.done $0x0  }
0x144: {  	[sflag:s7] =	ssyncadd.s32 $0xFFFFC000  }
0x145: {  	[tilespmem:s4], [sflag:$0x2] =	stream.indirect.gather [hbm4b:s3+s8], $0x80, s23, s8, $0xb8;
	[tilespmem:$0x8C00] =	vst v63  }
0x146: {  	_ =	swait.ge [sflag:s9], $0x4000  }
0x147: {  	[sflag:s9] =	ssyncset.done $0x0  }
0x148: {  	s0 =	rddreg [dreg:$0xe];
	[sflag:s9] =	ssyncadd.s32 $0xFFFFC000  }
0x149: {  	[hbm4b:s0+s2] =	stream.linear.scatter [tilespmem:s6], [sflag:$0x3], $0x4000, $0x38;
	[tilespmem:$0x8C00] =	vst v63  }
0x14a: {  	_ =	swait.ge [sflag:s5], $0x4000  }
0x14b: {  	[sflag:s5] =	ssyncset.done $0x0  }
0x14c: {  	[sflag:s5] =	ssyncadd.s32 $0xFFFFC000  }
0x14d: {  	[tilespmem:s6], [sflag:$0x1] =	stream.indirect.gather [hbm4b:s3+s8], $0x80, s22, s8, $0xb8;
	[tilespmem:$0x8C00] =	vst v63  }
0x14e: {  	_ =	swait.ge [sflag:s10], $0x4000  }
0x14f: {  	[sflag:s10] =	ssyncset.done $0x0  }
0x150: {  	s0 =	rddreg [dreg:$0xf];
	[sflag:s10] =	ssyncadd.s32 $0xFFFFC000  }
0x151: {  	[hbm4b:s0+s2] =	stream.linear.scatter [tilespmem:s4], [sflag:$0x4], $0x4000, $0x38;
	[tilespmem:$0x8C00] =	vst v63  }
0x152: {  	_ =	swait.ge [sflag:s7], $0x4000  }
0x153: {  	[sflag:s7] =	ssyncset.done $0x0  }
0x154: {  	[sflag:s7] =	ssyncadd.s32 $0xFFFFC000  }
0x155: {  	[tilespmem:s4], [sflag:$0x2] =	stream.indirect.gather [hbm4b:s3+s8], $0x80, s21, s8, $0xb8;
	[tilespmem:$0x8C00] =	vst v63  }
0x156: {  	_ =	swait.ge [sflag:s9], $0x4000  }
0x157: {  	[sflag:s9] =	ssyncset.done $0x0  }
0x158: {  	s0 =	rddreg [dreg:$0x10];
	[sflag:s9] =	ssyncadd.s32 $0xFFFFC000  }
0x159: {  	[hbm4b:s0+s2] =	stream.linear.scatter [tilespmem:s6], [sflag:$0x3], $0x4000, $0x38;
	[tilespmem:$0x8C00] =	vst v63  }
0x15a: {  	_ =	swait.ge [sflag:s5], $0x4000  }
0x15b: {  	[sflag:s5] =	ssyncset.done $0x0  }
0x15c: {  	[sflag:s5] =	ssyncadd.s32 $0xFFFFC000  }
0x15d: {  	[tilespmem:s6], [sflag:$0x1] =	stream.indirect.gather [hbm4b:s3+s8], $0x80, s20, s8, $0xb8;
	[tilespmem:$0x8C00] =	vst v63  }
0x15e: {  	_ =	swait.ge [sflag:s10], $0x4000  }
0x15f: {  	[sflag:s10] =	ssyncset.done $0x0  }
0x160: {  	s0 =	rddreg [dreg:$0x11];
	[sflag:s10] =	ssyncadd.s32 $0xFFFFC000  }
0x161: {  	[hbm4b:s0+s2] =	stream.linear.scatter [tilespmem:s4], [sflag:$0x4], $0x4000, $0x38;
	[tilespmem:$0x8C00] =	vst v63  }
0x162: {  	_ =	swait.ge [sflag:s7], $0x4000  }
0x163: {  	[sflag:s7] =	ssyncset.done $0x0  }
0x164: {  	[sflag:s7] =	ssyncadd.s32 $0xFFFFC000  }
0x165: {  	[tilespmem:s4], [sflag:$0x2] =	stream.indirect.gather [hbm4b:s3+s8], $0x80, s19, s8, $0xb8;
	[tilespmem:$0x8C00] =	vst v63  }
0x166: {  	_ =	swait.ge [sflag:s9], $0x4000  }
0x167: {  	[sflag:s9] =	ssyncset.done $0x0  }
0x168: {  	s0 =	rddreg [dreg:$0x12];
	[sflag:s9] =	ssyncadd.s32 $0xFFFFC000  }
0x169: {  	[hbm4b:s0+s2] =	stream.linear.scatter [tilespmem:s6], [sflag:$0x3], $0x4000, $0x38;
	[tilespmem:$0x8C00] =	vst v63  }
0x16a: {  	_ =	swait.ge [sflag:s5], $0x4000  }
0x16b: {  	[sflag:s5] =	ssyncset.done $0x0  }
0x16c: {  	[sflag:s5] =	ssyncadd.s32 $0xFFFFC000  }
0x16d: {  	[tilespmem:s6], [sflag:$0x1] =	stream.indirect.gather [hbm4b:s3+s8], $0x80, s18, s8, $0xb8;
	[tilespmem:$0x8C00] =	vst v63  }
0x16e: {  	_ =	swait.ge [sflag:s10], $0x4000  }
0x16f: {  	[sflag:s10] =	ssyncset.done $0x0  }
0x170: {  	s0 =	rddreg [dreg:$0x13];
	[sflag:s10] =	ssyncadd.s32 $0xFFFFC000  }
0x171: {  	[hbm4b:s0+s2] =	stream.linear.scatter [tilespmem:s4], [sflag:$0x4], $0x4000, $0x38;
	[tilespmem:$0x8C00] =	vst v63  }
0x172: {  	_ =	swait.ge [sflag:s7], $0x4000  }
0x173: {  	[sflag:s7] =	ssyncset.done $0x0  }
0x174: {  	[sflag:s7] =	ssyncadd.s32 $0xFFFFC000  }
0x175: {  	[tilespmem:s4], [sflag:$0x2] =	stream.indirect.gather [hbm4b:s3+s8], $0x80, s17, s8, $0xb8;
	[tilespmem:$0x8C00] =	vst v63  }
0x176: {  	_ =	swait.ge [sflag:s9], $0x4000  }
0x177: {  	[sflag:s9] =	ssyncset.done $0x0  }
0x178: {  	s0 =	rddreg [dreg:$0x14];
	[sflag:s9] =	ssyncadd.s32 $0xFFFFC000  }
0x179: {  	[hbm4b:s0+s2] =	stream.linear.scatter [tilespmem:s6], [sflag:$0x3], $0x4000, $0x38;
	[tilespmem:$0x8C00] =	vst v63  }
0x17a: {  	_ =	swait.ge [sflag:s5], $0x4000  }
0x17b: {  	[sflag:s5] =	ssyncset.done $0x0  }
0x17c: {  	[sflag:s5] =	ssyncadd.s32 $0xFFFFC000  }
0x17d: {  	[tilespmem:s6], [sflag:$0x1] =	stream.indirect.gather [hbm4b:s3+s8], $0x80, s16, s8, $0xb8;
	[tilespmem:$0x8C00] =	vst v63  }
0x17e: {  	_ =	swait.ge [sflag:s10], $0x4000  }
0x17f: {  	[sflag:s10] =	ssyncset.done $0x0  }
0x180: {  	s0 =	rddreg [dreg:$0x15];
	[sflag:s10] =	ssyncadd.s32 $0xFFFFC000  }
0x181: {  	[hbm4b:s0+s2] =	stream.linear.scatter [tilespmem:s4], [sflag:$0x4], $0x4000, $0x38;
	[tilespmem:$0x8C00] =	vst v63  }
0x182: {  	_ =	swait.ge [sflag:s7], $0x4000  }
0x183: {  	[sflag:s7] =	ssyncset.done $0x0  }
0x184: {  	[sflag:s7] =	ssyncadd.s32 $0xFFFFC000  }
0x185: {  	[tilespmem:s4], [sflag:$0x2] =	stream.indirect.gather [hbm4b:s3+s8], $0x80, s15, s8, $0xb8;
	[tilespmem:$0x8C00] =	vst v63  }
0x186: {  	_ =	swait.ge [sflag:s9], $0x4000  }
0x187: {  	[sflag:s9] =	ssyncset.done $0x0  }
0x188: {  	s0 =	rddreg [dreg:$0x16];
	[sflag:s9] =	ssyncadd.s32 $0xFFFFC000  }
0x189: {  	[hbm4b:s0+s2] =	stream.linear.scatter [tilespmem:s6], [sflag:$0x3], $0x4000, $0x38;
	[tilespmem:$0x8C00] =	vst v63  }
0x18a: {  	_ =	swait.ge [sflag:s5], $0x4000  }
0x18b: {  	[sflag:s5] =	ssyncset.done $0x0  }
0x18c: {  	[sflag:s5] =	ssyncadd.s32 $0xFFFFC000  }
0x18d: {  	[tilespmem:s6], [sflag:$0x1] =	stream.indirect.gather [hbm4b:s3+s8], $0x80, s14, s8, $0xb8;
	[tilespmem:$0x8C00] =	vst v63  }
0x18e: {  	_ =	swait.ge [sflag:s10], $0x4000  }
0x18f: {  	[sflag:s10] =	ssyncset.done $0x0  }
0x190: {  	s0 =	rddreg [dreg:$0x17];
	[sflag:s10] =	ssyncadd.s32 $0xFFFFC000  }
0x191: {  	[hbm4b:s0+s2] =	stream.linear.scatter [tilespmem:s4], [sflag:$0x4], $0x4000, $0x38;
	[tilespmem:$0x8C00] =	vst v63  }
0x192: {  	_ =	swait.ge [sflag:s7], $0x4000  }
0x193: {  	[sflag:s7] =	ssyncset.done $0x0  }
0x194: {  	[sflag:s7] =	ssyncadd.s32 $0xFFFFC000  }
0x195: {  	[tilespmem:s4], [sflag:$0x2] =	stream.indirect.gather [hbm4b:s3+s8], $0x80, s13, s8, $0xb8;
	[tilespmem:$0x8C00] =	vst v63  }
0x196: {  	_ =	swait.ge [sflag:s9], $0x4000  }
0x197: {  	[sflag:s9] =	ssyncset.done $0x0  }
0x198: {  	s0 =	rddreg [dreg:$0x18];
	[sflag:s9] =	ssyncadd.s32 $0xFFFFC000  }
0x199: {  	[hbm4b:s0+s2] =	stream.linear.scatter [tilespmem:s6], [sflag:$0x3], $0x4000, $0x38;
	[tilespmem:$0x8C00] =	vst v63  }
0x19a: {  	_ =	swait.ge [sflag:s5], $0x4000  }
0x19b: {  	[sflag:s5] =	ssyncset.done $0x0  }
0x19c: {  	[sflag:s5] =	ssyncadd.s32 $0xFFFFC000  }
0x19d: {  	[tilespmem:s6], [sflag:$0x1] =	stream.indirect.gather [hbm4b:s3+s8], $0x80, s12, s8, $0xb8;
	[tilespmem:$0x8C00] =	vst v63  }
0x19e: {  	_ =	swait.ge [sflag:s10], $0x4000  }
0x19f: {  	[sflag:s10] =	ssyncset.done $0x0  }
0x1a0: {  	s0 =	rddreg [dreg:$0x19];
	[sflag:s10] =	ssyncadd.s32 $0xFFFFC000  }
0x1a1: {  	[hbm4b:s0+s2] =	stream.linear.scatter [tilespmem:s4], [sflag:$0x4], $0x4000, $0x38;
	[tilespmem:$0x8C00] =	vst v63  }
0x1a2: {  	_ =	swait.ge [sflag:s7], $0x4000  }
0x1a3: {  	[sflag:s7] =	ssyncset.done $0x0  }
0x1a4: {  	[sflag:s7] =	ssyncadd.s32 $0xFFFFC000  }
0x1a5: {  	[tilespmem:s4], [sflag:$0x2] =	stream.indirect.gather [hbm4b:s3+s8], $0x80, s11, s8, $0xb8;
	[tilespmem:$0x8C00] =	vst v63  }
0x1a6: {  	_ =	swait.ge [sflag:s9], $0x4000  }
0x1a7: {  	[sflag:s9] =	ssyncset.done $0x0  }
0x1a8: {  	s0 =	rddreg [dreg:$0x1a];
	[sflag:s9] =	ssyncadd.s32 $0xFFFFC000  }
0x1a9: {  	[hbm4b:s0+s2] =	stream.linear.scatter [tilespmem:s6], [sflag:$0x3], $0x4000, $0x38;
	[tilespmem:$0x8C00] =	vst v63  }
0x1aa: {  	_ =	swait.ge [sflag:s10], $0x4000  }
0x1ab: {  	[sflag:s10] =	ssyncset.done $0x0  }
0x1ac: {  	p1 =	sne.s32 s1, $0x1;
	s0 =	rddreg [dreg:$0x1b];
	[sflag:s10] =	ssyncadd.s32 $0xFFFFC000  }
0x1ad: {  	[hbm4b:s0+s2] =	stream.linear.scatter [tilespmem:s4], [sflag:$0x4], $0x4000, $0x38;
	[tilespmem:$0x8C00] =	vst v63  }
.Ltmp2:
0x1ae: {  	_ =	swait.ge [sflag:s5], $0x4000;
	(pc) =	sbr.rel @p1 .LBB2_2-.Ltmp2, $4  }
0x1af: {  	[sflag:s5] =	ssyncset.done $0x0  }
0x1b0: {  	[sflag:s5] =	ssyncadd.s32 $0xFFFFC000  }
0x1b1: {  	_ =	swait.ge [sflag:s7], $0x4000  }
0x1b2: {  	s1 =	sadd.s32 $0xFFFFFFFF, s1;
	s0 =	rddreg [dreg:$0x4];
	[sflag:s7] =	ssyncset.done $0x0  }
.LBB2_3:
0x1b3: {  	[sflag:s7] =	ssyncadd.s32 @p0 $0xFFFFC000  }
0x1b4: {  	[tilespmem:s2], [sflag:$0x5] =	stream.linear.gather [hbm4b:s0+s2], $0xC00, $0x38;
	[tilespmem:$0x8C00] =	vst v63  }
0x1b5: {  	_ =	swait.ge [sflag:s31], $0xC00  }
0x1b6: {  	[sflag:s31] =	ssyncset.done $0x0  }
0x1b7: {  	[sflag:s31] =	ssyncadd.s32 $0xFFFFF400  }
0x1b8: {  	[tilespmem:s6], [sflag:$0x1] =	stream.indirect.gather [hbm4b:s3+s8], $0x80, s2, s8, $0xb8;
	[tilespmem:$0x8C00] =	vst v63  }
0x1b9: {  	_ = 	snop  }
0x1ba: {  	[tilespmem:s4], [sflag:$0x2] =	stream.indirect.gather [hbm4b:s3+s8], $0x80, s8, s8, $0xb8;
	[tilespmem:$0x8C00] =	vst v63  }
0x1bb: {  	_ =	swait.ge [sflag:s9], $0x4000  }
0x1bc: {  	[sflag:s9] =	ssyncset.done $0x0  }
0x1bd: {  	[sflag:s9] =	ssyncadd.s32 $0xFFFFC000  }
0x1be: {  	[hbm4b:s25+s2] =	stream.linear.scatter [tilespmem:s6], [sflag:$0x3], $0x4000, $0x38;
	[tilespmem:$0x8C00] =	vst v63  }
0x1bf: {  	_ =	swait.ge [sflag:s5], $0x4000  }
0x1c0: {  	[sflag:s5] =	ssyncset.done $0x0  }
0x1c1: {  	s1 =	rddreg [dreg:$0x1c];
	[sflag:s5] =	ssyncadd.s32 $0xFFFFC000  }
0x1c2: {  	[tilespmem:s6], [sflag:$0x1] =	stream.indirect.gather [hbm4b:s3+s8], $0x80, s1, s8, $0xb8;
	[tilespmem:$0x8C00] =	vst v63  }
0x1c3: {  	_ =	swait.ge [sflag:s10], $0x4000  }
0x1c4: {  	[sflag:s10] =	ssyncset.done $0x0  }
0x1c5: {  	s25 =	rddreg [dreg:$0x5];
	[sflag:s10] =	ssyncadd.s32 $0xFFFFC000  }
0x1c6: {  	[hbm4b:s25+s2] =	stream.linear.scatter [tilespmem:s4], [sflag:$0x4], $0x4000, $0x38;
	[tilespmem:$0x8C00] =	vst v63  }
0x1c7: {  	_ =	swait.ge [sflag:s7], $0x4000  }
0x1c8: {  	[sflag:s7] =	ssyncset.done $0x0  }
0x1c9: {  	s31 =	rddreg [dreg:$0x1d];
	[sflag:s7] =	ssyncadd.s32 $0xFFFFC000  }
0x1ca: {  	[tilespmem:s4], [sflag:$0x2] =	stream.indirect.gather [hbm4b:s3+s8], $0x80, s31, s8, $0xb8;
	[tilespmem:$0x8C00] =	vst v63  }
0x1cb: {  	_ =	swait.ge [sflag:s9], $0x4000  }
0x1cc: {  	[sflag:s9] =	ssyncset.done $0x0  }
0x1cd: {  	s1 =	rddreg [dreg:$0x6];
	[sflag:s9] =	ssyncadd.s32 $0xFFFFC000  }
0x1ce: {  	[hbm4b:s1+s2] =	stream.linear.scatter [tilespmem:s6], [sflag:$0x3], $0x4000, $0x38;
	[tilespmem:$0x8C00] =	vst v63  }
0x1cf: {  	_ =	swait.ge [sflag:s5], $0x4000  }
0x1d0: {  	[sflag:s5] =	ssyncset.done $0x0  }
0x1d1: {  	s25 =	rddreg [dreg:$0x1e];
	[sflag:s5] =	ssyncadd.s32 $0xFFFFC000  }
0x1d2: {  	[tilespmem:s6], [sflag:$0x1] =	stream.indirect.gather [hbm4b:s3+s8], $0x80, s25, s8, $0xb8;
	[tilespmem:$0x8C00] =	vst v63  }
0x1d3: {  	_ =	swait.ge [sflag:s10], $0x4000  }
0x1d4: {  	[sflag:s10] =	ssyncset.done $0x0  }
0x1d5: {  	s31 =	rddreg [dreg:$0x7];
	[sflag:s10] =	ssyncadd.s32 $0xFFFFC000  }
0x1d6: {  	[hbm4b:s31+s2] =	stream.linear.scatter [tilespmem:s4], [sflag:$0x4], $0x4000, $0x38;
	[tilespmem:$0x8C00] =	vst v63  }
0x1d7: {  	_ =	swait.ge [sflag:s7], $0x4000  }
0x1d8: {  	[sflag:s7] =	ssyncset.done $0x0  }
0x1d9: {  	s1 =	rddreg [dreg:$0x1f];
	[sflag:s7] =	ssyncadd.s32 $0xFFFFC000  }
0x1da: {  	[tilespmem:s4], [sflag:$0x2] =	stream.indirect.gather [hbm4b:s3+s8], $0x80, s1, s8, $0xb8;
	[tilespmem:$0x8C00] =	vst v63  }
0x1db: {  	_ =	swait.ge [sflag:s9], $0x4000  }
0x1dc: {  	[sflag:s9] =	ssyncset.done $0x0  }
0x1dd: {  	s25 =	rddreg [dreg:$0x8];
	[sflag:s9] =	ssyncadd.s32 $0xFFFFC000  }
0x1de: {  	[hbm4b:s25+s2] =	stream.linear.scatter [tilespmem:s6], [sflag:$0x3], $0x4000, $0x38;
	[tilespmem:$0x8C00] =	vst v63  }
0x1df: {  	_ =	swait.ge [sflag:s5], $0x4000  }
0x1e0: {  	[sflag:s5] =	ssyncset.done $0x0  }
0x1e1: {  	[sflag:s5] =	ssyncadd.s32 $0xFFFFC000  }
0x1e2: {  	[tilespmem:s6], [sflag:$0x1] =	stream.indirect.gather [hbm4b:s3+s8], $0x80, s30, s8, $0xb8;
	[tilespmem:$0x8C00] =	vst v63  }
0x1e3: {  	_ =	swait.ge [sflag:s10], $0x4000  }
0x1e4: {  	[sflag:s10] =	ssyncset.done $0x0  }
0x1e5: {  	s31 =	rddreg [dreg:$0x9];
	[sflag:s10] =	ssyncadd.s32 $0xFFFFC000  }
0x1e6: {  	[hbm4b:s31+s2] =	stream.linear.scatter [tilespmem:s4], [sflag:$0x4], $0x4000, $0x38;
	[tilespmem:$0x8C00] =	vst v63  }
0x1e7: {  	_ =	swait.ge [sflag:s7], $0x4000  }
0x1e8: {  	[sflag:s7] =	ssyncset.done $0x0  }
0x1e9: {  	[sflag:s7] =	ssyncadd.s32 $0xFFFFC000  }
0x1ea: {  	[tilespmem:s4], [sflag:$0x2] =	stream.indirect.gather [hbm4b:s3+s8], $0x80, s29, s8, $0xb8;
	[tilespmem:$0x8C00] =	vst v63  }
0x1eb: {  	_ =	swait.ge [sflag:s9], $0x4000  }
0x1ec: {  	[sflag:s9] =	ssyncset.done $0x0  }
0x1ed: {  	s1 =	rddreg [dreg:$0xa];
	[sflag:s9] =	ssyncadd.s32 $0xFFFFC000  }
0x1ee: {  	[hbm4b:s1+s2] =	stream.linear.scatter [tilespmem:s6], [sflag:$0x3], $0x4000, $0x38;
	[tilespmem:$0x8C00] =	vst v63  }
0x1ef: {  	_ =	swait.ge [sflag:s5], $0x4000  }
0x1f0: {  	[sflag:s5] =	ssyncset.done $0x0  }
0x1f1: {  	[sflag:s5] =	ssyncadd.s32 $0xFFFFC000  }
0x1f2: {  	[tilespmem:s6], [sflag:$0x1] =	stream.indirect.gather [hbm4b:s3+s8], $0x80, s28, s8, $0xb8;
	[tilespmem:$0x8C00] =	vst v63  }
0x1f3: {  	_ =	swait.ge [sflag:s10], $0x4000  }
0x1f4: {  	[sflag:s10] =	ssyncset.done $0x0  }
0x1f5: {  	s25 =	rddreg [dreg:$0xb];
	[sflag:s10] =	ssyncadd.s32 $0xFFFFC000  }
0x1f6: {  	[hbm4b:s25+s2] =	stream.linear.scatter [tilespmem:s4], [sflag:$0x4], $0x4000, $0x38;
	[tilespmem:$0x8C00] =	vst v63  }
0x1f7: {  	_ =	swait.ge [sflag:s7], $0x4000  }
0x1f8: {  	[sflag:s7] =	ssyncset.done $0x0  }
0x1f9: {  	[sflag:s7] =	ssyncadd.s32 $0xFFFFC000  }
0x1fa: {  	[tilespmem:s4], [sflag:$0x2] =	stream.indirect.gather [hbm4b:s3+s8], $0x80, s26, s8, $0xb8;
	[tilespmem:$0x8C00] =	vst v63  }
0x1fb: {  	_ =	swait.ge [sflag:s9], $0x4000  }
0x1fc: {  	[sflag:s9] =	ssyncset.done $0x0  }
0x1fd: {  	s26 =	rddreg [dreg:$0xc];
	[sflag:s9] =	ssyncadd.s32 $0xFFFFC000  }
0x1fe: {  	[hbm4b:s26+s2] =	stream.linear.scatter [tilespmem:s6], [sflag:$0x3], $0x4000, $0x38;
	[tilespmem:$0x8C00] =	vst v63  }
0x1ff: {  	_ =	swait.ge [sflag:s5], $0x4000  }
0x200: {  	[sflag:s5] =	ssyncset.done $0x0  }
0x201: {  	[sflag:s5] =	ssyncadd.s32 $0xFFFFC000  }
0x202: {  	[tilespmem:s6], [sflag:$0x1] =	stream.indirect.gather [hbm4b:s3+s8], $0x80, s24, s8, $0xb8;
	[tilespmem:$0x8C00] =	vst v63  }
0x203: {  	_ =	swait.ge [sflag:s10], $0x4000  }
0x204: {  	[sflag:s10] =	ssyncset.done $0x0  }
0x205: {  	s28 =	rddreg [dreg:$0xd];
	[sflag:s10] =	ssyncadd.s32 $0xFFFFC000  }
0x206: {  	[hbm4b:s28+s2] =	stream.linear.scatter [tilespmem:s4], [sflag:$0x4], $0x4000, $0x38;
	[tilespmem:$0x8C00] =	vst v63  }
0x207: {  	_ =	swait.ge [sflag:s7], $0x4000  }
0x208: {  	[sflag:s7] =	ssyncset.done $0x0  }
0x209: {  	[sflag:s7] =	ssyncadd.s32 $0xFFFFC000  }
0x20a: {  	[tilespmem:s4], [sflag:$0x2] =	stream.indirect.gather [hbm4b:s3+s8], $0x80, s23, s8, $0xb8;
	[tilespmem:$0x8C00] =	vst v63  }
0x20b: {  	_ =	swait.ge [sflag:s9], $0x4000  }
0x20c: {  	[sflag:s9] =	ssyncset.done $0x0  }
0x20d: {  	s29 =	rddreg [dreg:$0xe];
	[sflag:s9] =	ssyncadd.s32 $0xFFFFC000  }
0x20e: {  	[hbm4b:s29+s2] =	stream.linear.scatter [tilespmem:s6], [sflag:$0x3], $0x4000, $0x38;
	[tilespmem:$0x8C00] =	vst v63  }
0x20f: {  	_ =	swait.ge [sflag:s5], $0x4000  }
0x210: {  	[sflag:s5] =	ssyncset.done $0x0  }
0x211: {  	[sflag:s5] =	ssyncadd.s32 $0xFFFFC000  }
0x212: {  	[tilespmem:s6], [sflag:$0x1] =	stream.indirect.gather [hbm4b:s3+s8], $0x80, s22, s8, $0xb8;
	[tilespmem:$0x8C00] =	vst v63  }
0x213: {  	_ =	swait.ge [sflag:s10], $0x4000  }
0x214: {  	[sflag:s10] =	ssyncset.done $0x0  }
0x215: {  	s30 =	rddreg [dreg:$0xf];
	[sflag:s10] =	ssyncadd.s32 $0xFFFFC000  }
0x216: {  	[hbm4b:s30+s2] =	stream.linear.scatter [tilespmem:s4], [sflag:$0x4], $0x4000, $0x38;
	[tilespmem:$0x8C00] =	vst v63  }
0x217: {  	_ =	swait.ge [sflag:s7], $0x4000  }
0x218: {  	[sflag:s7] =	ssyncset.done $0x0  }
0x219: {  	[sflag:s7] =	ssyncadd.s32 $0xFFFFC000  }
0x21a: {  	[tilespmem:s4], [sflag:$0x2] =	stream.indirect.gather [hbm4b:s3+s8], $0x80, s21, s8, $0xb8;
	[tilespmem:$0x8C00] =	vst v63  }
0x21b: {  	_ =	swait.ge [sflag:s9], $0x4000  }
0x21c: {  	[sflag:s9] =	ssyncset.done $0x0  }
0x21d: {  	s31 =	rddreg [dreg:$0x10];
	[sflag:s9] =	ssyncadd.s32 $0xFFFFC000  }
0x21e: {  	[hbm4b:s31+s2] =	stream.linear.scatter [tilespmem:s6], [sflag:$0x3], $0x4000, $0x38;
	[tilespmem:$0x8C00] =	vst v63  }
0x21f: {  	_ =	swait.ge [sflag:s5], $0x4000  }
0x220: {  	[sflag:s5] =	ssyncset.done $0x0  }
0x221: {  	[sflag:s5] =	ssyncadd.s32 $0xFFFFC000  }
0x222: {  	[tilespmem:s6], [sflag:$0x1] =	stream.indirect.gather [hbm4b:s3+s8], $0x80, s20, s8, $0xb8;
	[tilespmem:$0x8C00] =	vst v63  }
0x223: {  	_ =	swait.ge [sflag:s10], $0x4000  }
0x224: {  	[sflag:s10] =	ssyncset.done $0x0  }
0x225: {  	s1 =	rddreg [dreg:$0x11];
	[sflag:s10] =	ssyncadd.s32 $0xFFFFC000  }
0x226: {  	[hbm4b:s1+s2] =	stream.linear.scatter [tilespmem:s4], [sflag:$0x4], $0x4000, $0x38;
	[tilespmem:$0x8C00] =	vst v63  }
0x227: {  	_ =	swait.ge [sflag:s7], $0x4000  }
0x228: {  	[sflag:s7] =	ssyncset.done $0x0  }
0x229: {  	[sflag:s7] =	ssyncadd.s32 $0xFFFFC000  }
0x22a: {  	[tilespmem:s4], [sflag:$0x2] =	stream.indirect.gather [hbm4b:s3+s8], $0x80, s19, s8, $0xb8;
	[tilespmem:$0x8C00] =	vst v63  }
0x22b: {  	_ =	swait.ge [sflag:s9], $0x4000  }
0x22c: {  	[sflag:s9] =	ssyncset.done $0x0  }
0x22d: {  	s20 =	rddreg [dreg:$0x12];
	[sflag:s9] =	ssyncadd.s32 $0xFFFFC000  }
0x22e: {  	[hbm4b:s20+s2] =	stream.linear.scatter [tilespmem:s6], [sflag:$0x3], $0x4000, $0x38;
	[tilespmem:$0x8C00] =	vst v63  }
0x22f: {  	_ =	swait.ge [sflag:s5], $0x4000  }
0x230: {  	[sflag:s5] =	ssyncset.done $0x0  }
0x231: {  	[sflag:s5] =	ssyncadd.s32 $0xFFFFC000  }
0x232: {  	[tilespmem:s6], [sflag:$0x1] =	stream.indirect.gather [hbm4b:s3+s8], $0x80, s18, s8, $0xb8;
	[tilespmem:$0x8C00] =	vst v63  }
0x233: {  	_ =	swait.ge [sflag:s10], $0x4000  }
0x234: {  	[sflag:s10] =	ssyncset.done $0x0  }
0x235: {  	s21 =	rddreg [dreg:$0x13];
	[sflag:s10] =	ssyncadd.s32 $0xFFFFC000  }
0x236: {  	[hbm4b:s21+s2] =	stream.linear.scatter [tilespmem:s4], [sflag:$0x4], $0x4000, $0x38;
	[tilespmem:$0x8C00] =	vst v63  }
0x237: {  	_ =	swait.ge [sflag:s7], $0x4000  }
0x238: {  	[sflag:s7] =	ssyncset.done $0x0  }
0x239: {  	[sflag:s7] =	ssyncadd.s32 $0xFFFFC000  }
0x23a: {  	[tilespmem:s4], [sflag:$0x2] =	stream.indirect.gather [hbm4b:s3+s8], $0x80, s17, s8, $0xb8;
	[tilespmem:$0x8C00] =	vst v63  }
0x23b: {  	_ =	swait.ge [sflag:s9], $0x4000  }
0x23c: {  	[sflag:s9] =	ssyncset.done $0x0  }
0x23d: {  	s22 =	rddreg [dreg:$0x14];
	[sflag:s9] =	ssyncadd.s32 $0xFFFFC000  }
0x23e: {  	[hbm4b:s22+s2] =	stream.linear.scatter [tilespmem:s6], [sflag:$0x3], $0x4000, $0x38;
	[tilespmem:$0x8C00] =	vst v63  }
0x23f: {  	_ =	swait.ge [sflag:s5], $0x4000  }
0x240: {  	[sflag:s5] =	ssyncset.done $0x0  }
0x241: {  	[sflag:s5] =	ssyncadd.s32 $0xFFFFC000  }
0x242: {  	[tilespmem:s6], [sflag:$0x1] =	stream.indirect.gather [hbm4b:s3+s8], $0x80, s16, s8, $0xb8;
	[tilespmem:$0x8C00] =	vst v63  }
0x243: {  	_ =	swait.ge [sflag:s10], $0x4000  }
0x244: {  	[sflag:s10] =	ssyncset.done $0x0  }
0x245: {  	s23 =	rddreg [dreg:$0x15];
	[sflag:s10] =	ssyncadd.s32 $0xFFFFC000  }
0x246: {  	[hbm4b:s23+s2] =	stream.linear.scatter [tilespmem:s4], [sflag:$0x4], $0x4000, $0x38;
	[tilespmem:$0x8C00] =	vst v63  }
0x247: {  	_ =	swait.ge [sflag:s7], $0x4000  }
0x248: {  	[sflag:s7] =	ssyncset.done $0x0  }
0x249: {  	[sflag:s7] =	ssyncadd.s32 $0xFFFFC000  }
0x24a: {  	[tilespmem:s4], [sflag:$0x2] =	stream.indirect.gather [hbm4b:s3+s8], $0x80, s15, s8, $0xb8;
	[tilespmem:$0x8C00] =	vst v63  }
0x24b: {  	_ =	swait.ge [sflag:s9], $0x4000  }
0x24c: {  	[sflag:s9] =	ssyncset.done $0x0  }
0x24d: {  	s24 =	rddreg [dreg:$0x16];
	[sflag:s9] =	ssyncadd.s32 $0xFFFFC000  }
0x24e: {  	[hbm4b:s24+s2] =	stream.linear.scatter [tilespmem:s6], [sflag:$0x3], $0x4000, $0x38;
	[tilespmem:$0x8C00] =	vst v63  }
0x24f: {  	_ =	swait.ge [sflag:s5], $0x4000  }
0x250: {  	[sflag:s5] =	ssyncset.done $0x0  }
0x251: {  	[sflag:s5] =	ssyncadd.s32 $0xFFFFC000  }
0x252: {  	[tilespmem:s6], [sflag:$0x1] =	stream.indirect.gather [hbm4b:s3+s8], $0x80, s14, s8, $0xb8;
	[tilespmem:$0x8C00] =	vst v63  }
0x253: {  	_ =	swait.ge [sflag:s10], $0x4000  }
0x254: {  	[sflag:s10] =	ssyncset.done $0x0  }
0x255: {  	s25 =	rddreg [dreg:$0x17];
	[sflag:s10] =	ssyncadd.s32 $0xFFFFC000  }
0x256: {  	[hbm4b:s25+s2] =	stream.linear.scatter [tilespmem:s4], [sflag:$0x4], $0x4000, $0x38;
	[tilespmem:$0x8C00] =	vst v63  }
0x257: {  	_ =	swait.ge [sflag:s7], $0x4000  }
0x258: {  	[sflag:s7] =	ssyncset.done $0x0  }
0x259: {  	[sflag:s7] =	ssyncadd.s32 $0xFFFFC000  }
0x25a: {  	[tilespmem:s4], [sflag:$0x2] =	stream.indirect.gather [hbm4b:s3+s8], $0x80, s13, s8, $0xb8;
	[tilespmem:$0x8C00] =	vst v63  }
0x25b: {  	_ =	swait.ge [sflag:s9], $0x4000  }
0x25c: {  	[sflag:s9] =	ssyncset.done $0x0  }
0x25d: {  	s26 =	rddreg [dreg:$0x18];
	[sflag:s9] =	ssyncadd.s32 $0xFFFFC000  }
0x25e: {  	[hbm4b:s26+s2] =	stream.linear.scatter [tilespmem:s6], [sflag:$0x3], $0x4000, $0x38;
	[tilespmem:$0x8C00] =	vst v63  }
0x25f: {  	_ =	swait.ge [sflag:s5], $0x4000  }
0x260: {  	[sflag:s5] =	ssyncset.done $0x0  }
0x261: {  	[sflag:s5] =	ssyncadd.s32 $0xFFFFC000  }
0x262: {  	[tilespmem:s6], [sflag:$0x1] =	stream.indirect.gather [hbm4b:s3+s8], $0x80, s12, s8, $0xb8;
	[tilespmem:$0x8C00] =	vst v63  }
0x263: {  	_ =	swait.ge [sflag:s10], $0x4000  }
0x264: {  	[sflag:s10] =	ssyncset.done $0x0  }
0x265: {  	s28 =	rddreg [dreg:$0x19];
	[sflag:s10] =	ssyncadd.s32 $0xFFFFC000  }
0x266: {  	[hbm4b:s28+s2] =	stream.linear.scatter [tilespmem:s4], [sflag:$0x4], $0x4000, $0x38;
	[tilespmem:$0x8C00] =	vst v63  }
0x267: {  	_ =	swait.ge [sflag:s7], $0x4000  }
0x268: {  	[sflag:s7] =	ssyncset.done $0x0  }
0x269: {  	[sflag:s7] =	ssyncadd.s32 $0xFFFFC000  }
0x26a: {  	[tilespmem:s4], [sflag:$0x2] =	stream.indirect.gather [hbm4b:s3+s8], $0x80, s11, s8, $0xb8;
	[tilespmem:$0x8C00] =	vst v63  }
0x26b: {  	_ =	swait.ge [sflag:s9], $0x4000  }
0x26c: {  	[sflag:s9] =	ssyncset.done $0x0  }
0x26d: {  	s29 =	rddreg [dreg:$0x1a];
	[sflag:s9] =	ssyncadd.s32 $0xFFFFC000  }
0x26e: {  	[hbm4b:s29+s2] =	stream.linear.scatter [tilespmem:s6], [sflag:$0x3], $0x4000, $0x38;
	[tilespmem:$0x8C00] =	vst v63  }
0x26f: {  	_ =	swait.ge [sflag:s10], $0x4000  }
0x270: {  	[sflag:s10] =	ssyncset.done $0x0  }
0x271: {  	s30 =	rddreg [dreg:$0x1b];
	[sflag:s10] =	ssyncadd.s32 $0xFFFFC000  }
0x272: {  	[hbm4b:s30+s2] =	stream.linear.scatter [tilespmem:s4], [sflag:$0x4], $0x4000, $0x38;
	[tilespmem:$0x8C00] =	vst v63  }
0x273: {  	_ =	swait.ge [sflag:s5], $0x4000  }
0x274: {  	[sflag:s5] =	ssyncset.done $0x0  }
0x275: {  	[sflag:s5] =	ssyncadd.s32 $0xFFFFC000  }
0x276: {  	_ =	swait.ge [sflag:s7], $0x4000  }
0x277: {  	[sflag:s7] =	ssyncset.done $0x0  }
0x278: {  	[sflag:s7] =	ssyncadd.s32 $0xFFFFC000  }
0x279: {  	_ =	sfence.sel $0x180000  }
0x27a: {  	[bflag:$0x0] =	sbarrier.arrive $0xFFFF  }
0x27b: {  	_ =	strace $0x90000047  }
0x27c: {  	s31 =	stileid.u32;
	[bflag:$0x2] =	sbarrier.arrive $0xFFFF  }
0x27d: {  	p0 =	sne.s32 s31, $0x0;
	s0 =	rddreg [dreg:$0x3]  }
0x27e: {  	s0 =	sadd.s32 @!p0 $0x100000, s0  }
0x27f: {  	[sflag:s0] =	ssyncadd.tile.s32 @!p0 $0x1;
	_ =	shalt  }
.Lfunc_end2:
_tile_overlayer_lowered:
.L_overlay_start_2:
0x280: {  	(tag) =	ssettag $0x2  }
0x281: {  	s0 =	rddreg [dreg:$0x0];
	s2 =	stileid.u32  }
0x282: {  	s1 =	rddreg [dreg:$0x1];
	p0 =	sne.s32 s2, $0x0  }
0x283: {  	s3 =	rddreg [dreg:$0x2];
	[bflag:$0x3] =	sbarrier.arrive $0xFFFF;
	s2 =	simm.s32 @!p0 $0x1C05  }
0x284: {  	[timem:s3], [sflag:s2] =	dma.local @!p0 [hbm:s0], s1  }
0x285: {  	s0 =	simm.s32 @!p0 $0x5  }
0x286: {  	_ =	swait.ge @!p0 [sflag:s0], s1  }
0x287: {  	s1 =	ssub.s32 @!p0 $0x0, s1;
	[sflag:s0] =	ssyncset.done @!p0 $0x0  }
0x288: {  	[sflag:s0] =	ssyncadd.s32 @!p0 s1  }
0x289: {  	[bflag:$0x3] =	sbarrier.arrive $0xFFFF  }
0x28a: {  	_ =	shalt  }

</sc_bundles>
